<compile_context>
chip_gen: v7x
topology: tpu7x:2x2x1
jax: 0.10.2.dev20260603
libtpu: 0.0.44.dev20260713+nightly
codegen_flags: <defaults>
</compile_context>

<pallas_src>
import functools

import jax
import jax.numpy as jnp
from jax import lax
from jax.experimental import pallas as pl
from jax.experimental.pallas import tpu as pltpu
from jax.experimental.pallas import tpu_sc as plsc

N = 10000
E = 320000
D = 128
R = 8
NPAD = 10240
NC = 2
NS = 16
NW = NC * NS
EC = E // NW
K = 40
NBLK = EC // K
ROWS_W = NPAD // NW
STRIPE = NPAD // NS
BN = 512
ZR = NPAD // 16
ZSTRIPE = ZR // NS

_mesh = plsc.VectorSubcoreMesh(
    core_axis_name="c", subcore_axis_name="s", num_cores=NC, num_subcores=NS)


@functools.partial(
    pl.kernel,
    out_type=jax.ShapeDtypeStruct((NPAD, D), jnp.float32),
    mesh=_mesh,
    compiler_params=pltpu.CompilerParams(needs_layout_passes=False),
    scratch_types=[
        pltpu.VMEM((ROWS_W,), jnp.int32),
        pltpu.VMEM((ROWS_W, D), jnp.float32),
        pltpu.SemaphoreType.DMA,
    ],
)
def _gather_h(ids_hbm, tab_hbm, out_hbm, idx_v, rows_v, sem):
    w = lax.axis_index("s") * NC + lax.axis_index("c")
    base = w * ROWS_W
    pltpu.sync_copy(ids_hbm.at[pl.ds(base, ROWS_W)], idx_v)
    pltpu.async_copy(tab_hbm.at[idx_v], rows_v, sem).wait()
    pltpu.sync_copy(rows_v, out_hbm.at[pl.ds(base, ROWS_W)])


def _prep_body(h_ref, w_ref, e_ref, a_ref, t_ref):
    a = jnp.dot(h_ref[...], w_ref[0], preferred_element_type=jnp.float32)
    a_ref[0] = a
    er = e_ref[pl.program_id(0), :]
    t_ref[0] = jnp.tanh(a + er[None, :])


_prep = pl.pallas_call(
    _prep_body,
    grid=(R, NPAD // BN),
    in_specs=[
        pl.BlockSpec((BN, D), lambda r, nb: (nb, 0)),
        pl.BlockSpec((1, D, D), lambda r, nb: (r, 0, 0)),
        pl.BlockSpec((R, D), lambda r, nb: (0, 0)),
    ],
    out_specs=[
        pl.BlockSpec((1, BN, D), lambda r, nb: (r, nb, 0)),
        pl.BlockSpec((1, BN, D), lambda r, nb: (r, nb, 0)),
    ],
    out_shape=[
        jax.ShapeDtypeStruct((R, NPAD, D), jnp.float32),
        jax.ShapeDtypeStruct((R, NPAD, D), jnp.float32),
    ],
)


_GOFFS = tuple(range(0, K - 15, 16)) + ((K - 16,) if K % 16 else ())


@functools.partial(
    pl.kernel,
    out_type=(
        jax.ShapeDtypeStruct((NC, NPAD, D), jnp.float32),
        jax.ShapeDtypeStruct((NC, ZR, 16), jnp.float32),
    ),
    mesh=_mesh,
    compiler_params=pltpu.CompilerParams(needs_layout_passes=False),
    scratch_types=[
        pltpu.VMEM((2, 3 * K), jnp.int32),
        pltpu.VMEM((K,), jnp.int32),
        pltpu.VMEM((K,), jnp.int32),
        pltpu.VMEM((K,), jnp.int32),
        pltpu.VMEM((K,), jnp.int32),
        pltpu.VMEM((K,), jnp.int32),
        pltpu.VMEM((K,), jnp.int32),
        pltpu.VMEM((K,), jnp.int32),
        pltpu.VMEM((K,), jnp.int32),
        pltpu.VMEM((K,), jnp.int32),
        pltpu.VMEM((K,), jnp.int32),
        pltpu.VMEM((2, K + 16), jnp.int32),
        pltpu.VMEM((2, K, D), jnp.float32),
        pltpu.VMEM((2, K, D), jnp.float32),
        pltpu.VMEM((2, K, D), jnp.float32),
        pltpu.VMEM((2, K, 16), jnp.float32),
        pltpu.VMEM_SHARED((NPAD, D), jnp.float32),
        pltpu.VMEM_SHARED((ZR, 16), jnp.float32),
        pltpu.SemaphoreType.DMA,
        pltpu.SemaphoreType.DMA,
        pltpu.SemaphoreType.DMA,
        pltpu.SemaphoreType.DMA,
    ],
)
def _edge_pass(idx3_hbm, a_hbm, t_hbm, h_hbm, zu_hbm, zz_hbm,
               u_out, z_out, idxp, ia0, ia1, ib0, ib1, sc0, sc1, dc0, dc1,
               zi0, zi1, dmod_b, rows_a, rows_t, rows_h, zrows,
               usm, zsm, isem, gsem0, gsem1, ssem):
    ia_b = (ia0, ia1)
    ib_b = (ib0, ib1)
    srcc = (sc0, sc1)
    dstc = (dc0, dc1)
    zi_b = (zi0, zi1)
    c = lax.axis_index("c")
    s = lax.axis_index("s")
    w = s * NC + c
    base = w * NBLK * 3 * K
    gsems = (gsem0, gsem1)

    pltpu.sync_copy(zu_hbm, usm.at[pl.ds(s * STRIPE, STRIPE)])
    pltpu.sync_copy(zz_hbm, zsm.at[pl.ds(s * ZSTRIPE, ZSTRIPE)])
    plsc.subcore_barrier()

    def compose(p):
        for o in _GOFFS:
            sl = pl.ds(o, 16)
            srcv = idxp[p, pl.ds(o, 16)]
            dstv = idxp[p, pl.ds(K + o, 16)]
            rj = idxp[p, pl.ds(2 * K + o, 16)] * NPAD
            ia_b[p][sl] = rj + srcv
            ib_b[p][sl] = rj + dstv
            srcc[p][sl] = srcv
            dstc[p][sl] = dstv
            zi_b[p][sl] = lax.shift_right_logical(dstv, 4)
            dmod_b[p, sl] = dstv & 15

    def fire_gathers(p):
        pltpu.async_copy(a_hbm.at[ia_b[p]], rows_a.at[p], gsems[p])
        pltpu.async_copy(t_hbm.at[ib_b[p]], rows_t.at[p], gsems[p])
        pltpu.async_copy(h_hbm.at[srcc[p]], rows_h.at[p], gsems[p])

    def wait_gathers(p):
        pltpu.make_async_copy(a_hbm.at[ia_b[p]], rows_a.at[p], gsems[p]).wait()
        pltpu.make_async_copy(t_hbm.at[ib_b[p]], rows_t.at[p], gsems[p]).wait()
        pltpu.make_async_copy(h_hbm.at[srcc[p]], rows_h.at[p], gsems[p]).wait()

    def fire_scatters(p):
        pltpu.async_copy(rows_h.at[p], usm.at[dstc[p]], ssem, add=True)
        pltpu.async_copy(zrows.at[p], zsm.at[zi_b[p]], ssem, add=True)

    def wait_scatters(p):
        pltpu.make_async_copy(rows_h.at[p], usm.at[dstc[p]], ssem).wait()
        pltpu.make_async_copy(zrows.at[p], zsm.at[zi_b[p]], ssem).wait()

    lanes = lax.iota(jnp.int32, 16)

    def compute(p):
        def edge_body(e, _):
            acc = rows_a[p, e, pl.ds(0, 16)] * rows_t[p, e, pl.ds(0, 16)]
            for j in range(1, D // 16):
                sl = pl.ds(j * 16, 16)
                acc = acc + rows_a[p, e, sl] * rows_t[p, e, sl]
            att = jnp.sum(acc)
            pv = jnp.exp(jnp.full((16,), att, jnp.float32))
            for j in range(D // 16):
                sl = pl.ds(j * 16, 16)
                rows_h[p, e, sl] = rows_h[p, e, sl] * pv
            dlane = dmod_b[p, pl.ds(e, 16)][0]
            zrows[p, e, :] = jnp.where(lanes == dlane, pv, 0.0)
            return 0

        lax.fori_loop(0, K, edge_body, 0)

    pltpu.sync_copy(idx3_hbm.at[pl.ds(base, 3 * K)], idxp.at[0])
    compose(0)
    fire_gathers(0)
    pltpu.async_copy(idx3_hbm.at[pl.ds(base + 3 * K, 3 * K)], idxp.at[1], isem)

    def pair(i, carry):
        for p in (0, 1):
            b = 2 * i + p
            pn = 1 - p

            @pl.when(b > 0)
            def _():
                wait_scatters(pn)

            @pl.when(b + 1 < NBLK)
            def _():
                pltpu.make_async_copy(
                    idx3_hbm.at[pl.ds(base, 3 * K)], idxp.at[pn], isem).wait()
                compose(pn)

                @pl.when(b + 2 < NBLK)
                def _():
                    pltpu.async_copy(
                        idx3_hbm.at[pl.ds(base + (b + 2) * 3 * K, 3 * K)],
                        idxp.at[p], isem)

                fire_gathers(pn)

            wait_gathers(p)
            compute(p)
            fire_scatters(p)
        return carry

    lax.fori_loop(0, NBLK // 2, pair, 0)
    wait_scatters(1)
    plsc.subcore_barrier()

    row = s * STRIPE
    pltpu.sync_copy(usm.at[pl.ds(row, STRIPE)], u_out.at[c, pl.ds(row, STRIPE)])
    zrow = s * ZSTRIPE
    pltpu.sync_copy(zsm.at[pl.ds(zrow, ZSTRIPE)], z_out.at[c, pl.ds(zrow, ZSTRIPE)])


def _post_body(h_ref, u_ref, z_ref, w1_ref, w2_ref, out_ref, hnb_ref):
    u = u_ref[0] + u_ref[1]
    z = z_ref[0] + z_ref[1]
    hn = jnp.where(z > 0.0, u / z, 0.0)
    h = h_ref[...]
    x1 = lax.dot_general(h + hn, w1_ref[...], (((1,), (1,)), ((), ())),
                         preferred_element_type=jnp.float32)
    x2 = lax.dot_general(h * hn, w2_ref[...], (((1,), (1,)), ((), ())),
                         preferred_element_type=jnp.float32)
    out_ref[...] = (jnp.where(x1 > 0, x1, 0.01 * x1)
                    + jnp.where(x2 > 0, x2, 0.01 * x2))
    hnb_ref[...] = hn


_post = pl.pallas_call(
    _post_body,
    grid=(NPAD // BN,),
    in_specs=[
        pl.BlockSpec((BN, D), lambda nb: (nb, 0)),
        pl.BlockSpec((NC, BN, D), lambda nb: (0, nb, 0)),
        pl.BlockSpec((NC, BN, 1), lambda nb: (0, nb, 0)),
        pl.BlockSpec((D, D), lambda nb: (0, 0)),
        pl.BlockSpec((D, D), lambda nb: (0, 0)),
    ],
    out_specs=[
        pl.BlockSpec((BN, D), lambda nb: (nb, 0)),
        pl.BlockSpec((BN, D), lambda nb: (nb, 0)),
    ],
    out_shape=[
        jax.ShapeDtypeStruct((NPAD, D), jnp.float32),
        jax.ShapeDtypeStruct((NPAD, D), jnp.float32),
    ],
)


def kernel(node_ids, edge_index, relation_ids, entity_embed, relation_embed,
           relation_weight, W1_0, W2_0, W1_1, W2_1):
    idx3 = (jnp.stack([edge_index[0], edge_index[1], relation_ids])
            .reshape(3, E // K, K).transpose(1, 0, 2).reshape(-1))
    ids_pad = jnp.concatenate(
        [node_ids, jnp.zeros((NPAD - N,), jnp.int32)])
    h = _gather_h(ids_pad, entity_embed)
    zu = jnp.zeros((STRIPE, D), jnp.float32)
    zz = jnp.zeros((ZSTRIPE, 16), jnp.float32)

    def layer_step(hcur, ws):
        W1, W2 = ws
        a_t, t_t = _prep(hcur, relation_weight, relation_embed)
        u_p, z_p = _edge_pass(idx3,
                              a_t.reshape(R * NPAD, D), t_t.reshape(R * NPAD, D),
                              hcur, zu, zz)
        out_l, hnb = _post(hcur, u_p, z_p.reshape(NC, NPAD, 1), W1, W2)
        return hnb, out_l

    _, outs = lax.scan(
        layer_step, h,
        (jnp.stack([W1_0, W1_1]), jnp.stack([W2_0, W2_1])))
    return jnp.concatenate([h[:N], outs[0][:N], outs[1][:N]], axis=1)

# --- scband reference (transcript-rebuilt; emitter-appended) ---
"""Pipeline reference for scband-cfmodel-59734405152888 (READ-ONLY COPY).

The authoritative reference and input builder live on the scoring server;
editing this copy changes nothing except your own understanding.
"""

import jax, jax.numpy as jnp
import numpy as np

N = 10000
E = 320000
D = 128
DR = 128
R = 8
H = 128


def setup_inputs(seed: int = 0) -> dict:
    key = jax.random.key(seed)
    ks = jax.random.split(key, 12)
    node_ids = jax.random.randint(ks[0], (N,), 0, N, dtype=jnp.int32)
    edge_index = jax.random.randint(ks[1], (2, E), 0, N, dtype=jnp.int32)
    relation_ids = jax.random.randint(ks[2], (E,), 0, R, dtype=jnp.int32)
    entity_embed = jax.random.normal(ks[3], (N, D), dtype=jnp.float32) * 0.05
    relation_embed = jax.random.normal(ks[4], (R, DR), dtype=jnp.float32) * 0.05
    relation_weight = jax.random.normal(ks[5], (R, D, DR), dtype=jnp.float32) * 0.05
    W1_0 = jax.random.normal(ks[6], (H, D), dtype=jnp.float32) * 0.05
    W2_0 = jax.random.normal(ks[7], (H, D), dtype=jnp.float32) * 0.05
    W1_1 = jax.random.normal(ks[8], (H, D), dtype=jnp.float32) * 0.05
    W2_1 = jax.random.normal(ks[9], (H, D), dtype=jnp.float32) * 0.05
    return {
        'node_ids': node_ids,
        'edge_index': edge_index,
        'relation_ids': relation_ids,
        'entity_embed': entity_embed,
        'relation_embed': relation_embed,
        'relation_weight': relation_weight,
        'W1_0': W1_0, 'W2_0': W2_0, 'W1_1': W1_1, 'W2_1': W2_1,
    }


def _kgat_layer(h, efeat, src, dst, rel, Wr, W1, W2):
    # bmm_maybe_select(A, B, index) with dense A: C[i,:] = A[i,:] @ B[index[i],:,:]
    # Computed as per-relation matmul then (rel, node) gather to avoid
    # materializing B[index] of shape [E, D, DR].
    HW = jnp.einsum('nd,rde->rne', h, Wr)  # [R, N, DR]
    t_r = HW[rel, src]                     # W_r h_t  -> [E, DR]
    h_r = HW[rel, dst]                     # W_r h_h  -> [E, DR]
    # att_w = (W_r h_t)^T tanh(W_r h_h + e_r)
    att = jnp.sum(t_r * jnp.tanh(h_r + efeat), axis=1, keepdims=True)  # [E, 1]
    # edge_softmax over in-edges of each dst node
    m = jax.ops.segment_max(att, dst, num_segments=N)   # [N, 1]
    ex = jnp.exp(att - m[dst])
    z = jax.ops.segment_sum(ex, dst, num_segments=N)
    a = ex / z[dst]
    # update_all(u_mul_e('h','a','m'), sum('m','h_neighbor'))
    h_nb = jax.ops.segment_sum(h[src] * a, dst, num_segments=N)  # [N, D]
    out = jax.nn.leaky_relu((h + h_nb) @ W1.T, negative_slope=0.01) \
        + jax.nn.leaky_relu((h * h_nb) @ W2.T, negative_slope=0.01)
    return h_nb, out


def reference(node_ids, edge_index, relation_ids, entity_embed, relation_embed,
              relation_weight, W1_0, W2_0, W1_1, W2_1):
    src = edge_index[0]
    dst = edge_index[1]
    h = entity_embed[node_ids]            # [N, D]
    efeat = relation_embed[relation_ids]  # [E, DR]
    cache = [h]
    # dropout p=0.0 -> identity
    h_nb, out0 = _kgat_layer(h, efeat, src, dst, relation_ids, relation_weight, W1_0, W2_0)
    cache.append(out0)
    h = h_nb  # h, out = layer(...): h becomes h_neighbor
    h_nb2, out1 = _kgat_layer(h, efeat, src, dst, relation_ids, relation_weight, W1_1, W2_1)
    cache.append(out1)
    final_h = jnp.concatenate(cache, axis=1)  # [N, 3*128]
    return final_h

if __name__ == "__main__":
    import jax
    _d = setup_inputs()
    print(jax.jit(kernel)(*tuple(_d.values())))

</pallas_src>

<mosaic_0001>
#map = affine_map<(d0, d1) -> (0)>
#map1 = affine_map<(d0, d1) -> (0, 0)>
module attributes {stable_mosaic.version = 14 : i64} {
  func.func @_gather_h(%arg0: i32, %arg1: i32, %arg2: memref<10240xi32, #tpu.memory_space<hbm>>, %arg3: memref<10000x128xf32, #tpu.memory_space<hbm>>, %arg4: memref<10240x128xf32, #tpu.memory_space<hbm>>, %arg5: memref<320xi32, #tpu.memory_space<vmem>>, %arg6: memref<320x128xf32, #tpu.memory_space<vmem>>, %arg7: memref<!tpu.dma_semaphore, #tpu.memory_space<semaphore_mem>>) attributes {dimension_semantics = [#tpu.dimension_semantics<core_parallel>, #tpu.dimension_semantics<subcore_parallel>], iteration_bounds = array<i64: 2, 16>, scalar_prefetch = 0 : i64, scratch_operands = 3 : i64, tpu.core_type = #tpu.core_type<sc_vector_subcore>, window_params = [{transform_indices = #map}, {transform_indices = #map1}, {transform_indices = #map1}]} {
    %mul3A = arith.constant 2 : i32
    %mul3A_0 = arith.muli %arg1, %mul3A : i32
    %add3A = arith.addi %mul3A_0, %arg0 : i32
    %mul3A_1 = arith.constant 320 : i32
    %mul3A_2 = arith.muli %add3A, %mul3A_1 : i32
    "tpu.region"() ({
      %run_scoped3A = tpu.sem_alloc : memref<!tpu.dma_semaphore, #tpu.memory_space<semaphore_mem>>
      %dma_start3A_7 = tpu.memref_slice %arg2[%mul3A_2] : memref<10240xi32, #tpu.memory_space<hbm>> -> memref<320xi32, #tpu.memory_space<hbm>>
      %dma_start3A_8 = tpu.memref_slice %arg2[%mul3A_2] : memref<10240xi32, #tpu.memory_space<hbm>> -> memref<320xi32, #tpu.memory_space<hbm>>
      tpu.enqueue_dma source(%dma_start3A_8 : memref<320xi32, #tpu.memory_space<hbm>>) target(%arg5 : memref<320xi32, #tpu.memory_space<vmem>>) target_semaphore(%run_scoped3A : memref<!tpu.dma_semaphore, #tpu.memory_space<semaphore_mem>>)
      %dma_wait3A_9 = tpu.memref_slice %arg2[%mul3A_2] : memref<10240xi32, #tpu.memory_space<hbm>> -> memref<320xi32, #tpu.memory_space<hbm>>
      %dma_wait3A_10 = tpu.memref_slice %arg2[%mul3A_2] : memref<10240xi32, #tpu.memory_space<hbm>> -> memref<320xi32, #tpu.memory_space<hbm>>
      tpu.wait_dma2 semaphore(%run_scoped3A : memref<!tpu.dma_semaphore, #tpu.memory_space<semaphore_mem>>) src(%dma_wait3A_10 : memref<320xi32, #tpu.memory_space<hbm>>) dst(%arg5 : memref<320xi32, #tpu.memory_space<vmem>>)
      tpu.yield
    }) : () -> ()
    %dma_start3A = arith.constant 0 : i32
    %dma_start3A_3 = arith.constant 0 : i32
    %dma_start3A_4 = tpu.memref_slice %arg3[%dma_start3A, %dma_start3A_3] : memref<10000x128xf32, #tpu.memory_space<hbm>> -> memref<10000x128xf32, #tpu.memory_space<hbm>>
    tpu.enqueue_indirect_dma source(%dma_start3A_4 : memref<10000x128xf32, #tpu.memory_space<hbm>>) target(%arg6 : memref<320x128xf32, #tpu.memory_space<vmem>>) offsets(%arg5 : memref<320xi32, #tpu.memory_space<vmem>>) semaphore(%arg7 : memref<!tpu.dma_semaphore, #tpu.memory_space<semaphore_mem>>)
    %dma_wait3A = arith.constant 0 : i32
    %dma_wait3A_5 = arith.constant 0 : i32
    %dma_wait3A_6 = tpu.memref_slice %arg3[%dma_wait3A, %dma_wait3A_5] : memref<10000x128xf32, #tpu.memory_space<hbm>> -> memref<10000x128xf32, #tpu.memory_space<hbm>>
    tpu.wait_indirect_dma semaphore(%arg7 : memref<!tpu.dma_semaphore, #tpu.memory_space<semaphore_mem>>) src(%dma_wait3A_6 : memref<10000x128xf32, #tpu.memory_space<hbm>>) dst(%arg6 : memref<320x128xf32, #tpu.memory_space<vmem>>)
    "tpu.region"() ({
      %run_scoped3A = tpu.sem_alloc : memref<!tpu.dma_semaphore, #tpu.memory_space<semaphore_mem>>
      %dma_start3A_7 = arith.constant 0 : i32
      %dma_start3A_8 = tpu.memref_slice %arg4[%mul3A_2, %dma_start3A_7] : memref<10240x128xf32, #tpu.memory_space<hbm>> -> memref<320x128xf32, #tpu.memory_space<hbm>>
      %dma_start3A_9 = arith.constant 0 : i32
      %dma_start3A_10 = tpu.memref_slice %arg4[%mul3A_2, %dma_start3A_9] : memref<10240x128xf32, #tpu.memory_space<hbm>> -> memref<320x128xf32, #tpu.memory_space<hbm>>
      tpu.enqueue_dma source(%arg6 : memref<320x128xf32, #tpu.memory_space<vmem>>) target(%dma_start3A_10 : memref<320x128xf32, #tpu.memory_space<hbm>>) target_semaphore(%run_scoped3A : memref<!tpu.dma_semaphore, #tpu.memory_space<semaphore_mem>>)
      %dma_wait3A_11 = arith.constant 0 : i32
      %dma_wait3A_12 = tpu.memref_slice %arg4[%mul3A_2, %dma_wait3A_11] : memref<10240x128xf32, #tpu.memory_space<hbm>> -> memref<320x128xf32, #tpu.memory_space<hbm>>
      %dma_wait3A_13 = arith.constant 0 : i32
      %dma_wait3A_14 = tpu.memref_slice %arg4[%mul3A_2, %dma_wait3A_13] : memref<10240x128xf32, #tpu.memory_space<hbm>> -> memref<320x128xf32, #tpu.memory_space<hbm>>
      tpu.wait_dma2 semaphore(%run_scoped3A : memref<!tpu.dma_semaphore, #tpu.memory_space<semaphore_mem>>) src(%arg6 : memref<320x128xf32, #tpu.memory_space<vmem>>) dst(%dma_wait3A_14 : memref<320x128xf32, #tpu.memory_space<hbm>>)
      tpu.yield
    }) : () -> ()
    return
  }
}

#map = affine_map<(d0, d1) -> (0)>
#map1 = affine_map<(d0, d1) -> (0, 0)>
#map2 = affine_map<(d0, d1) -> (0, 0, 0)>
module attributes {stable_mosaic.version = 14 : i64} {
  func.func @_edge_pass(%arg0: i32, %arg1: i32, %arg2: memref<960000xi32, #tpu.memory_space<hbm>>, %arg3: memref<81920x128xf32, #tpu.memory_space<hbm>>, %arg4: memref<81920x128xf32, #tpu.memory_space<hbm>>, %arg5: memref<10240x128xf32, #tpu.memory_space<hbm>>, %arg6: memref<640x128xf32, #tpu.memory_space<hbm>>, %arg7: memref<40x16xf32, #tpu.memory_space<hbm>>, %arg8: memref<2x10240x128xf32, #tpu.memory_space<hbm>>, %arg9: memref<2x640x16xf32, #tpu.memory_space<hbm>>, %arg10: memref<2x120xi32, #tpu.memory_space<vmem>>, %arg11: memref<40xi32, #tpu.memory_space<vmem>>, %arg12: memref<40xi32, #tpu.memory_space<vmem>>, %arg13: memref<40xi32, #tpu.memory_space<vmem>>, %arg14: memref<40xi32, #tpu.memory_space<vmem>>, %arg15: memref<40xi32, #tpu.memory_space<vmem>>, %arg16: memref<40xi32, #tpu.memory_space<vmem>>, %arg17: memref<40xi32, #tpu.memory_space<vmem>>, %arg18: memref<40xi32, #tpu.memory_space<vmem>>, %arg19: memref<40xi32, #tpu.memory_space<vmem>>, %arg20: memref<40xi32, #tpu.memory_space<vmem>>, %arg21: memref<2x56xi32, #tpu.memory_space<vmem>>, %arg22: memref<2x40x128xf32, #tpu.memory_space<vmem>>, %arg23: memref<2x40x128xf32, #tpu.memory_space<vmem>>, %arg24: memref<2x40x128xf32, #tpu.memory_space<vmem>>, %arg25: memref<2x40x16xf32, #tpu.memory_space<vmem>>, %arg26: memref<10240x128xf32, #tpu.memory_space<vmem_shared>>, %arg27: memref<640x16xf32, #tpu.memory_space<vmem_shared>>, %arg28: memref<!tpu.dma_semaphore, #tpu.memory_space<semaphore_mem>>, %arg29: memref<!tpu.dma_semaphore, #tpu.memory_space<semaphore_mem>>, %arg30: memref<!tpu.dma_semaphore, #tpu.memory_space<semaphore_mem>>, %arg31: memref<!tpu.dma_semaphore, #tpu.memory_space<semaphore_mem>>) attributes {dimension_semantics = [#tpu.dimension_semantics<core_parallel>, #tpu.dimension_semantics<subcore_parallel>], iteration_bounds = array<i64: 2, 16>, scalar_prefetch = 0 : i64, scratch_operands = 22 : i64, tpu.core_type = #tpu.core_type<sc_vector_subcore>, window_params = [{transform_indices = #map}, {transform_indices = #map1}, {transform_indices = #map1}, {transform_indices = #map1}, {transform_indices = #map1}, {transform_indices = #map1}, {transform_indices = #map2}, {transform_indices = #map2}]} {
    %mul3A = arith.constant 2 : i32
    %mul3A_0 = arith.muli %arg1, %mul3A : i32
    %add3A = arith.addi %mul3A_0, %arg0 : i32
    %mul3A_1 = arith.constant 250 : i32
    %mul3A_2 = arith.muli %add3A, %mul3A_1 : i32
    %mul3A_3 = arith.constant 3 : i32
    %mul3A_4 = arith.muli %mul3A_2, %mul3A_3 : i32
    %mul3A_5 = arith.constant 40 : i32
    %mul3A_6 = arith.muli %mul3A_4, %mul3A_5 : i32
    %mul3A_7 = arith.constant 640 : i32
    %mul3A_8 = arith.muli %arg1, %mul3A_7 : i32
    "tpu.region"() ({
      %run_scoped3A_177 = tpu.sem_alloc : memref<!tpu.dma_semaphore, #tpu.memory_space<semaphore_mem>>
      %dma_start3A_178 = arith.constant 0 : i32
      %dma_start3A_179 = tpu.memref_slice %arg26[%mul3A_8, %dma_start3A_178] : memref<10240x128xf32, #tpu.memory_space<vmem_shared>> -> memref<640x128xf32, #tpu.memory_space<vmem_shared>>
      tpu.enqueue_dma source(%arg6 : memref<640x128xf32, #tpu.memory_space<hbm>>) target(%dma_start3A_179 : memref<640x128xf32, #tpu.memory_space<vmem_shared>>) target_semaphore(%run_scoped3A_177 : memref<!tpu.dma_semaphore, #tpu.memory_space<semaphore_mem>>)
      %dma_wait3A_180 = arith.constant 0 : i32
      %dma_wait3A_181 = tpu.memref_slice %arg26[%mul3A_8, %dma_wait3A_180] : memref<10240x128xf32, #tpu.memory_space<vmem_shared>> -> memref<640x128xf32, #tpu.memory_space<vmem_shared>>
      tpu.wait_dma2 semaphore(%run_scoped3A_177 : memref<!tpu.dma_semaphore, #tpu.memory_space<semaphore_mem>>) src(%arg6 : memref<640x128xf32, #tpu.memory_space<hbm>>) dst(%dma_wait3A_181 : memref<640x128xf32, #tpu.memory_space<vmem_shared>>)
      tpu.yield
    }) : () -> ()
    %mul3A_9 = arith.constant 40 : i32
    %mul3A_10 = arith.muli %arg1, %mul3A_9 : i32
    "tpu.region"() ({
      %run_scoped3A_177 = tpu.sem_alloc : memref<!tpu.dma_semaphore, #tpu.memory_space<semaphore_mem>>
      %dma_start3A_178 = arith.constant 0 : i32
      %dma_start3A_179 = tpu.memref_slice %arg27[%mul3A_10, %dma_start3A_178] : memref<640x16xf32, #tpu.memory_space<vmem_shared>> -> memref<40x16xf32, #tpu.memory_space<vmem_shared>>
      tpu.enqueue_dma source(%arg7 : memref<40x16xf32, #tpu.memory_space<hbm>>) target(%dma_start3A_179 : memref<40x16xf32, #tpu.memory_space<vmem_shared>>) target_semaphore(%run_scoped3A_177 : memref<!tpu.dma_semaphore, #tpu.memory_space<semaphore_mem>>)
      %dma_wait3A_180 = arith.constant 0 : i32
      %dma_wait3A_181 = tpu.memref_slice %arg27[%mul3A_10, %dma_wait3A_180] : memref<640x16xf32, #tpu.memory_space<vmem_shared>> -> memref<40x16xf32, #tpu.memory_space<vmem_shared>>
      tpu.wait_dma2 semaphore(%run_scoped3A_177 : memref<!tpu.dma_semaphore, #tpu.memory_space<semaphore_mem>>) src(%arg7 : memref<40x16xf32, #tpu.memory_space<hbm>>) dst(%dma_wait3A_181 : memref<40x16xf32, #tpu.memory_space<vmem_shared>>)
      tpu.yield
    }) : () -> ()
    %barrier3A = arith.constant 0 : index
    tpu.barrier barrier_id(%barrier3A)
    %iota3A = tpu.iota {dimensions = array<i32: 0>} : vector<16xi32>
    %run_scoped3A = arith.constant 0 : i32
    "tpu.region"() ({
      %run_scoped3A_177 = tpu.sem_alloc : memref<!tpu.dma_semaphore, #tpu.memory_space<semaphore_mem>>
      %dma_start3A_178 = arith.constant 0 : i32
      %dma_start3A_179 = tpu.memref_slice %arg10[%run_scoped3A, %dma_start3A_178] : memref<2x120xi32, #tpu.memory_space<vmem>> -> memref<1x120xi32, #tpu.memory_space<vmem>>
      %dma_start3A_180 = tpu.memref_squeeze %dma_start3A_179 : memref<1x120xi32, #tpu.memory_space<vmem>> -> memref<120xi32, #tpu.memory_space<vmem>>
      %dma_start3A_181 = tpu.memref_slice %arg2[%mul3A_6] : memref<960000xi32, #tpu.memory_space<hbm>> -> memref<120xi32, #tpu.memory_space<hbm>>
      %dma_start3A_182 = arith.constant 0 : i32
      %dma_start3A_183 = tpu.memref_slice %arg10[%run_scoped3A, %dma_start3A_182] : memref<2x120xi32, #tpu.memory_space<vmem>> -> memref<1x120xi32, #tpu.memory_space<vmem>>
      %dma_start3A_184 = tpu.memref_squeeze %dma_start3A_183 : memref<1x120xi32, #tpu.memory_space<vmem>> -> memref<120xi32, #tpu.memory_space<vmem>>
      %dma_start3A_185 = tpu.memref_slice %arg2[%mul3A_6] : memref<960000xi32, #tpu.memory_space<hbm>> -> memref<120xi32, #tpu.memory_space<hbm>>
      tpu.enqueue_dma source(%dma_start3A_185 : memref<120xi32, #tpu.memory_space<hbm>>) target(%dma_start3A_184 : memref<120xi32, #tpu.memory_space<vmem>>) target_semaphore(%run_scoped3A_177 : memref<!tpu.dma_semaphore, #tpu.memory_space<semaphore_mem>>)
      %dma_wait3A_186 = arith.constant 0 : i32
      %dma_wait3A_187 = tpu.memref_slice %arg10[%run_scoped3A, %dma_wait3A_186] : memref<2x120xi32, #tpu.memory_space<vmem>> -> memref<1x120xi32, #tpu.memory_space<vmem>>
      %dma_wait3A_188 = tpu.memref_squeeze %dma_wait3A_187 : memref<1x120xi32, #tpu.memory_space<vmem>> -> memref<120xi32, #tpu.memory_space<vmem>>
      %dma_wait3A_189 = tpu.memref_slice %arg2[%mul3A_6] : memref<960000xi32, #tpu.memory_space<hbm>> -> memref<120xi32, #tpu.memory_space<hbm>>
      %dma_wait3A_190 = arith.constant 0 : i32
      %dma_wait3A_191 = tpu.memref_slice %arg10[%run_scoped3A, %dma_wait3A_190] : memref<2x120xi32, #tpu.memory_space<vmem>> -> memref<1x120xi32, #tpu.memory_space<vmem>>
      %dma_wait3A_192 = tpu.memref_squeeze %dma_wait3A_191 : memref<1x120xi32, #tpu.memory_space<vmem>> -> memref<120xi32, #tpu.memory_space<vmem>>
      %dma_wait3A_193 = tpu.memref_slice %arg2[%mul3A_6] : memref<960000xi32, #tpu.memory_space<hbm>> -> memref<120xi32, #tpu.memory_space<hbm>>
      tpu.wait_dma2 semaphore(%run_scoped3A_177 : memref<!tpu.dma_semaphore, #tpu.memory_space<semaphore_mem>>) src(%dma_wait3A_193 : memref<120xi32, #tpu.memory_space<hbm>>) dst(%dma_wait3A_192 : memref<120xi32, #tpu.memory_space<vmem>>)
      tpu.yield
    }) : () -> ()
    %get3A = arith.constant 0 : i32
    %get3A_11 = arith.index_cast %get3A : i32 to index
    %get3A_12 = arith.constant 0 : index
    %get3A_13 = tpu.vector_load %arg10[%get3A_11, %get3A_12] {strides = array<i32>} : memref<2x120xi32, #tpu.memory_space<vmem>>, vector<16xi32>,
    %get3A_14 = arith.constant 0 : i32
    %get3A_15 = arith.index_cast %get3A_14 : i32 to index
    %get3A_16 = arith.constant 40 : index
    %get3A_17 = tpu.vector_load %arg10[%get3A_15, %get3A_16] {strides = array<i32>} : memref<2x120xi32, #tpu.memory_space<vmem>>, vector<16xi32>,
    %get3A_18 = arith.constant 0 : i32
    %get3A_19 = arith.index_cast %get3A_18 : i32 to index
    %get3A_20 = arith.constant 80 : index
    %get3A_21 = tpu.vector_load %arg10[%get3A_19, %get3A_20] {strides = array<i32>} : memref<2x120xi32, #tpu.memory_space<vmem>>, vector<16xi32>,
    %mul3A_22 = arith.constant 10240 : i32
    %mul3A_23 = vector.broadcast %mul3A_22 : i32 to vector<16xi32>
    %mul3A_24 = arith.muli %get3A_21, %mul3A_23 : vector<16xi32>
    %add3A_25 = arith.addi %mul3A_24, %get3A_13 : vector<16xi32>
    %swap3A = arith.constant 0 : index
    %swap3A_26 = tpu.vector_load %arg11[%swap3A] {strides = array<i32>} : memref<40xi32, #tpu.memory_space<vmem>>, vector<16xi32>,
    tpu.vector_store %arg11[%swap3A], %add3A_25 {strides = array<i32>} : memref<40xi32, #tpu.memory_space<vmem>>, vector<16xi32>,
    %add3A_27 = arith.addi %mul3A_24, %get3A_17 : vector<16xi32>
    %swap3A_28 = arith.constant 0 : index
    %swap3A_29 = tpu.vector_load %arg13[%swap3A_28] {strides = array<i32>} : memref<40xi32, #tpu.memory_space<vmem>>, vector<16xi32>,
    tpu.vector_store %arg13[%swap3A_28], %add3A_27 {strides = array<i32>} : memref<40xi32, #tpu.memory_space<vmem>>, vector<16xi32>,
    %swap3A_30 = arith.constant 0 : index
    %swap3A_31 = tpu.vector_load %arg15[%swap3A_30] {strides = array<i32>} : memref<40xi32, #tpu.memory_space<vmem>>, vector<16xi32>,
    tpu.vector_store %arg15[%swap3A_30], %get3A_13 {strides = array<i32>} : memref<40xi32, #tpu.memory_space<vmem>>, vector<16xi32>,
    %swap3A_32 = arith.constant 0 : index
    %swap3A_33 = tpu.vector_load %arg17[%swap3A_32] {strides = array<i32>} : memref<40xi32, #tpu.memory_space<vmem>>, vector<16xi32>,
    tpu.vector_store %arg17[%swap3A_32], %get3A_17 {strides = array<i32>} : memref<40xi32, #tpu.memory_space<vmem>>, vector<16xi32>,
    %shift_right_logical3A = arith.constant 4 : i32
    %shift_right_logical3A_34 = vector.broadcast %shift_right_logical3A : i32 to vector<16xi32>
    %shift_right_logical3A_35 = arith.shrui %get3A_17, %shift_right_logical3A_34 : vector<16xi32>
    %swap3A_36 = arith.constant 0 : index
    %swap3A_37 = tpu.vector_load %arg19[%swap3A_36] {strides = array<i32>} : memref<40xi32, #tpu.memory_space<vmem>>, vector<16xi32>,
    tpu.vector_store %arg19[%swap3A_36], %shift_right_logical3A_35 {strides = array<i32>} : memref<40xi32, #tpu.memory_space<vmem>>, vector<16xi32>,
    %and3A = arith.constant 15 : i32
    %and3A_38 = vector.broadcast %and3A : i32 to vector<16xi32>
    %and3A_39 = arith.andi %get3A_17, %and3A_38 : vector<16xi32>
    %swap3A_40 = arith.constant 0 : i32
    %swap3A_41 = arith.index_cast %swap3A_40 : i32 to index
    %swap3A_42 = arith.constant 0 : index
    %swap3A_43 = tpu.vector_load %arg21[%swap3A_41, %swap3A_42] {strides = array<i32>} : memref<2x56xi32, #tpu.memory_space<vmem>>, vector<16xi32>,
    tpu.vector_store %arg21[%swap3A_41, %swap3A_42], %and3A_39 {strides = array<i32>} : memref<2x56xi32, #tpu.memory_space<vmem>>, vector<16xi32>,
    %get3A_44 = arith.constant 0 : i32
    %get3A_45 = arith.index_cast %get3A_44 : i32 to index
    %get3A_46 = arith.constant 16 : index
    %get3A_47 = tpu.vector_load %arg10[%get3A_45, %get3A_46] {strides = array<i32>} : memref<2x120xi32, #tpu.memory_space<vmem>>, vector<16xi32>,
    %get3A_48 = arith.constant 0 : i32
    %get3A_49 = arith.index_cast %get3A_48 : i32 to index
    %get3A_50 = arith.constant 56 : index
    %get3A_51 = tpu.vector_load %arg10[%get3A_49, %get3A_50] {strides = array<i32>} : memref<2x120xi32, #tpu.memory_space<vmem>>, vector<16xi32>,
    %get3A_52 = arith.constant 0 : i32
    %get3A_53 = arith.index_cast %get3A_52 : i32 to index
    %get3A_54 = arith.constant 96 : index
    %get3A_55 = tpu.vector_load %arg10[%get3A_53, %get3A_54] {strides = array<i32>} : memref<2x120xi32, #tpu.memory_space<vmem>>, vector<16xi32>,
    %mul3A_56 = arith.constant 10240 : i32
    %mul3A_57 = vector.broadcast %mul3A_56 : i32 to vector<16xi32>
    %mul3A_58 = arith.muli %get3A_55, %mul3A_57 : vector<16xi32>
    %add3A_59 = arith.addi %mul3A_58, %get3A_47 : vector<16xi32>
    %swap3A_60 = arith.constant 16 : index
    %swap3A_61 = tpu.vector_load %arg11[%swap3A_60] {strides = array<i32>} : memref<40xi32, #tpu.memory_space<vmem>>, vector<16xi32>,
    tpu.vector_store %arg11[%swap3A_60], %add3A_59 {strides = array<i32>} : memref<40xi32, #tpu.memory_space<vmem>>, vector<16xi32>,
    %add3A_62 = arith.addi %mul3A_58, %get3A_51 : vector<16xi32>
    %swap3A_63 = arith.constant 16 : index
    %swap3A_64 = tpu.vector_load %arg13[%swap3A_63] {strides = array<i32>} : memref<40xi32, #tpu.memory_space<vmem>>, vector<16xi32>,
    tpu.vector_store %arg13[%swap3A_63], %add3A_62 {strides = array<i32>} : memref<40xi32, #tpu.memory_space<vmem>>, vector<16xi32>,
    %swap3A_65 = arith.constant 16 : index
    %swap3A_66 = tpu.vector_load %arg15[%swap3A_65] {strides = array<i32>} : memref<40xi32, #tpu.memory_space<vmem>>, vector<16xi32>,
    tpu.vector_store %arg15[%swap3A_65], %get3A_47 {strides = array<i32>} : memref<40xi32, #tpu.memory_space<vmem>>, vector<16xi32>,
    %swap3A_67 = arith.constant 16 : index
    %swap3A_68 = tpu.vector_load %arg17[%swap3A_67] {strides = array<i32>} : memref<40xi32, #tpu.memory_space<vmem>>, vector<16xi32>,
    tpu.vector_store %arg17[%swap3A_67], %get3A_51 {strides = array<i32>} : memref<40xi32, #tpu.memory_space<vmem>>, vector<16xi32>,
    %shift_right_logical3A_69 = arith.constant 4 : i32
    %shift_right_logical3A_70 = vector.broadcast %shift_right_logical3A_69 : i32 to vector<16xi32>
    %shift_right_logical3A_71 = arith.shrui %get3A_51, %shift_right_logical3A_70 : vector<16xi32>
    %swap3A_72 = arith.constant 16 : index
    %swap3A_73 = tpu.vector_load %arg19[%swap3A_72] {strides = array<i32>} : memref<40xi32, #tpu.memory_space<vmem>>, vector<16xi32>,
    tpu.vector_store %arg19[%swap3A_72], %shift_right_logical3A_71 {strides = array<i32>} : memref<40xi32, #tpu.memory_space<vmem>>, vector<16xi32>,
    %and3A_74 = arith.constant 15 : i32
    %and3A_75 = vector.broadcast %and3A_74 : i32 to vector<16xi32>
    %and3A_76 = arith.andi %get3A_51, %and3A_75 : vector<16xi32>
    %swap3A_77 = arith.constant 0 : i32
    %swap3A_78 = arith.index_cast %swap3A_77 : i32 to index
    %swap3A_79 = arith.constant 16 : index
    %swap3A_80 = tpu.vector_load %arg21[%swap3A_78, %swap3A_79] {strides = array<i32>} : memref<2x56xi32, #tpu.memory_space<vmem>>, vector<16xi32>,
    tpu.vector_store %arg21[%swap3A_78, %swap3A_79], %and3A_76 {strides = array<i32>} : memref<2x56xi32, #tpu.memory_space<vmem>>, vector<16xi32>,
    %get3A_81 = arith.constant 0 : i32
    %get3A_82 = arith.index_cast %get3A_81 : i32 to index
    %get3A_83 = arith.constant 24 : index
    %get3A_84 = tpu.vector_load %arg10[%get3A_82, %get3A_83] {strides = array<i32>} : memref<2x120xi32, #tpu.memory_space<vmem>>, vector<16xi32>,
    %get3A_85 = arith.constant 0 : i32
    %get3A_86 = arith.index_cast %get3A_85 : i32 to index
    %get3A_87 = arith.constant 64 : index
    %get3A_88 = tpu.vector_load %arg10[%get3A_86, %get3A_87] {strides = array<i32>} : memref<2x120xi32, #tpu.memory_space<vmem>>, vector<16xi32>,
    %get3A_89 = arith.constant 0 : i32
    %get3A_90 = arith.index_cast %get3A_89 : i32 to index
    %get3A_91 = arith.constant 104 : index
    %get3A_92 = tpu.vector_load %arg10[%get3A_90, %get3A_91] {strides = array<i32>} : memref<2x120xi32, #tpu.memory_space<vmem>>, vector<16xi32>,
    %mul3A_93 = arith.constant 10240 : i32
    %mul3A_94 = vector.broadcast %mul3A_93 : i32 to vector<16xi32>
    %mul3A_95 = arith.muli %get3A_92, %mul3A_94 : vector<16xi32>
    %add3A_96 = arith.addi %mul3A_95, %get3A_84 : vector<16xi32>
    %swap3A_97 = arith.constant 24 : index
    %swap3A_98 = tpu.vector_load %arg11[%swap3A_97] {strides = array<i32>} : memref<40xi32, #tpu.memory_space<vmem>>, vector<16xi32>,
    tpu.vector_store %arg11[%swap3A_97], %add3A_96 {strides = array<i32>} : memref<40xi32, #tpu.memory_space<vmem>>, vector<16xi32>,
    %add3A_99 = arith.addi %mul3A_95, %get3A_88 : vector<16xi32>
    %swap3A_100 = arith.constant 24 : index
    %swap3A_101 = tpu.vector_load %arg13[%swap3A_100] {strides = array<i32>} : memref<40xi32, #tpu.memory_space<vmem>>, vector<16xi32>,
    tpu.vector_store %arg13[%swap3A_100], %add3A_99 {strides = array<i32>} : memref<40xi32, #tpu.memory_space<vmem>>, vector<16xi32>,
    %swap3A_102 = arith.constant 24 : index
    %swap3A_103 = tpu.vector_load %arg15[%swap3A_102] {strides = array<i32>} : memref<40xi32, #tpu.memory_space<vmem>>, vector<16xi32>,
    tpu.vector_store %arg15[%swap3A_102], %get3A_84 {strides = array<i32>} : memref<40xi32, #tpu.memory_space<vmem>>, vector<16xi32>,
    %swap3A_104 = arith.constant 24 : index
    %swap3A_105 = tpu.vector_load %arg17[%swap3A_104] {strides = array<i32>} : memref<40xi32, #tpu.memory_space<vmem>>, vector<16xi32>,
    tpu.vector_store %arg17[%swap3A_104], %get3A_88 {strides = array<i32>} : memref<40xi32, #tpu.memory_space<vmem>>, vector<16xi32>,
    %shift_right_logical3A_106 = arith.constant 4 : i32
    %shift_right_logical3A_107 = vector.broadcast %shift_right_logical3A_106 : i32 to vector<16xi32>
    %shift_right_logical3A_108 = arith.shrui %get3A_88, %shift_right_logical3A_107 : vector<16xi32>
    %swap3A_109 = arith.constant 24 : index
    %swap3A_110 = tpu.vector_load %arg19[%swap3A_109] {strides = array<i32>} : memref<40xi32, #tpu.memory_space<vmem>>, vector<16xi32>,
    tpu.vector_store %arg19[%swap3A_109], %shift_right_logical3A_108 {strides = array<i32>} : memref<40xi32, #tpu.memory_space<vmem>>, vector<16xi32>,
    %and3A_111 = arith.constant 15 : i32
    %and3A_112 = vector.broadcast %and3A_111 : i32 to vector<16xi32>
    %and3A_113 = arith.andi %get3A_88, %and3A_112 : vector<16xi32>
    %swap3A_114 = arith.constant 0 : i32
    %swap3A_115 = arith.index_cast %swap3A_114 : i32 to index
    %swap3A_116 = arith.constant 24 : index
    %swap3A_117 = tpu.vector_load %arg21[%swap3A_115, %swap3A_116] {strides = array<i32>} : memref<2x56xi32, #tpu.memory_space<vmem>>, vector<16xi32>,
    tpu.vector_store %arg21[%swap3A_115, %swap3A_116], %and3A_113 {strides = array<i32>} : memref<2x56xi32, #tpu.memory_space<vmem>>, vector<16xi32>,
    %dma_start3A = arith.constant 0 : i32
    %dma_start3A_118 = arith.constant 0 : i32
    %dma_start3A_119 = arith.constant 0 : i32
    %dma_start3A_120 = tpu.memref_slice %arg22[%dma_start3A, %dma_start3A_118, %dma_start3A_119] : memref<2x40x128xf32, #tpu.memory_space<vmem>> -> memref<1x40x128xf32, #tpu.memory_space<vmem>>
    %dma_start3A_121 = tpu.memref_squeeze %dma_start3A_120 : memref<1x40x128xf32, #tpu.memory_space<vmem>> -> memref<40x128xf32, #tpu.memory_space<vmem>>
    %dma_start3A_122 = arith.constant 0 : i32
    %dma_start3A_123 = arith.constant 0 : i32
    %dma_start3A_124 = tpu.memref_slice %arg3[%dma_start3A_122, %dma_start3A_123] : memref<81920x128xf32, #tpu.memory_space<hbm>> -> memref<81920x128xf32, #tpu.memory_space<hbm>>
    tpu.enqueue_indirect_dma source(%dma_start3A_124 : memref<81920x128xf32, #tpu.memory_space<hbm>>) target(%dma_start3A_121 : memref<40x128xf32, #tpu.memory_space<vmem>>) offsets(%arg11 : memref<40xi32, #tpu.memory_space<vmem>>) semaphore(%arg29 : memref<!tpu.dma_semaphore, #tpu.memory_space<semaphore_mem>>)
    %dma_start3A_125 = arith.constant 0 : i32
    %dma_start3A_126 = arith.constant 0 : i32
    %dma_start3A_127 = arith.constant 0 : i32
    %dma_start3A_128 = tpu.memref_slice %arg23[%dma_start3A_125, %dma_start3A_126, %dma_start3A_127] : memref<2x40x128xf32, #tpu.memory_space<vmem>> -> memref<1x40x128xf32, #tpu.memory_space<vmem>>
    %dma_start3A_129 = tpu.memref_squeeze %dma_start3A_128 : memref<1x40x128xf32, #tpu.memory_space<vmem>> -> memref<40x128xf32, #tpu.memory_space<vmem>>
    %dma_start3A_130 = arith.constant 0 : i32
    %dma_start3A_131 = arith.constant 0 : i32
    %dma_start3A_132 = tpu.memref_slice %arg4[%dma_start3A_130, %dma_start3A_131] : memref<81920x128xf32, #tpu.memory_space<hbm>> -> memref<81920x128xf32, #tpu.memory_space<hbm>>
    tpu.enqueue_indirect_dma source(%dma_start3A_132 : memref<81920x128xf32, #tpu.memory_space<hbm>>) target(%dma_start3A_129 : memref<40x128xf32, #tpu.memory_space<vmem>>) offsets(%arg13 : memref<40xi32, #tpu.memory_space<vmem>>) semaphore(%arg29 : memref<!tpu.dma_semaphore, #tpu.memory_space<semaphore_mem>>)
    %dma_start3A_133 = arith.constant 0 : i32
    %dma_start3A_134 = arith.constant 0 : i32
    %dma_start3A_135 = arith.constant 0 : i32
    %dma_start3A_136 = tpu.memref_slice %arg24[%dma_start3A_133, %dma_start3A_134, %dma_start3A_135] : memref<2x40x128xf32, #tpu.memory_space<vmem>> -> memref<1x40x128xf32, #tpu.memory_space<vmem>>
    %dma_start3A_137 = tpu.memref_squeeze %dma_start3A_136 : memref<1x40x128xf32, #tpu.memory_space<vmem>> -> memref<40x128xf32, #tpu.memory_space<vmem>>
    %dma_start3A_138 = arith.constant 0 : i32
    %dma_start3A_139 = arith.constant 0 : i32
    %dma_start3A_140 = tpu.memref_slice %arg5[%dma_start3A_138, %dma_start3A_139] : memref<10240x128xf32, #tpu.memory_space<hbm>> -> memref<10240x128xf32, #tpu.memory_space<hbm>>
    tpu.enqueue_indirect_dma source(%dma_start3A_140 : memref<10240x128xf32, #tpu.memory_space<hbm>>) target(%dma_start3A_137 : memref<40x128xf32, #tpu.memory_space<vmem>>) offsets(%arg15 : memref<40xi32, #tpu.memory_space<vmem>>) semaphore(%arg29 : memref<!tpu.dma_semaphore, #tpu.memory_space<semaphore_mem>>)
    %add3A_141 = arith.constant 120 : i32
    %add3A_142 = arith.addi %mul3A_6, %add3A_141 : i32
    %dma_start3A_143 = arith.constant 1 : i32
    %dma_start3A_144 = arith.constant 0 : i32
    %dma_start3A_145 = tpu.memref_slice %arg10[%dma_start3A_143, %dma_start3A_144] : memref<2x120xi32, #tpu.memory_space<vmem>> -> memref<1x120xi32, #tpu.memory_space<vmem>>
    %dma_start3A_146 = tpu.memref_squeeze %dma_start3A_145 : memref<1x120xi32, #tpu.memory_space<vmem>> -> memref<120xi32, #tpu.memory_space<vmem>>
    %dma_start3A_147 = tpu.memref_slice %arg2[%add3A_142] : memref<960000xi32, #tpu.memory_space<hbm>> -> memref<120xi32, #tpu.memory_space<hbm>>
    %dma_start3A_148 = arith.constant 0 : i32
    %dma_start3A_149 = tpu.memref_slice %arg10[%dma_start3A_143, %dma_start3A_148] : memref<2x120xi32, #tpu.memory_space<vmem>> -> memref<1x120xi32, #tpu.memory_space<vmem>>
    %dma_start3A_150 = tpu.memref_squeeze %dma_start3A_149 : memref<1x120xi32, #tpu.memory_space<vmem>> -> memref<120xi32, #tpu.memory_space<vmem>>
    %dma_start3A_151 = tpu.memref_slice %arg2[%add3A_142] : memref<960000xi32, #tpu.memory_space<hbm>> -> memref<120xi32, #tpu.memory_space<hbm>>
    tpu.enqueue_dma source(%dma_start3A_151 : memref<120xi32, #tpu.memory_space<hbm>>) target(%dma_start3A_150 : memref<120xi32, #tpu.memory_space<vmem>>) target_semaphore(%arg28 : memref<!tpu.dma_semaphore, #tpu.memory_space<semaphore_mem>>)
    %scan3A = arith.constant 0 : i32
    %scan3A_152 = arith.constant 0 : i32
    %scan3A_153 = arith.constant 125 : i32
    %scan3A_154 = arith.addi %scan3A_152, %scan3A_153 : i32
    %scan3A_155 = arith.constant 1 : i32
    scf.for %scan3A_177 = %scan3A_152 to %scan3A_154 step %scan3A_155  : i32 {
      %mul3A_178 = arith.constant 2 : i32
      %mul3A_179 = arith.muli %mul3A_178, %scan3A_177 : i32
      %add3A_180 = arith.constant 0 : i32
      %add3A_181 = arith.addi %mul3A_179, %add3A_180 : i32
      %gt3A = arith.constant 0 : i32
      %gt3A_182 = arith.cmpi sgt, %add3A_181, %gt3A : i32
      %convert_element_type3A = arith.extui %gt3A_182 : i1 to i32
      %cond3A = arith.constant 0 : i32
      %cond3A_183 = arith.cmpi ne, %convert_element_type3A, %cond3A : i32
      scf.if %cond3A_183 {
        %dma_wait3A_300 = arith.constant 1 : i32
        %dma_wait3A_301 = arith.constant 0 : i32
        %dma_wait3A_302 = arith.constant 0 : i32
        %dma_wait3A_303 = tpu.memref_slice %arg24[%dma_wait3A_300, %dma_wait3A_301, %dma_wait3A_302] : memref<2x40x128xf32, #tpu.memory_space<vmem>> -> memref<1x40x128xf32, #tpu.memory_space<vmem>>
        %dma_wait3A_304 = tpu.memref_squeeze %dma_wait3A_303 : memref<1x40x128xf32, #tpu.memory_space<vmem>> -> memref<40x128xf32, #tpu.memory_space<vmem>>
        %dma_wait3A_305 = arith.constant 0 : i32
        %dma_wait3A_306 = arith.constant 0 : i32
        %dma_wait3A_307 = tpu.memref_slice %arg26[%dma_wait3A_305, %dma_wait3A_306] : memref<10240x128xf32, #tpu.memory_space<vmem_shared>> -> memref<10240x128xf32, #tpu.memory_space<vmem_shared>>
        tpu.wait_indirect_dma semaphore(%arg31 : memref<!tpu.dma_semaphore, #tpu.memory_space<semaphore_mem>>) src(%dma_wait3A_304 : memref<40x128xf32, #tpu.memory_space<vmem>>) dst(%dma_wait3A_307 : memref<10240x128xf32, #tpu.memory_space<vmem_shared>>)
        %dma_wait3A_308 = arith.constant 1 : i32
        %dma_wait3A_309 = arith.constant 0 : i32
        %dma_wait3A_310 = arith.constant 0 : i32
        %dma_wait3A_311 = tpu.memref_slice %arg25[%dma_wait3A_308, %dma_wait3A_309, %dma_wait3A_310] : memref<2x40x16xf32, #tpu.memory_space<vmem>> -> memref<1x40x16xf32, #tpu.memory_space<vmem>>
        %dma_wait3A_312 = tpu.memref_squeeze %dma_wait3A_311 : memref<1x40x16xf32, #tpu.memory_space<vmem>> -> memref<40x16xf32, #tpu.memory_space<vmem>>
        %dma_wait3A_313 = arith.constant 0 : i32
        %dma_wait3A_314 = arith.constant 0 : i32
        %dma_wait3A_315 = tpu.memref_slice %arg27[%dma_wait3A_313, %dma_wait3A_314] : memref<640x16xf32, #tpu.memory_space<vmem_shared>> -> memref<640x16xf32, #tpu.memory_space<vmem_shared>>
        tpu.wait_indirect_dma semaphore(%arg31 : memref<!tpu.dma_semaphore, #tpu.memory_space<semaphore_mem>>) src(%dma_wait3A_312 : memref<40x16xf32, #tpu.memory_space<vmem>>) dst(%dma_wait3A_315 : memref<640x16xf32, #tpu.memory_space<vmem_shared>>)
      } else {
      }
      %add3A_184 = arith.constant 1 : i32
      %add3A_185 = arith.addi %add3A_181, %add3A_184 : i32
      %lt3A = arith.constant 250 : i32
      %lt3A_186 = arith.cmpi slt, %add3A_185, %lt3A : i32
      %convert_element_type3A_187 = arith.extui %lt3A_186 : i1 to i32
      %cond3A_188 = arith.constant 0 : i32
      %cond3A_189 = arith.cmpi ne, %convert_element_type3A_187, %cond3A_188 : i32
      scf.if %cond3A_189 {
        %dma_wait3A_300 = arith.constant 1 : i32
        %dma_wait3A_301 = arith.constant 0 : i32
        %dma_wait3A_302 = tpu.memref_slice %arg10[%dma_wait3A_300, %dma_wait3A_301] : memref<2x120xi32, #tpu.memory_space<vmem>> -> memref<1x120xi32, #tpu.memory_space<vmem>>
        %dma_wait3A_303 = tpu.memref_squeeze %dma_wait3A_302 : memref<1x120xi32, #tpu.memory_space<vmem>> -> memref<120xi32, #tpu.memory_space<vmem>>
        %dma_wait3A_304 = tpu.memref_slice %arg2[%mul3A_6] : memref<960000xi32, #tpu.memory_space<hbm>> -> memref<120xi32, #tpu.memory_space<hbm>>
        %dma_wait3A_305 = arith.constant 0 : i32
        %dma_wait3A_306 = tpu.memref_slice %arg10[%dma_wait3A_300, %dma_wait3A_305] : memref<2x120xi32, #tpu.memory_space<vmem>> -> memref<1x120xi32, #tpu.memory_space<vmem>>
        %dma_wait3A_307 = tpu.memref_squeeze %dma_wait3A_306 : memref<1x120xi32, #tpu.memory_space<vmem>> -> memref<120xi32, #tpu.memory_space<vmem>>
        %dma_wait3A_308 = tpu.memref_slice %arg2[%mul3A_6] : memref<960000xi32, #tpu.memory_space<hbm>> -> memref<120xi32, #tpu.memory_space<hbm>>
        tpu.wait_dma2 semaphore(%arg28 : memref<!tpu.dma_semaphore, #tpu.memory_space<semaphore_mem>>) src(%dma_wait3A_308 : memref<120xi32, #tpu.memory_space<hbm>>) dst(%dma_wait3A_307 : memref<120xi32, #tpu.memory_space<vmem>>)
        %get3A_309 = arith.constant 1 : i32
        %get3A_310 = arith.index_cast %get3A_309 : i32 to index
        %get3A_311 = arith.constant 0 : index
        %get3A_312 = tpu.vector_load %arg10[%get3A_310, %get3A_311] {strides = array<i32>} : memref<2x120xi32, #tpu.memory_space<vmem>>, vector<16xi32>,
        %get3A_313 = arith.constant 1 : i32
        %get3A_314 = arith.index_cast %get3A_313 : i32 to index
        %get3A_315 = arith.constant 40 : index
        %get3A_316 = tpu.vector_load %arg10[%get3A_314, %get3A_315] {strides = array<i32>} : memref<2x120xi32, #tpu.memory_space<vmem>>, vector<16xi32>,
        %get3A_317 = arith.constant 1 : i32
        %get3A_318 = arith.index_cast %get3A_317 : i32 to index
        %get3A_319 = arith.constant 80 : index
        %get3A_320 = tpu.vector_load %arg10[%get3A_318, %get3A_319] {strides = array<i32>} : memref<2x120xi32, #tpu.memory_space<vmem>>, vector<16xi32>,
        %mul3A_321 = arith.constant 10240 : i32
        %mul3A_322 = vector.broadcast %mul3A_321 : i32 to vector<16xi32>
        %mul3A_323 = arith.muli %get3A_320, %mul3A_322 : vector<16xi32>
        %add3A_324 = arith.addi %mul3A_323, %get3A_312 : vector<16xi32>
        %swap3A_325 = arith.constant 0 : index
        %swap3A_326 = tpu.vector_load %arg12[%swap3A_325] {strides = array<i32>} : memref<40xi32, #tpu.memory_space<vmem>>, vector<16xi32>,
        tpu.vector_store %arg12[%swap3A_325], %add3A_324 {strides = array<i32>} : memref<40xi32, #tpu.memory_space<vmem>>, vector<16xi32>,
        %add3A_327 = arith.addi %mul3A_323, %get3A_316 : vector<16xi32>
        %swap3A_328 = arith.constant 0 : index
        %swap3A_329 = tpu.vector_load %arg14[%swap3A_328] {strides = array<i32>} : memref<40xi32, #tpu.memory_space<vmem>>, vector<16xi32>,
        tpu.vector_store %arg14[%swap3A_328], %add3A_327 {strides = array<i32>} : memref<40xi32, #tpu.memory_space<vmem>>, vector<16xi32>,
        %swap3A_330 = arith.constant 0 : index
        %swap3A_331 = tpu.vector_load %arg16[%swap3A_330] {strides = array<i32>} : memref<40xi32, #tpu.memory_space<vmem>>, vector<16xi32>,
        tpu.vector_store %arg16[%swap3A_330], %get3A_312 {strides = array<i32>} : memref<40xi32, #tpu.memory_space<vmem>>, vector<16xi32>,
        %swap3A_332 = arith.constant 0 : index
        %swap3A_333 = tpu.vector_load %arg18[%swap3A_332] {strides = array<i32>} : memref<40xi32, #tpu.memory_space<vmem>>, vector<16xi32>,
        tpu.vector_store %arg18[%swap3A_332], %get3A_316 {strides = array<i32>} : memref<40xi32, #tpu.memory_space<vmem>>, vector<16xi32>,
        %shift_right_logical3A_334 = arith.constant 4 : i32
        %shift_right_logical3A_335 = vector.broadcast %shift_right_logical3A_334 : i32 to vector<16xi32>
        %shift_right_logical3A_336 = arith.shrui %get3A_316, %shift_right_logical3A_335 : vector<16xi32>
        %swap3A_337 = arith.constant 0 : index
        %swap3A_338 = tpu.vector_load %arg20[%swap3A_337] {strides = array<i32>} : memref<40xi32, #tpu.memory_space<vmem>>, vector<16xi32>,
        tpu.vector_store %arg20[%swap3A_337], %shift_right_logical3A_336 {strides = array<i32>} : memref<40xi32, #tpu.memory_space<vmem>>, vector<16xi32>,
        %and3A_339 = arith.constant 15 : i32
        %and3A_340 = vector.broadcast %and3A_339 : i32 to vector<16xi32>
        %and3A_341 = arith.andi %get3A_316, %and3A_340 : vector<16xi32>
        %swap3A_342 = arith.constant 1 : i32
        %swap3A_343 = arith.index_cast %swap3A_342 : i32 to index
        %swap3A_344 = arith.constant 0 : index
        %swap3A_345 = tpu.vector_load %arg21[%swap3A_343, %swap3A_344] {strides = array<i32>} : memref<2x56xi32, #tpu.memory_space<vmem>>, vector<16xi32>,
        tpu.vector_store %arg21[%swap3A_343, %swap3A_344], %and3A_341 {strides = array<i32>} : memref<2x56xi32, #tpu.memory_space<vmem>>, vector<16xi32>,
        %get3A_346 = arith.constant 1 : i32
        %get3A_347 = arith.index_cast %get3A_346 : i32 to index
        %get3A_348 = arith.constant 16 : index
        %get3A_349 = tpu.vector_load %arg10[%get3A_347, %get3A_348] {strides = array<i32>} : memref<2x120xi32, #tpu.memory_space<vmem>>, vector<16xi32>,
        %get3A_350 = arith.constant 1 : i32
        %get3A_351 = arith.index_cast %get3A_350 : i32 to index
        %get3A_352 = arith.constant 56 : index
        %get3A_353 = tpu.vector_load %arg10[%get3A_351, %get3A_352] {strides = array<i32>} : memref<2x120xi32, #tpu.memory_space<vmem>>, vector<16xi32>,
        %get3A_354 = arith.constant 1 : i32
        %get3A_355 = arith.index_cast %get3A_354 : i32 to index
        %get3A_356 = arith.constant 96 : index
        %get3A_357 = tpu.vector_load %arg10[%get3A_355, %get3A_356] {strides = array<i32>} : memref<2x120xi32, #tpu.memory_space<vmem>>, vector<16xi32>,
        %mul3A_358 = arith.constant 10240 : i32
        %mul3A_359 = vector.broadcast %mul3A_358 : i32 to vector<16xi32>
        %mul3A_360 = arith.muli %get3A_357, %mul3A_359 : vector<16xi32>
        %add3A_361 = arith.addi %mul3A_360, %get3A_349 : vector<16xi32>
        %swap3A_362 = arith.constant 16 : index
        %swap3A_363 = tpu.vector_load %arg12[%swap3A_362] {strides = array<i32>} : memref<40xi32, #tpu.memory_space<vmem>>, vector<16xi32>,
        tpu.vector_store %arg12[%swap3A_362], %add3A_361 {strides = array<i32>} : memref<40xi32, #tpu.memory_space<vmem>>, vector<16xi32>,
        %add3A_364 = arith.addi %mul3A_360, %get3A_353 : vector<16xi32>
        %swap3A_365 = arith.constant 16 : index
        %swap3A_366 = tpu.vector_load %arg14[%swap3A_365] {strides = array<i32>} : memref<40xi32, #tpu.memory_space<vmem>>, vector<16xi32>,
        tpu.vector_store %arg14[%swap3A_365], %add3A_364 {strides = array<i32>} : memref<40xi32, #tpu.memory_space<vmem>>, vector<16xi32>,
        %swap3A_367 = arith.constant 16 : index
        %swap3A_368 = tpu.vector_load %arg16[%swap3A_367] {strides = array<i32>} : memref<40xi32, #tpu.memory_space<vmem>>, vector<16xi32>,
        tpu.vector_store %arg16[%swap3A_367], %get3A_349 {strides = array<i32>} : memref<40xi32, #tpu.memory_space<vmem>>, vector<16xi32>,
        %swap3A_369 = arith.constant 16 : index
        %swap3A_370 = tpu.vector_load %arg18[%swap3A_369] {strides = array<i32>} : memref<40xi32, #tpu.memory_space<vmem>>, vector<16xi32>,
        tpu.vector_store %arg18[%swap3A_369], %get3A_353 {strides = array<i32>} : memref<40xi32, #tpu.memory_space<vmem>>, vector<16xi32>,
        %shift_right_logical3A_371 = arith.constant 4 : i32
        %shift_right_logical3A_372 = vector.broadcast %shift_right_logical3A_371 : i32 to vector<16xi32>
        %shift_right_logical3A_373 = arith.shrui %get3A_353, %shift_right_logical3A_372 : vector<16xi32>
        %swap3A_374 = arith.constant 16 : index
        %swap3A_375 = tpu.vector_load %arg20[%swap3A_374] {strides = array<i32>} : memref<40xi32, #tpu.memory_space<vmem>>, vector<16xi32>,
        tpu.vector_store %arg20[%swap3A_374], %shift_right_logical3A_373 {strides = array<i32>} : memref<40xi32, #tpu.memory_space<vmem>>, vector<16xi32>,
        %and3A_376 = arith.constant 15 : i32
        %and3A_377 = vector.broadcast %and3A_376 : i32 to vector<16xi32>
        %and3A_378 = arith.andi %get3A_353, %and3A_377 : vector<16xi32>
        %swap3A_379 = arith.constant 1 : i32
        %swap3A_380 = arith.index_cast %swap3A_379 : i32 to index
        %swap3A_381 = arith.constant 16 : index
        %swap3A_382 = tpu.vector_load %arg21[%swap3A_380, %swap3A_381] {strides = array<i32>} : memref<2x56xi32, #tpu.memory_space<vmem>>, vector<16xi32>,
        tpu.vector_store %arg21[%swap3A_380, %swap3A_381], %and3A_378 {strides = array<i32>} : memref<2x56xi32, #tpu.memory_space<vmem>>, vector<16xi32>,
        %get3A_383 = arith.constant 1 : i32
        %get3A_384 = arith.index_cast %get3A_383 : i32 to index
        %get3A_385 = arith.constant 24 : index
        %get3A_386 = tpu.vector_load %arg10[%get3A_384, %get3A_385] {strides = array<i32>} : memref<2x120xi32, #tpu.memory_space<vmem>>, vector<16xi32>,
        %get3A_387 = arith.constant 1 : i32
        %get3A_388 = arith.index_cast %get3A_387 : i32 to index
        %get3A_389 = arith.constant 64 : index
        %get3A_390 = tpu.vector_load %arg10[%get3A_388, %get3A_389] {strides = array<i32>} : memref<2x120xi32, #tpu.memory_space<vmem>>, vector<16xi32>,
        %get3A_391 = arith.constant 1 : i32
        %get3A_392 = arith.index_cast %get3A_391 : i32 to index
        %get3A_393 = arith.constant 104 : index
        %get3A_394 = tpu.vector_load %arg10[%get3A_392, %get3A_393] {strides = array<i32>} : memref<2x120xi32, #tpu.memory_space<vmem>>, vector<16xi32>,
        %mul3A_395 = arith.constant 10240 : i32
        %mul3A_396 = vector.broadcast %mul3A_395 : i32 to vector<16xi32>
        %mul3A_397 = arith.muli %get3A_394, %mul3A_396 : vector<16xi32>
        %add3A_398 = arith.addi %mul3A_397, %get3A_386 : vector<16xi32>
        %swap3A_399 = arith.constant 24 : index
        %swap3A_400 = tpu.vector_load %arg12[%swap3A_399] {strides = array<i32>} : memref<40xi32, #tpu.memory_space<vmem>>, vector<16xi32>,
        tpu.vector_store %arg12[%swap3A_399], %add3A_398 {strides = array<i32>} : memref<40xi32, #tpu.memory_space<vmem>>, vector<16xi32>,
        %add3A_401 = arith.addi %mul3A_397, %get3A_390 : vector<16xi32>
        %swap3A_402 = arith.constant 24 : index
        %swap3A_403 = tpu.vector_load %arg14[%swap3A_402] {strides = array<i32>} : memref<40xi32, #tpu.memory_space<vmem>>, vector<16xi32>,
        tpu.vector_store %arg14[%swap3A_402], %add3A_401 {strides = array<i32>} : memref<40xi32, #tpu.memory_space<vmem>>, vector<16xi32>,
        %swap3A_404 = arith.constant 24 : index
        %swap3A_405 = tpu.vector_load %arg16[%swap3A_404] {strides = array<i32>} : memref<40xi32, #tpu.memory_space<vmem>>, vector<16xi32>,
        tpu.vector_store %arg16[%swap3A_404], %get3A_386 {strides = array<i32>} : memref<40xi32, #tpu.memory_space<vmem>>, vector<16xi32>,
        %swap3A_406 = arith.constant 24 : index
        %swap3A_407 = tpu.vector_load %arg18[%swap3A_406] {strides = array<i32>} : memref<40xi32, #tpu.memory_space<vmem>>, vector<16xi32>,
        tpu.vector_store %arg18[%swap3A_406], %get3A_390 {strides = array<i32>} : memref<40xi32, #tpu.memory_space<vmem>>, vector<16xi32>,
        %shift_right_logical3A_408 = arith.constant 4 : i32
        %shift_right_logical3A_409 = vector.broadcast %shift_right_logical3A_408 : i32 to vector<16xi32>
        %shift_right_logical3A_410 = arith.shrui %get3A_390, %shift_right_logical3A_409 : vector<16xi32>
        %swap3A_411 = arith.constant 24 : index
        %swap3A_412 = tpu.vector_load %arg20[%swap3A_411] {strides = array<i32>} : memref<40xi32, #tpu.memory_space<vmem>>, vector<16xi32>,
        tpu.vector_store %arg20[%swap3A_411], %shift_right_logical3A_410 {strides = array<i32>} : memref<40xi32, #tpu.memory_space<vmem>>, vector<16xi32>,
        %and3A_413 = arith.constant 15 : i32
        %and3A_414 = vector.broadcast %and3A_413 : i32 to vector<16xi32>
        %and3A_415 = arith.andi %get3A_390, %and3A_414 : vector<16xi32>
        %swap3A_416 = arith.constant 1 : i32
        %swap3A_417 = arith.index_cast %swap3A_416 : i32 to index
        %swap3A_418 = arith.constant 24 : index
        %swap3A_419 = tpu.vector_load %arg21[%swap3A_417, %swap3A_418] {strides = array<i32>} : memref<2x56xi32, #tpu.memory_space<vmem>>, vector<16xi32>,
        tpu.vector_store %arg21[%swap3A_417, %swap3A_418], %and3A_415 {strides = array<i32>} : memref<2x56xi32, #tpu.memory_space<vmem>>, vector<16xi32>,
        %add3A_420 = arith.constant 2 : i32
        %add3A_421 = arith.addi %add3A_181, %add3A_420 : i32
        %lt3A_422 = arith.constant 250 : i32
        %lt3A_423 = arith.cmpi slt, %add3A_421, %lt3A_422 : i32
        %convert_element_type3A_424 = arith.extui %lt3A_423 : i1 to i32
        %cond3A_425 = arith.constant 0 : i32
        %cond3A_426 = arith.cmpi ne, %convert_element_type3A_424, %cond3A_425 : i32
        scf.if %cond3A_426 {
          %add3A_451 = arith.constant 2 : i32
          %add3A_452 = arith.addi %add3A_181, %add3A_451 : i32
          %mul3A_453 = arith.constant 3 : i32
          %mul3A_454 = arith.muli %add3A_452, %mul3A_453 : i32
          %mul3A_455 = arith.constant 40 : i32
          %mul3A_456 = arith.muli %mul3A_454, %mul3A_455 : i32
          %add3A_457 = arith.addi %mul3A_6, %mul3A_456 : i32
          %dma_start3A_458 = arith.constant 0 : i32
          %dma_start3A_459 = arith.constant 0 : i32
          %dma_start3A_460 = tpu.memref_slice %arg10[%dma_start3A_458, %dma_start3A_459] : memref<2x120xi32, #tpu.memory_space<vmem>> -> memref<1x120xi32, #tpu.memory_space<vmem>>
          %dma_start3A_461 = tpu.memref_squeeze %dma_start3A_460 : memref<1x120xi32, #tpu.memory_space<vmem>> -> memref<120xi32, #tpu.memory_space<vmem>>
          %dma_start3A_462 = tpu.memref_slice %arg2[%add3A_457] : memref<960000xi32, #tpu.memory_space<hbm>> -> memref<120xi32, #tpu.memory_space<hbm>>
          %dma_start3A_463 = arith.constant 0 : i32
          %dma_start3A_464 = tpu.memref_slice %arg10[%dma_start3A_458, %dma_start3A_463] : memref<2x120xi32, #tpu.memory_space<vmem>> -> memref<1x120xi32, #tpu.memory_space<vmem>>
          %dma_start3A_465 = tpu.memref_squeeze %dma_start3A_464 : memref<1x120xi32, #tpu.memory_space<vmem>> -> memref<120xi32, #tpu.memory_space<vmem>>
          %dma_start3A_466 = tpu.memref_slice %arg2[%add3A_457] : memref<960000xi32, #tpu.memory_space<hbm>> -> memref<120xi32, #tpu.memory_space<hbm>>
          tpu.enqueue_dma source(%dma_start3A_466 : memref<120xi32, #tpu.memory_space<hbm>>) target(%dma_start3A_465 : memref<120xi32, #tpu.memory_space<vmem>>) target_semaphore(%arg28 : memref<!tpu.dma_semaphore, #tpu.memory_space<semaphore_mem>>)
        } else {
        }
        %dma_start3A_427 = arith.constant 1 : i32
        %dma_start3A_428 = arith.constant 0 : i32
        %dma_start3A_429 = arith.constant 0 : i32
        %dma_start3A_430 = tpu.memref_slice %arg22[%dma_start3A_427, %dma_start3A_428, %dma_start3A_429] : memref<2x40x128xf32, #tpu.memory_space<vmem>> -> memref<1x40x128xf32, #tpu.memory_space<vmem>>
        %dma_start3A_431 = tpu.memref_squeeze %dma_start3A_430 : memref<1x40x128xf32, #tpu.memory_space<vmem>> -> memref<40x128xf32, #tpu.memory_space<vmem>>
        %dma_start3A_432 = arith.constant 0 : i32
        %dma_start3A_433 = arith.constant 0 : i32
        %dma_start3A_434 = tpu.memref_slice %arg3[%dma_start3A_432, %dma_start3A_433] : memref<81920x128xf32, #tpu.memory_space<hbm>> -> memref<81920x128xf32, #tpu.memory_space<hbm>>
        tpu.enqueue_indirect_dma source(%dma_start3A_434 : memref<81920x128xf32, #tpu.memory_space<hbm>>) target(%dma_start3A_431 : memref<40x128xf32, #tpu.memory_space<vmem>>) offsets(%arg12 : memref<40xi32, #tpu.memory_space<vmem>>) semaphore(%arg30 : memref<!tpu.dma_semaphore, #tpu.memory_space<semaphore_mem>>)
        %dma_start3A_435 = arith.constant 1 : i32
        %dma_start3A_436 = arith.constant 0 : i32
        %dma_start3A_437 = arith.constant 0 : i32
        %dma_start3A_438 = tpu.memref_slice %arg23[%dma_start3A_435, %dma_start3A_436, %dma_start3A_437] : memref<2x40x128xf32, #tpu.memory_space<vmem>> -> memref<1x40x128xf32, #tpu.memory_space<vmem>>
        %dma_start3A_439 = tpu.memref_squeeze %dma_start3A_438 : memref<1x40x128xf32, #tpu.memory_space<vmem>> -> memref<40x128xf32, #tpu.memory_space<vmem>>
        %dma_start3A_440 = arith.constant 0 : i32
        %dma_start3A_441 = arith.constant 0 : i32
        %dma_start3A_442 = tpu.memref_slice %arg4[%dma_start3A_440, %dma_start3A_441] : memref<81920x128xf32, #tpu.memory_space<hbm>> -> memref<81920x128xf32, #tpu.memory_space<hbm>>
        tpu.enqueue_indirect_dma source(%dma_start3A_442 : memref<81920x128xf32, #tpu.memory_space<hbm>>) target(%dma_start3A_439 : memref<40x128xf32, #tpu.memory_space<vmem>>) offsets(%arg14 : memref<40xi32, #tpu.memory_space<vmem>>) semaphore(%arg30 : memref<!tpu.dma_semaphore, #tpu.memory_space<semaphore_mem>>)
        %dma_start3A_443 = arith.constant 1 : i32
        %dma_start3A_444 = arith.constant 0 : i32
        %dma_start3A_445 = arith.constant 0 : i32
        %dma_start3A_446 = tpu.memref_slice %arg24[%dma_start3A_443, %dma_start3A_444, %dma_start3A_445] : memref<2x40x128xf32, #tpu.memory_space<vmem>> -> memref<1x40x128xf32, #tpu.memory_space<vmem>>
        %dma_start3A_447 = tpu.memref_squeeze %dma_start3A_446 : memref<1x40x128xf32, #tpu.memory_space<vmem>> -> memref<40x128xf32, #tpu.memory_space<vmem>>
        %dma_start3A_448 = arith.constant 0 : i32
        %dma_start3A_449 = arith.constant 0 : i32
        %dma_start3A_450 = tpu.memref_slice %arg5[%dma_start3A_448, %dma_start3A_449] : memref<10240x128xf32, #tpu.memory_space<hbm>> -> memref<10240x128xf32, #tpu.memory_space<hbm>>
        tpu.enqueue_indirect_dma source(%dma_start3A_450 : memref<10240x128xf32, #tpu.memory_space<hbm>>) target(%dma_start3A_447 : memref<40x128xf32, #tpu.memory_space<vmem>>) offsets(%arg16 : memref<40xi32, #tpu.memory_space<vmem>>) semaphore(%arg30 : memref<!tpu.dma_semaphore, #tpu.memory_space<semaphore_mem>>)
      } else {
      }
      %dma_wait3A_190 = arith.constant 0 : i32
      %dma_wait3A_191 = arith.constant 0 : i32
      %dma_wait3A_192 = arith.constant 0 : i32
      %dma_wait3A_193 = tpu.memref_slice %arg22[%dma_wait3A_190, %dma_wait3A_191, %dma_wait3A_192] : memref<2x40x128xf32, #tpu.memory_space<vmem>> -> memref<1x40x128xf32, #tpu.memory_space<vmem>>
      %dma_wait3A_194 = tpu.memref_squeeze %dma_wait3A_193 : memref<1x40x128xf32, #tpu.memory_space<vmem>> -> memref<40x128xf32, #tpu.memory_space<vmem>>
      %dma_wait3A_195 = arith.constant 0 : i32
      %dma_wait3A_196 = arith.constant 0 : i32
      %dma_wait3A_197 = tpu.memref_slice %arg3[%dma_wait3A_195, %dma_wait3A_196] : memref<81920x128xf32, #tpu.memory_space<hbm>> -> memref<81920x128xf32, #tpu.memory_space<hbm>>
      tpu.wait_indirect_dma semaphore(%arg29 : memref<!tpu.dma_semaphore, #tpu.memory_space<semaphore_mem>>) src(%dma_wait3A_197 : memref<81920x128xf32, #tpu.memory_space<hbm>>) dst(%dma_wait3A_194 : memref<40x128xf32, #tpu.memory_space<vmem>>)
      %dma_wait3A_198 = arith.constant 0 : i32
      %dma_wait3A_199 = arith.constant 0 : i32
      %dma_wait3A_200 = arith.constant 0 : i32
      %dma_wait3A_201 = tpu.memref_slice %arg23[%dma_wait3A_198, %dma_wait3A_199, %dma_wait3A_200] : memref<2x40x128xf32, #tpu.memory_space<vmem>> -> memref<1x40x128xf32, #tpu.memory_space<vmem>>
      %dma_wait3A_202 = tpu.memref_squeeze %dma_wait3A_201 : memref<1x40x128xf32, #tpu.memory_space<vmem>> -> memref<40x128xf32, #tpu.memory_space<vmem>>
      %dma_wait3A_203 = arith.constant 0 : i32
      %dma_wait3A_204 = arith.constant 0 : i32
      %dma_wait3A_205 = tpu.memref_slice %arg4[%dma_wait3A_203, %dma_wait3A_204] : memref<81920x128xf32, #tpu.memory_space<hbm>> -> memref<81920x128xf32, #tpu.memory_space<hbm>>
      tpu.wait_indirect_dma semaphore(%arg29 : memref<!tpu.dma_semaphore, #tpu.memory_space<semaphore_mem>>) src(%dma_wait3A_205 : memref<81920x128xf32, #tpu.memory_space<hbm>>) dst(%dma_wait3A_202 : memref<40x128xf32, #tpu.memory_space<vmem>>)
      %dma_wait3A_206 = arith.constant 0 : i32
      %dma_wait3A_207 = arith.constant 0 : i32
      %dma_wait3A_208 = arith.constant 0 : i32
      %dma_wait3A_209 = tpu.memref_slice %arg24[%dma_wait3A_206, %dma_wait3A_207, %dma_wait3A_208] : memref<2x40x128xf32, #tpu.memory_space<vmem>> -> memref<1x40x128xf32, #tpu.memory_space<vmem>>
      %dma_wait3A_210 = tpu.memref_squeeze %dma_wait3A_209 : memref<1x40x128xf32, #tpu.memory_space<vmem>> -> memref<40x128xf32, #tpu.memory_space<vmem>>
      %dma_wait3A_211 = arith.constant 0 : i32
      %dma_wait3A_212 = arith.constant 0 : i32
      %dma_wait3A_213 = tpu.memref_slice %arg5[%dma_wait3A_211, %dma_wait3A_212] : memref<10240x128xf32, #tpu.memory_space<hbm>> -> memref<10240x128xf32, #tpu.memory_space<hbm>>
      tpu.wait_indirect_dma semaphore(%arg29 : memref<!tpu.dma_semaphore, #tpu.memory_space<semaphore_mem>>) src(%dma_wait3A_213 : memref<10240x128xf32, #tpu.memory_space<hbm>>) dst(%dma_wait3A_210 : memref<40x128xf32, #tpu.memory_space<vmem>>)
      %scan3A_214 = arith.constant 0 : i32
      %scan3A_215 = arith.constant 0 : i32
      %scan3A_216 = arith.constant 40 : i32
      %scan3A_217 = arith.addi %scan3A_215, %scan3A_216 : i32
      %scan3A_218 = arith.constant 1 : i32
      %scan3A_219 = scf.for %scan3A_300 = %scan3A_215 to %scan3A_217 step %scan3A_218 iter_args(%scan3A_301 = %scan3A_214) -> (i32)  : i32 {
        %get3A_302 = arith.constant 0 : i32
        %get3A_303 = arith.index_cast %get3A_302 : i32 to index
        %get3A_304 = arith.index_cast %scan3A_300 : i32 to index
        %get3A_305 = arith.constant 0 : index
        %get3A_306 = tpu.vector_load %arg22[%get3A_303, %get3A_304, %get3A_305] {strides = array<i32>} : memref<2x40x128xf32, #tpu.memory_space<vmem>>, vector<16xf32>,
        %get3A_307 = arith.constant 0 : i32
        %get3A_308 = arith.index_cast %get3A_307 : i32 to index
        %get3A_309 = arith.index_cast %scan3A_300 : i32 to index
        %get3A_310 = arith.constant 0 : index
        %get3A_311 = tpu.vector_load %arg23[%get3A_308, %get3A_309, %get3A_310] {strides = array<i32>} : memref<2x40x128xf32, #tpu.memory_space<vmem>>, vector<16xf32>,
        %mul3A_312 = arith.mulf %get3A_306, %get3A_311 : vector<16xf32>
        %get3A_313 = arith.constant 0 : i32
        %get3A_314 = arith.index_cast %get3A_313 : i32 to index
        %get3A_315 = arith.index_cast %scan3A_300 : i32 to index
        %get3A_316 = arith.constant 16 : index
        %get3A_317 = tpu.vector_load %arg22[%get3A_314, %get3A_315, %get3A_316] {strides = array<i32>} : memref<2x40x128xf32, #tpu.memory_space<vmem>>, vector<16xf32>,
        %get3A_318 = arith.constant 0 : i32
        %get3A_319 = arith.index_cast %get3A_318 : i32 to index
        %get3A_320 = arith.index_cast %scan3A_300 : i32 to index
        %get3A_321 = arith.constant 16 : index
        %get3A_322 = tpu.vector_load %arg23[%get3A_319, %get3A_320, %get3A_321] {strides = array<i32>} : memref<2x40x128xf32, #tpu.memory_space<vmem>>, vector<16xf32>,
        %mul3A_323 = arith.mulf %get3A_317, %get3A_322 : vector<16xf32>
        %add3A_324 = arith.addf %mul3A_312, %mul3A_323 : vector<16xf32>
        %get3A_325 = arith.constant 0 : i32
        %get3A_326 = arith.index_cast %get3A_325 : i32 to index
        %get3A_327 = arith.index_cast %scan3A_300 : i32 to index
        %get3A_328 = arith.constant 32 : index
        %get3A_329 = tpu.vector_load %arg22[%get3A_326, %get3A_327, %get3A_328] {strides = array<i32>} : memref<2x40x128xf32, #tpu.memory_space<vmem>>, vector<16xf32>,
        %get3A_330 = arith.constant 0 : i32
        %get3A_331 = arith.index_cast %get3A_330 : i32 to index
        %get3A_332 = arith.index_cast %scan3A_300 : i32 to index
        %get3A_333 = arith.constant 32 : index
        %get3A_334 = tpu.vector_load %arg23[%get3A_331, %get3A_332, %get3A_333] {strides = array<i32>} : memref<2x40x128xf32, #tpu.memory_space<vmem>>, vector<16xf32>,
        %mul3A_335 = arith.mulf %get3A_329, %get3A_334 : vector<16xf32>
        %add3A_336 = arith.addf %add3A_324, %mul3A_335 : vector<16xf32>
        %get3A_337 = arith.constant 0 : i32
        %get3A_338 = arith.index_cast %get3A_337 : i32 to index
        %get3A_339 = arith.index_cast %scan3A_300 : i32 to index
        %get3A_340 = arith.constant 48 : index
        %get3A_341 = tpu.vector_load %arg22[%get3A_338, %get3A_339, %get3A_340] {strides = array<i32>} : memref<2x40x128xf32, #tpu.memory_space<vmem>>, vector<16xf32>,
        %get3A_342 = arith.constant 0 : i32
        %get3A_343 = arith.index_cast %get3A_342 : i32 to index
        %get3A_344 = arith.index_cast %scan3A_300 : i32 to index
        %get3A_345 = arith.constant 48 : index
        %get3A_346 = tpu.vector_load %arg23[%get3A_343, %get3A_344, %get3A_345] {strides = array<i32>} : memref<2x40x128xf32, #tpu.memory_space<vmem>>, vector<16xf32>,
        %mul3A_347 = arith.mulf %get3A_341, %get3A_346 : vector<16xf32>
        %add3A_348 = arith.addf %add3A_336, %mul3A_347 : vector<16xf32>
        %get3A_349 = arith.constant 0 : i32
        %get3A_350 = arith.index_cast %get3A_349 : i32 to index
        %get3A_351 = arith.index_cast %scan3A_300 : i32 to index
        %get3A_352 = arith.constant 64 : index
        %get3A_353 = tpu.vector_load %arg22[%get3A_350, %get3A_351, %get3A_352] {strides = array<i32>} : memref<2x40x128xf32, #tpu.memory_space<vmem>>, vector<16xf32>,
        %get3A_354 = arith.constant 0 : i32
        %get3A_355 = arith.index_cast %get3A_354 : i32 to index
        %get3A_356 = arith.index_cast %scan3A_300 : i32 to index
        %get3A_357 = arith.constant 64 : index
        %get3A_358 = tpu.vector_load %arg23[%get3A_355, %get3A_356, %get3A_357] {strides = array<i32>} : memref<2x40x128xf32, #tpu.memory_space<vmem>>, vector<16xf32>,
        %mul3A_359 = arith.mulf %get3A_353, %get3A_358 : vector<16xf32>
        %add3A_360 = arith.addf %add3A_348, %mul3A_359 : vector<16xf32>
        %get3A_361 = arith.constant 0 : i32
        %get3A_362 = arith.index_cast %get3A_361 : i32 to index
        %get3A_363 = arith.index_cast %scan3A_300 : i32 to index
        %get3A_364 = arith.constant 80 : index
        %get3A_365 = tpu.vector_load %arg22[%get3A_362, %get3A_363, %get3A_364] {strides = array<i32>} : memref<2x40x128xf32, #tpu.memory_space<vmem>>, vector<16xf32>,
        %get3A_366 = arith.constant 0 : i32
        %get3A_367 = arith.index_cast %get3A_366 : i32 to index
        %get3A_368 = arith.index_cast %scan3A_300 : i32 to index
        %get3A_369 = arith.constant 80 : index
        %get3A_370 = tpu.vector_load %arg23[%get3A_367, %get3A_368, %get3A_369] {strides = array<i32>} : memref<2x40x128xf32, #tpu.memory_space<vmem>>, vector<16xf32>,
        %mul3A_371 = arith.mulf %get3A_365, %get3A_370 : vector<16xf32>
        %add3A_372 = arith.addf %add3A_360, %mul3A_371 : vector<16xf32>
        %get3A_373 = arith.constant 0 : i32
        %get3A_374 = arith.index_cast %get3A_373 : i32 to index
        %get3A_375 = arith.index_cast %scan3A_300 : i32 to index
        %get3A_376 = arith.constant 96 : index
        %get3A_377 = tpu.vector_load %arg22[%get3A_374, %get3A_375, %get3A_376] {strides = array<i32>} : memref<2x40x128xf32, #tpu.memory_space<vmem>>, vector<16xf32>,
        %get3A_378 = arith.constant 0 : i32
        %get3A_379 = arith.index_cast %get3A_378 : i32 to index
        %get3A_380 = arith.index_cast %scan3A_300 : i32 to index
        %get3A_381 = arith.constant 96 : index
        %get3A_382 = tpu.vector_load %arg23[%get3A_379, %get3A_380, %get3A_381] {strides = array<i32>} : memref<2x40x128xf32, #tpu.memory_space<vmem>>, vector<16xf32>,
        %mul3A_383 = arith.mulf %get3A_377, %get3A_382 : vector<16xf32>
        %add3A_384 = arith.addf %add3A_372, %mul3A_383 : vector<16xf32>
        %get3A_385 = arith.constant 0 : i32
        %get3A_386 = arith.index_cast %get3A_385 : i32 to index
        %get3A_387 = arith.index_cast %scan3A_300 : i32 to index
        %get3A_388 = arith.constant 112 : index
        %get3A_389 = tpu.vector_load %arg22[%get3A_386, %get3A_387, %get3A_388] {strides = array<i32>} : memref<2x40x128xf32, #tpu.memory_space<vmem>>, vector<16xf32>,
        %get3A_390 = arith.constant 0 : i32
        %get3A_391 = arith.index_cast %get3A_390 : i32 to index
        %get3A_392 = arith.index_cast %scan3A_300 : i32 to index
        %get3A_393 = arith.constant 112 : index
        %get3A_394 = tpu.vector_load %arg23[%get3A_391, %get3A_392, %get3A_393] {strides = array<i32>} : memref<2x40x128xf32, #tpu.memory_space<vmem>>, vector<16xf32>,
        %mul3A_395 = arith.mulf %get3A_389, %get3A_394 : vector<16xf32>
        %add3A_396 = arith.addf %add3A_384, %mul3A_395 : vector<16xf32>
        %reduce_sum3A = arith.constant true
        %reduce_sum3A_397 = vector.broadcast %reduce_sum3A : i1 to vector<16xi1>
        %reduce_sum3A_398 = tpu.scan <sum>, %add3A_396 masked %reduce_sum3A_397 : vector<16xf32>, vector<16xi1> -> vector<16xf32>
        %reduce_sum3A_399 = vector.extract %reduce_sum3A_398[15] : f32 from vector<16xf32>
        %broadcast_in_dim3A = vector.broadcast %reduce_sum3A_399 : f32 to vector<16xf32>
        %exp3A = math.exp %broadcast_in_dim3A : vector<16xf32>
        %get3A_400 = arith.constant 0 : i32
        %get3A_401 = arith.index_cast %get3A_400 : i32 to index
        %get3A_402 = arith.index_cast %scan3A_300 : i32 to index
        %get3A_403 = arith.constant 0 : index
        %get3A_404 = tpu.vector_load %arg24[%get3A_401, %get3A_402, %get3A_403] {strides = array<i32>} : memref<2x40x128xf32, #tpu.memory_space<vmem>>, vector<16xf32>,
        %mul3A_405 = arith.mulf %get3A_404, %exp3A : vector<16xf32>
        %swap3A_406 = arith.constant 0 : i32
        %swap3A_407 = arith.index_cast %swap3A_406 : i32 to index
        %swap3A_408 = arith.index_cast %scan3A_300 : i32 to index
        %swap3A_409 = arith.constant 0 : index
        %swap3A_410 = tpu.vector_load %arg24[%swap3A_407, %swap3A_408, %swap3A_409] {strides = array<i32>} : memref<2x40x128xf32, #tpu.memory_space<vmem>>, vector<16xf32>,
        tpu.vector_store %arg24[%swap3A_407, %swap3A_408, %swap3A_409], %mul3A_405 {strides = array<i32>} : memref<2x40x128xf32, #tpu.memory_space<vmem>>, vector<16xf32>,
        %get3A_411 = arith.constant 0 : i32
        %get3A_412 = arith.index_cast %get3A_411 : i32 to index
        %get3A_413 = arith.index_cast %scan3A_300 : i32 to index
        %get3A_414 = arith.constant 16 : index
        %get3A_415 = tpu.vector_load %arg24[%get3A_412, %get3A_413, %get3A_414] {strides = array<i32>} : memref<2x40x128xf32, #tpu.memory_space<vmem>>, vector<16xf32>,
        %mul3A_416 = arith.mulf %get3A_415, %exp3A : vector<16xf32>
        %swap3A_417 = arith.constant 0 : i32
        %swap3A_418 = arith.index_cast %swap3A_417 : i32 to index
        %swap3A_419 = arith.index_cast %scan3A_300 : i32 to index
        %swap3A_420 = arith.constant 16 : index
        %swap3A_421 = tpu.vector_load %arg24[%swap3A_418, %swap3A_419, %swap3A_420] {strides = array<i32>} : memref<2x40x128xf32, #tpu.memory_space<vmem>>, vector<16xf32>,
        tpu.vector_store %arg24[%swap3A_418, %swap3A_419, %swap3A_420], %mul3A_416 {strides = array<i32>} : memref<2x40x128xf32, #tpu.memory_space<vmem>>, vector<16xf32>,
        %get3A_422 = arith.constant 0 : i32
        %get3A_423 = arith.index_cast %get3A_422 : i32 to index
        %get3A_424 = arith.index_cast %scan3A_300 : i32 to index
        %get3A_425 = arith.constant 32 : index
        %get3A_426 = tpu.vector_load %arg24[%get3A_423, %get3A_424, %get3A_425] {strides = array<i32>} : memref<2x40x128xf32, #tpu.memory_space<vmem>>, vector<16xf32>,
        %mul3A_427 = arith.mulf %get3A_426, %exp3A : vector<16xf32>
        %swap3A_428 = arith.constant 0 : i32
        %swap3A_429 = arith.index_cast %swap3A_428 : i32 to index
        %swap3A_430 = arith.index_cast %scan3A_300 : i32 to index
        %swap3A_431 = arith.constant 32 : index
        %swap3A_432 = tpu.vector_load %arg24[%swap3A_429, %swap3A_430, %swap3A_431] {strides = array<i32>} : memref<2x40x128xf32, #tpu.memory_space<vmem>>, vector<16xf32>,
        tpu.vector_store %arg24[%swap3A_429, %swap3A_430, %swap3A_431], %mul3A_427 {strides = array<i32>} : memref<2x40x128xf32, #tpu.memory_space<vmem>>, vector<16xf32>,
        %get3A_433 = arith.constant 0 : i32
        %get3A_434 = arith.index_cast %get3A_433 : i32 to index
        %get3A_435 = arith.index_cast %scan3A_300 : i32 to index
        %get3A_436 = arith.constant 48 : index
        %get3A_437 = tpu.vector_load %arg24[%get3A_434, %get3A_435, %get3A_436] {strides = array<i32>} : memref<2x40x128xf32, #tpu.memory_space<vmem>>, vector<16xf32>,
        %mul3A_438 = arith.mulf %get3A_437, %exp3A : vector<16xf32>
        %swap3A_439 = arith.constant 0 : i32
        %swap3A_440 = arith.index_cast %swap3A_439 : i32 to index
        %swap3A_441 = arith.index_cast %scan3A_300 : i32 to index
        %swap3A_442 = arith.constant 48 : index
        %swap3A_443 = tpu.vector_load %arg24[%swap3A_440, %swap3A_441, %swap3A_442] {strides = array<i32>} : memref<2x40x128xf32, #tpu.memory_space<vmem>>, vector<16xf32>,
        tpu.vector_store %arg24[%swap3A_440, %swap3A_441, %swap3A_442], %mul3A_438 {strides = array<i32>} : memref<2x40x128xf32, #tpu.memory_space<vmem>>, vector<16xf32>,
        %get3A_444 = arith.constant 0 : i32
        %get3A_445 = arith.index_cast %get3A_444 : i32 to index
        %get3A_446 = arith.index_cast %scan3A_300 : i32 to index
        %get3A_447 = arith.constant 64 : index
        %get3A_448 = tpu.vector_load %arg24[%get3A_445, %get3A_446, %get3A_447] {strides = array<i32>} : memref<2x40x128xf32, #tpu.memory_space<vmem>>, vector<16xf32>,
        %mul3A_449 = arith.mulf %get3A_448, %exp3A : vector<16xf32>
        %swap3A_450 = arith.constant 0 : i32
        %swap3A_451 = arith.index_cast %swap3A_450 : i32 to index
        %swap3A_452 = arith.index_cast %scan3A_300 : i32 to index
        %swap3A_453 = arith.constant 64 : index
        %swap3A_454 = tpu.vector_load %arg24[%swap3A_451, %swap3A_452, %swap3A_453] {strides = array<i32>} : memref<2x40x128xf32, #tpu.memory_space<vmem>>, vector<16xf32>,
        tpu.vector_store %arg24[%swap3A_451, %swap3A_452, %swap3A_453], %mul3A_449 {strides = array<i32>} : memref<2x40x128xf32, #tpu.memory_space<vmem>>, vector<16xf32>,
        %get3A_455 = arith.constant 0 : i32
        %get3A_456 = arith.index_cast %get3A_455 : i32 to index
        %get3A_457 = arith.index_cast %scan3A_300 : i32 to index
        %get3A_458 = arith.constant 80 : index
        %get3A_459 = tpu.vector_load %arg24[%get3A_456, %get3A_457, %get3A_458] {strides = array<i32>} : memref<2x40x128xf32, #tpu.memory_space<vmem>>, vector<16xf32>,
        %mul3A_460 = arith.mulf %get3A_459, %exp3A : vector<16xf32>
        %swap3A_461 = arith.constant 0 : i32
        %swap3A_462 = arith.index_cast %swap3A_461 : i32 to index
        %swap3A_463 = arith.index_cast %scan3A_300 : i32 to index
        %swap3A_464 = arith.constant 80 : index
        %swap3A_465 = tpu.vector_load %arg24[%swap3A_462, %swap3A_463, %swap3A_464] {strides = array<i32>} : memref<2x40x128xf32, #tpu.memory_space<vmem>>, vector<16xf32>,
        tpu.vector_store %arg24[%swap3A_462, %swap3A_463, %swap3A_464], %mul3A_460 {strides = array<i32>} : memref<2x40x128xf32, #tpu.memory_space<vmem>>, vector<16xf32>,
        %get3A_466 = arith.constant 0 : i32
        %get3A_467 = arith.index_cast %get3A_466 : i32 to index
        %get3A_468 = arith.index_cast %scan3A_300 : i32 to index
        %get3A_469 = arith.constant 96 : index
        %get3A_470 = tpu.vector_load %arg24[%get3A_467, %get3A_468, %get3A_469] {strides = array<i32>} : memref<2x40x128xf32, #tpu.memory_space<vmem>>, vector<16xf32>,
        %mul3A_471 = arith.mulf %get3A_470, %exp3A : vector<16xf32>
        %swap3A_472 = arith.constant 0 : i32
        %swap3A_473 = arith.index_cast %swap3A_472 : i32 to index
        %swap3A_474 = arith.index_cast %scan3A_300 : i32 to index
        %swap3A_475 = arith.constant 96 : index
        %swap3A_476 = tpu.vector_load %arg24[%swap3A_473, %swap3A_474, %swap3A_475] {strides = array<i32>} : memref<2x40x128xf32, #tpu.memory_space<vmem>>, vector<16xf32>,
        tpu.vector_store %arg24[%swap3A_473, %swap3A_474, %swap3A_475], %mul3A_471 {strides = array<i32>} : memref<2x40x128xf32, #tpu.memory_space<vmem>>, vector<16xf32>,
        %get3A_477 = arith.constant 0 : i32
        %get3A_478 = arith.index_cast %get3A_477 : i32 to index
        %get3A_479 = arith.index_cast %scan3A_300 : i32 to index
        %get3A_480 = arith.constant 112 : index
        %get3A_481 = tpu.vector_load %arg24[%get3A_478, %get3A_479, %get3A_480] {strides = array<i32>} : memref<2x40x128xf32, #tpu.memory_space<vmem>>, vector<16xf32>,
        %mul3A_482 = arith.mulf %get3A_481, %exp3A : vector<16xf32>
        %swap3A_483 = arith.constant 0 : i32
        %swap3A_484 = arith.index_cast %swap3A_483 : i32 to index
        %swap3A_485 = arith.index_cast %scan3A_300 : i32 to index
        %swap3A_486 = arith.constant 112 : index
        %swap3A_487 = tpu.vector_load %arg24[%swap3A_484, %swap3A_485, %swap3A_486] {strides = array<i32>} : memref<2x40x128xf32, #tpu.memory_space<vmem>>, vector<16xf32>,
        tpu.vector_store %arg24[%swap3A_484, %swap3A_485, %swap3A_486], %mul3A_482 {strides = array<i32>} : memref<2x40x128xf32, #tpu.memory_space<vmem>>, vector<16xf32>,
        %get3A_488 = arith.constant 0 : i32
        %get3A_489 = arith.index_cast %get3A_488 : i32 to index
        %get3A_490 = arith.index_cast %scan3A_300 : i32 to index
        %get3A_491 = tpu.vector_load %arg21[%get3A_489, %get3A_490] {strides = array<i32>} : memref<2x56xi32, #tpu.memory_space<vmem>>, vector<16xi32>,
        %slice3A = vector.extract_strided_slice %get3A_491 {offsets = [0], sizes = [1], strides = [1]} : vector<16xi32> to vector<1xi32>
        %squeeze3A = vector.extract %slice3A[0] : i32 from vector<1xi32>
        %eq3A = vector.broadcast %squeeze3A : i32 to vector<16xi32>
        %eq3A_492 = arith.cmpi eq, %iota3A, %eq3A : vector<16xi32>
        %jit3A = arith.constant 0.000000e+00 : f32
        %broadcast_in_dim3A_493 = vector.broadcast %jit3A : f32 to vector<16xf32>
        %select_n3A = arith.select %eq3A_492, %exp3A, %broadcast_in_dim3A_493 : vector<16xi1>, vector<16xf32>
        %swap3A_494 = arith.constant 0 : i32
        %swap3A_495 = arith.index_cast %swap3A_494 : i32 to index
        %swap3A_496 = arith.index_cast %scan3A_300 : i32 to index
        %swap3A_497 = arith.constant 0 : index
        %swap3A_498 = tpu.vector_load %arg25[%swap3A_495, %swap3A_496, %swap3A_497] {strides = array<i32>} : memref<2x40x16xf32, #tpu.memory_space<vmem>>, vector<16xf32>,
        tpu.vector_store %arg25[%swap3A_495, %swap3A_496, %swap3A_497], %select_n3A {strides = array<i32>} : memref<2x40x16xf32, #tpu.memory_space<vmem>>, vector<16xf32>,
        %scan3A_499 = arith.constant 0 : i32
        scf.yield %scan3A_499 : i32
      }
      %scan3A_220 = arith.constant 40 : i32
      %dma_start3A_221 = arith.constant 0 : i32
      %dma_start3A_222 = arith.constant 0 : i32
      %dma_start3A_223 = arith.constant 0 : i32
      %dma_start3A_224 = tpu.memref_slice %arg24[%dma_start3A_221, %dma_start3A_222, %dma_start3A_223] : memref<2x40x128xf32, #tpu.memory_space<vmem>> -> memref<1x40x128xf32, #tpu.memory_space<vmem>>
      %dma_start3A_225 = tpu.memref_squeeze %dma_start3A_224 : memref<1x40x128xf32, #tpu.memory_space<vmem>> -> memref<40x128xf32, #tpu.memory_space<vmem>>
      %dma_start3A_226 = arith.constant 0 : i32
      %dma_start3A_227 = arith.constant 0 : i32
      %dma_start3A_228 = tpu.memref_slice %arg26[%dma_start3A_226, %dma_start3A_227] : memref<10240x128xf32, #tpu.memory_space<vmem_shared>> -> memref<10240x128xf32, #tpu.memory_space<vmem_shared>>
      tpu.enqueue_indirect_dma source(%dma_start3A_225 : memref<40x128xf32, #tpu.memory_space<vmem>>) target(%dma_start3A_228 : memref<10240x128xf32, #tpu.memory_space<vmem_shared>>) offsets(%arg17 : memref<40xi32, #tpu.memory_space<vmem>>) semaphore(%arg31 : memref<!tpu.dma_semaphore, #tpu.memory_space<semaphore_mem>>) {add = true}
      %dma_start3A_229 = arith.constant 0 : i32
      %dma_start3A_230 = arith.constant 0 : i32
      %dma_start3A_231 = arith.constant 0 : i32
      %dma_start3A_232 = tpu.memref_slice %arg25[%dma_start3A_229, %dma_start3A_230, %dma_start3A_231] : memref<2x40x16xf32, #tpu.memory_space<vmem>> -> memref<1x40x16xf32, #tpu.memory_space<vmem>>
      %dma_start3A_233 = tpu.memref_squeeze %dma_start3A_232 : memref<1x40x16xf32, #tpu.memory_space<vmem>> -> memref<40x16xf32, #tpu.memory_space<vmem>>
      %dma_start3A_234 = arith.constant 0 : i32
      %dma_start3A_235 = arith.constant 0 : i32
      %dma_start3A_236 = tpu.memref_slice %arg27[%dma_start3A_234, %dma_start3A_235] : memref<640x16xf32, #tpu.memory_space<vmem_shared>> -> memref<640x16xf32, #tpu.memory_space<vmem_shared>>
      tpu.enqueue_indirect_dma source(%dma_start3A_233 : memref<40x16xf32, #tpu.memory_space<vmem>>) target(%dma_start3A_236 : memref<640x16xf32, #tpu.memory_space<vmem_shared>>) offsets(%arg19 : memref<40xi32, #tpu.memory_space<vmem>>) semaphore(%arg31 : memref<!tpu.dma_semaphore, #tpu.memory_space<semaphore_mem>>) {add = true}
      %mul3A_237 = arith.constant 2 : i32
      %mul3A_238 = arith.muli %mul3A_237, %scan3A_177 : i32
      %add3A_239 = arith.constant 1 : i32
      %add3A_240 = arith.addi %mul3A_238, %add3A_239 : i32
      %gt3A_241 = arith.constant 0 : i32
      %gt3A_242 = arith.cmpi sgt, %add3A_240, %gt3A_241 : i32
      %convert_element_type3A_243 = arith.extui %gt3A_242 : i1 to i32
      %cond3A_244 = arith.constant 0 : i32
      %cond3A_245 = arith.cmpi ne, %convert_element_type3A_243, %cond3A_244 : i32
      scf.if %cond3A_245 {
        %dma_wait3A_300 = arith.constant 0 : i32
        %dma_wait3A_301 = arith.constant 0 : i32
        %dma_wait3A_302 = arith.constant 0 : i32
        %dma_wait3A_303 = tpu.memref_slice %arg24[%dma_wait3A_300, %dma_wait3A_301, %dma_wait3A_302] : memref<2x40x128xf32, #tpu.memory_space<vmem>> -> memref<1x40x128xf32, #tpu.memory_space<vmem>>
        %dma_wait3A_304 = tpu.memref_squeeze %dma_wait3A_303 : memref<1x40x128xf32, #tpu.memory_space<vmem>> -> memref<40x128xf32, #tpu.memory_space<vmem>>
        %dma_wait3A_305 = arith.constant 0 : i32
        %dma_wait3A_306 = arith.constant 0 : i32
        %dma_wait3A_307 = tpu.memref_slice %arg26[%dma_wait3A_305, %dma_wait3A_306] : memref<10240x128xf32, #tpu.memory_space<vmem_shared>> -> memref<10240x128xf32, #tpu.memory_space<vmem_shared>>
        tpu.wait_indirect_dma semaphore(%arg31 : memref<!tpu.dma_semaphore, #tpu.memory_space<semaphore_mem>>) src(%dma_wait3A_304 : memref<40x128xf32, #tpu.memory_space<vmem>>) dst(%dma_wait3A_307 : memref<10240x128xf32, #tpu.memory_space<vmem_shared>>)
        %dma_wait3A_308 = arith.constant 0 : i32
        %dma_wait3A_309 = arith.constant 0 : i32
        %dma_wait3A_310 = arith.constant 0 : i32
        %dma_wait3A_311 = tpu.memref_slice %arg25[%dma_wait3A_308, %dma_wait3A_309, %dma_wait3A_310] : memref<2x40x16xf32, #tpu.memory_space<vmem>> -> memref<1x40x16xf32, #tpu.memory_space<vmem>>
        %dma_wait3A_312 = tpu.memref_squeeze %dma_wait3A_311 : memref<1x40x16xf32, #tpu.memory_space<vmem>> -> memref<40x16xf32, #tpu.memory_space<vmem>>
        %dma_wait3A_313 = arith.constant 0 : i32
        %dma_wait3A_314 = arith.constant 0 : i32
        %dma_wait3A_315 = tpu.memref_slice %arg27[%dma_wait3A_313, %dma_wait3A_314] : memref<640x16xf32, #tpu.memory_space<vmem_shared>> -> memref<640x16xf32, #tpu.memory_space<vmem_shared>>
        tpu.wait_indirect_dma semaphore(%arg31 : memref<!tpu.dma_semaphore, #tpu.memory_space<semaphore_mem>>) src(%dma_wait3A_312 : memref<40x16xf32, #tpu.memory_space<vmem>>) dst(%dma_wait3A_315 : memref<640x16xf32, #tpu.memory_space<vmem_shared>>)
      } else {
      }
      %add3A_246 = arith.constant 1 : i32
      %add3A_247 = arith.addi %add3A_240, %add3A_246 : i32
      %lt3A_248 = arith.constant 250 : i32
      %lt3A_249 = arith.cmpi slt, %add3A_247, %lt3A_248 : i32
      %convert_element_type3A_250 = arith.extui %lt3A_249 : i1 to i32
      %cond3A_251 = arith.constant 0 : i32
      %cond3A_252 = arith.cmpi ne, %convert_element_type3A_250, %cond3A_251 : i32
      scf.if %cond3A_252 {
        %dma_wait3A_300 = arith.constant 0 : i32
        %dma_wait3A_301 = arith.constant 0 : i32
        %dma_wait3A_302 = tpu.memref_slice %arg10[%dma_wait3A_300, %dma_wait3A_301] : memref<2x120xi32, #tpu.memory_space<vmem>> -> memref<1x120xi32, #tpu.memory_space<vmem>>
        %dma_wait3A_303 = tpu.memref_squeeze %dma_wait3A_302 : memref<1x120xi32, #tpu.memory_space<vmem>> -> memref<120xi32, #tpu.memory_space<vmem>>
        %dma_wait3A_304 = tpu.memref_slice %arg2[%mul3A_6] : memref<960000xi32, #tpu.memory_space<hbm>> -> memref<120xi32, #tpu.memory_space<hbm>>
        %dma_wait3A_305 = arith.constant 0 : i32
        %dma_wait3A_306 = tpu.memref_slice %arg10[%dma_wait3A_300, %dma_wait3A_305] : memref<2x120xi32, #tpu.memory_space<vmem>> -> memref<1x120xi32, #tpu.memory_space<vmem>>
        %dma_wait3A_307 = tpu.memref_squeeze %dma_wait3A_306 : memref<1x120xi32, #tpu.memory_space<vmem>> -> memref<120xi32, #tpu.memory_space<vmem>>
        %dma_wait3A_308 = tpu.memref_slice %arg2[%mul3A_6] : memref<960000xi32, #tpu.memory_space<hbm>> -> memref<120xi32, #tpu.memory_space<hbm>>
        tpu.wait_dma2 semaphore(%arg28 : memref<!tpu.dma_semaphore, #tpu.memory_space<semaphore_mem>>) src(%dma_wait3A_308 : memref<120xi32, #tpu.memory_space<hbm>>) dst(%dma_wait3A_307 : memref<120xi32, #tpu.memory_space<vmem>>)
        %get3A_309 = arith.constant 0 : i32
        %get3A_310 = arith.index_cast %get3A_309 : i32 to index
        %get3A_311 = arith.constant 0 : index
        %get3A_312 = tpu.vector_load %arg10[%get3A_310, %get3A_311] {strides = array<i32>} : memref<2x120xi32, #tpu.memory_space<vmem>>, vector<16xi32>,
        %get3A_313 = arith.constant 0 : i32
        %get3A_314 = arith.index_cast %get3A_313 : i32 to index
        %get3A_315 = arith.constant 40 : index
        %get3A_316 = tpu.vector_load %arg10[%get3A_314, %get3A_315] {strides = array<i32>} : memref<2x120xi32, #tpu.memory_space<vmem>>, vector<16xi32>,
        %get3A_317 = arith.constant 0 : i32
        %get3A_318 = arith.index_cast %get3A_317 : i32 to index
        %get3A_319 = arith.constant 80 : index
        %get3A_320 = tpu.vector_load %arg10[%get3A_318, %get3A_319] {strides = array<i32>} : memref<2x120xi32, #tpu.memory_space<vmem>>, vector<16xi32>,
        %mul3A_321 = arith.constant 10240 : i32
        %mul3A_322 = vector.broadcast %mul3A_321 : i32 to vector<16xi32>
        %mul3A_323 = arith.muli %get3A_320, %mul3A_322 : vector<16xi32>
        %add3A_324 = arith.addi %mul3A_323, %get3A_312 : vector<16xi32>
        %swap3A_325 = arith.constant 0 : index
        %swap3A_326 = tpu.vector_load %arg11[%swap3A_325] {strides = array<i32>} : memref<40xi32, #tpu.memory_space<vmem>>, vector<16xi32>,
        tpu.vector_store %arg11[%swap3A_325], %add3A_324 {strides = array<i32>} : memref<40xi32, #tpu.memory_space<vmem>>, vector<16xi32>,
        %add3A_327 = arith.addi %mul3A_323, %get3A_316 : vector<16xi32>
        %swap3A_328 = arith.constant 0 : index
        %swap3A_329 = tpu.vector_load %arg13[%swap3A_328] {strides = array<i32>} : memref<40xi32, #tpu.memory_space<vmem>>, vector<16xi32>,
        tpu.vector_store %arg13[%swap3A_328], %add3A_327 {strides = array<i32>} : memref<40xi32, #tpu.memory_space<vmem>>, vector<16xi32>,
        %swap3A_330 = arith.constant 0 : index
        %swap3A_331 = tpu.vector_load %arg15[%swap3A_330] {strides = array<i32>} : memref<40xi32, #tpu.memory_space<vmem>>, vector<16xi32>,
        tpu.vector_store %arg15[%swap3A_330], %get3A_312 {strides = array<i32>} : memref<40xi32, #tpu.memory_space<vmem>>, vector<16xi32>,
        %swap3A_332 = arith.constant 0 : index
        %swap3A_333 = tpu.vector_load %arg17[%swap3A_332] {strides = array<i32>} : memref<40xi32, #tpu.memory_space<vmem>>, vector<16xi32>,
        tpu.vector_store %arg17[%swap3A_332], %get3A_316 {strides = array<i32>} : memref<40xi32, #tpu.memory_space<vmem>>, vector<16xi32>,
        %shift_right_logical3A_334 = arith.constant 4 : i32
        %shift_right_logical3A_335 = vector.broadcast %shift_right_logical3A_334 : i32 to vector<16xi32>
        %shift_right_logical3A_336 = arith.shrui %get3A_316, %shift_right_logical3A_335 : vector<16xi32>
        %swap3A_337 = arith.constant 0 : index
        %swap3A_338 = tpu.vector_load %arg19[%swap3A_337] {strides = array<i32>} : memref<40xi32, #tpu.memory_space<vmem>>, vector<16xi32>,
        tpu.vector_store %arg19[%swap3A_337], %shift_right_logical3A_336 {strides = array<i32>} : memref<40xi32, #tpu.memory_space<vmem>>, vector<16xi32>,
        %and3A_339 = arith.constant 15 : i32
        %and3A_340 = vector.broadcast %and3A_339 : i32 to vector<16xi32>
        %and3A_341 = arith.andi %get3A_316, %and3A_340 : vector<16xi32>
        %swap3A_342 = arith.constant 0 : i32
        %swap3A_343 = arith.index_cast %swap3A_342 : i32 to index
        %swap3A_344 = arith.constant 0 : index
        %swap3A_345 = tpu.vector_load %arg21[%swap3A_343, %swap3A_344] {strides = array<i32>} : memref<2x56xi32, #tpu.memory_space<vmem>>, vector<16xi32>,
        tpu.vector_store %arg21[%swap3A_343, %swap3A_344], %and3A_341 {strides = array<i32>} : memref<2x56xi32, #tpu.memory_space<vmem>>, vector<16xi32>,
        %get3A_346 = arith.constant 0 : i32
        %get3A_347 = arith.index_cast %get3A_346 : i32 to index
        %get3A_348 = arith.constant 16 : index
        %get3A_349 = tpu.vector_load %arg10[%get3A_347, %get3A_348] {strides = array<i32>} : memref<2x120xi32, #tpu.memory_space<vmem>>, vector<16xi32>,
        %get3A_350 = arith.constant 0 : i32
        %get3A_351 = arith.index_cast %get3A_350 : i32 to index
        %get3A_352 = arith.constant 56 : index
        %get3A_353 = tpu.vector_load %arg10[%get3A_351, %get3A_352] {strides = array<i32>} : memref<2x120xi32, #tpu.memory_space<vmem>>, vector<16xi32>,
        %get3A_354 = arith.constant 0 : i32
        %get3A_355 = arith.index_cast %get3A_354 : i32 to index
        %get3A_356 = arith.constant 96 : index
        %get3A_357 = tpu.vector_load %arg10[%get3A_355, %get3A_356] {strides = array<i32>} : memref<2x120xi32, #tpu.memory_space<vmem>>, vector<16xi32>,
        %mul3A_358 = arith.constant 10240 : i32
        %mul3A_359 = vector.broadcast %mul3A_358 : i32 to vector<16xi32>
        %mul3A_360 = arith.muli %get3A_357, %mul3A_359 : vector<16xi32>
        %add3A_361 = arith.addi %mul3A_360, %get3A_349 : vector<16xi32>
        %swap3A_362 = arith.constant 16 : index
        %swap3A_363 = tpu.vector_load %arg11[%swap3A_362] {strides = array<i32>} : memref<40xi32, #tpu.memory_space<vmem>>, vector<16xi32>,
        tpu.vector_store %arg11[%swap3A_362], %add3A_361 {strides = array<i32>} : memref<40xi32, #tpu.memory_space<vmem>>, vector<16xi32>,
        %add3A_364 = arith.addi %mul3A_360, %get3A_353 : vector<16xi32>
        %swap3A_365 = arith.constant 16 : index
        %swap3A_366 = tpu.vector_load %arg13[%swap3A_365] {strides = array<i32>} : memref<40xi32, #tpu.memory_space<vmem>>, vector<16xi32>,
        tpu.vector_store %arg13[%swap3A_365], %add3A_364 {strides = array<i32>} : memref<40xi32, #tpu.memory_space<vmem>>, vector<16xi32>,
        %swap3A_367 = arith.constant 16 : index
        %swap3A_368 = tpu.vector_load %arg15[%swap3A_367] {strides = array<i32>} : memref<40xi32, #tpu.memory_space<vmem>>, vector<16xi32>,
        tpu.vector_store %arg15[%swap3A_367], %get3A_349 {strides = array<i32>} : memref<40xi32, #tpu.memory_space<vmem>>, vector<16xi32>,
        %swap3A_369 = arith.constant 16 : index
        %swap3A_370 = tpu.vector_load %arg17[%swap3A_369] {strides = array<i32>} : memref<40xi32, #tpu.memory_space<vmem>>, vector<16xi32>,
        tpu.vector_store %arg17[%swap3A_369], %get3A_353 {strides = array<i32>} : memref<40xi32, #tpu.memory_space<vmem>>, vector<16xi32>,
        %shift_right_logical3A_371 = arith.constant 4 : i32
        %shift_right_logical3A_372 = vector.broadcast %shift_right_logical3A_371 : i32 to vector<16xi32>
        %shift_right_logical3A_373 = arith.shrui %get3A_353, %shift_right_logical3A_372 : vector<16xi32>
        %swap3A_374 = arith.constant 16 : index
        %swap3A_375 = tpu.vector_load %arg19[%swap3A_374] {strides = array<i32>} : memref<40xi32, #tpu.memory_space<vmem>>, vector<16xi32>,
        tpu.vector_store %arg19[%swap3A_374], %shift_right_logical3A_373 {strides = array<i32>} : memref<40xi32, #tpu.memory_space<vmem>>, vector<16xi32>,
        %and3A_376 = arith.constant 15 : i32
        %and3A_377 = vector.broadcast %and3A_376 : i32 to vector<16xi32>
        %and3A_378 = arith.andi %get3A_353, %and3A_377 : vector<16xi32>
        %swap3A_379 = arith.constant 0 : i32
        %swap3A_380 = arith.index_cast %swap3A_379 : i32 to index
        %swap3A_381 = arith.constant 16 : index
        %swap3A_382 = tpu.vector_load %arg21[%swap3A_380, %swap3A_381] {strides = array<i32>} : memref<2x56xi32, #tpu.memory_space<vmem>>, vector<16xi32>,
        tpu.vector_store %arg21[%swap3A_380, %swap3A_381], %and3A_378 {strides = array<i32>} : memref<2x56xi32, #tpu.memory_space<vmem>>, vector<16xi32>,
        %get3A_383 = arith.constant 0 : i32
        %get3A_384 = arith.index_cast %get3A_383 : i32 to index
        %get3A_385 = arith.constant 24 : index
        %get3A_386 = tpu.vector_load %arg10[%get3A_384, %get3A_385] {strides = array<i32>} : memref<2x120xi32, #tpu.memory_space<vmem>>, vector<16xi32>,
        %get3A_387 = arith.constant 0 : i32
        %get3A_388 = arith.index_cast %get3A_387 : i32 to index
        %get3A_389 = arith.constant 64 : index
        %get3A_390 = tpu.vector_load %arg10[%get3A_388, %get3A_389] {strides = array<i32>} : memref<2x120xi32, #tpu.memory_space<vmem>>, vector<16xi32>,
        %get3A_391 = arith.constant 0 : i32
        %get3A_392 = arith.index_cast %get3A_391 : i32 to index
        %get3A_393 = arith.constant 104 : index
        %get3A_394 = tpu.vector_load %arg10[%get3A_392, %get3A_393] {strides = array<i32>} : memref<2x120xi32, #tpu.memory_space<vmem>>, vector<16xi32>,
        %mul3A_395 = arith.constant 10240 : i32
        %mul3A_396 = vector.broadcast %mul3A_395 : i32 to vector<16xi32>
        %mul3A_397 = arith.muli %get3A_394, %mul3A_396 : vector<16xi32>
        %add3A_398 = arith.addi %mul3A_397, %get3A_386 : vector<16xi32>
        %swap3A_399 = arith.constant 24 : index
        %swap3A_400 = tpu.vector_load %arg11[%swap3A_399] {strides = array<i32>} : memref<40xi32, #tpu.memory_space<vmem>>, vector<16xi32>,
        tpu.vector_store %arg11[%swap3A_399], %add3A_398 {strides = array<i32>} : memref<40xi32, #tpu.memory_space<vmem>>, vector<16xi32>,
        %add3A_401 = arith.addi %mul3A_397, %get3A_390 : vector<16xi32>
        %swap3A_402 = arith.constant 24 : index
        %swap3A_403 = tpu.vector_load %arg13[%swap3A_402] {strides = array<i32>} : memref<40xi32, #tpu.memory_space<vmem>>, vector<16xi32>,
        tpu.vector_store %arg13[%swap3A_402], %add3A_401 {strides = array<i32>} : memref<40xi32, #tpu.memory_space<vmem>>, vector<16xi32>,
        %swap3A_404 = arith.constant 24 : index
        %swap3A_405 = tpu.vector_load %arg15[%swap3A_404] {strides = array<i32>} : memref<40xi32, #tpu.memory_space<vmem>>, vector<16xi32>,
        tpu.vector_store %arg15[%swap3A_404], %get3A_386 {strides = array<i32>} : memref<40xi32, #tpu.memory_space<vmem>>, vector<16xi32>,
        %swap3A_406 = arith.constant 24 : index
        %swap3A_407 = tpu.vector_load %arg17[%swap3A_406] {strides = array<i32>} : memref<40xi32, #tpu.memory_space<vmem>>, vector<16xi32>,
        tpu.vector_store %arg17[%swap3A_406], %get3A_390 {strides = array<i32>} : memref<40xi32, #tpu.memory_space<vmem>>, vector<16xi32>,
        %shift_right_logical3A_408 = arith.constant 4 : i32
        %shift_right_logical3A_409 = vector.broadcast %shift_right_logical3A_408 : i32 to vector<16xi32>
        %shift_right_logical3A_410 = arith.shrui %get3A_390, %shift_right_logical3A_409 : vector<16xi32>
        %swap3A_411 = arith.constant 24 : index
        %swap3A_412 = tpu.vector_load %arg19[%swap3A_411] {strides = array<i32>} : memref<40xi32, #tpu.memory_space<vmem>>, vector<16xi32>,
        tpu.vector_store %arg19[%swap3A_411], %shift_right_logical3A_410 {strides = array<i32>} : memref<40xi32, #tpu.memory_space<vmem>>, vector<16xi32>,
        %and3A_413 = arith.constant 15 : i32
        %and3A_414 = vector.broadcast %and3A_413 : i32 to vector<16xi32>
        %and3A_415 = arith.andi %get3A_390, %and3A_414 : vector<16xi32>
        %swap3A_416 = arith.constant 0 : i32
        %swap3A_417 = arith.index_cast %swap3A_416 : i32 to index
        %swap3A_418 = arith.constant 24 : index
        %swap3A_419 = tpu.vector_load %arg21[%swap3A_417, %swap3A_418] {strides = array<i32>} : memref<2x56xi32, #tpu.memory_space<vmem>>, vector<16xi32>,
        tpu.vector_store %arg21[%swap3A_417, %swap3A_418], %and3A_415 {strides = array<i32>} : memref<2x56xi32, #tpu.memory_space<vmem>>, vector<16xi32>,
        %add3A_420 = arith.constant 2 : i32
        %add3A_421 = arith.addi %add3A_240, %add3A_420 : i32
        %lt3A_422 = arith.constant 250 : i32
        %lt3A_423 = arith.cmpi slt, %add3A_421, %lt3A_422 : i32
        %convert_element_type3A_424 = arith.extui %lt3A_423 : i1 to i32
        %cond3A_425 = arith.constant 0 : i32
        %cond3A_426 = arith.cmpi ne, %convert_element_type3A_424, %cond3A_425 : i32
        scf.if %cond3A_426 {
          %add3A_451 = arith.constant 2 : i32
          %add3A_452 = arith.addi %add3A_240, %add3A_451 : i32
          %mul3A_453 = arith.constant 3 : i32
          %mul3A_454 = arith.muli %add3A_452, %mul3A_453 : i32
          %mul3A_455 = arith.constant 40 : i32
          %mul3A_456 = arith.muli %mul3A_454, %mul3A_455 : i32
          %add3A_457 = arith.addi %mul3A_6, %mul3A_456 : i32
          %dma_start3A_458 = arith.constant 1 : i32
          %dma_start3A_459 = arith.constant 0 : i32
          %dma_start3A_460 = tpu.memref_slice %arg10[%dma_start3A_458, %dma_start3A_459] : memref<2x120xi32, #tpu.memory_space<vmem>> -> memref<1x120xi32, #tpu.memory_space<vmem>>
          %dma_start3A_461 = tpu.memref_squeeze %dma_start3A_460 : memref<1x120xi32, #tpu.memory_space<vmem>> -> memref<120xi32, #tpu.memory_space<vmem>>
          %dma_start3A_462 = tpu.memref_slice %arg2[%add3A_457] : memref<960000xi32, #tpu.memory_space<hbm>> -> memref<120xi32, #tpu.memory_space<hbm>>
          %dma_start3A_463 = arith.constant 0 : i32
          %dma_start3A_464 = tpu.memref_slice %arg10[%dma_start3A_458, %dma_start3A_463] : memref<2x120xi32, #tpu.memory_space<vmem>> -> memref<1x120xi32, #tpu.memory_space<vmem>>
          %dma_start3A_465 = tpu.memref_squeeze %dma_start3A_464 : memref<1x120xi32, #tpu.memory_space<vmem>> -> memref<120xi32, #tpu.memory_space<vmem>>
          %dma_start3A_466 = tpu.memref_slice %arg2[%add3A_457] : memref<960000xi32, #tpu.memory_space<hbm>> -> memref<120xi32, #tpu.memory_space<hbm>>
          tpu.enqueue_dma source(%dma_start3A_466 : memref<120xi32, #tpu.memory_space<hbm>>) target(%dma_start3A_465 : memref<120xi32, #tpu.memory_space<vmem>>) target_semaphore(%arg28 : memref<!tpu.dma_semaphore, #tpu.memory_space<semaphore_mem>>)
        } else {
        }
        %dma_start3A_427 = arith.constant 0 : i32
        %dma_start3A_428 = arith.constant 0 : i32
        %dma_start3A_429 = arith.constant 0 : i32
        %dma_start3A_430 = tpu.memref_slice %arg22[%dma_start3A_427, %dma_start3A_428, %dma_start3A_429] : memref<2x40x128xf32, #tpu.memory_space<vmem>> -> memref<1x40x128xf32, #tpu.memory_space<vmem>>
        %dma_start3A_431 = tpu.memref_squeeze %dma_start3A_430 : memref<1x40x128xf32, #tpu.memory_space<vmem>> -> memref<40x128xf32, #tpu.memory_space<vmem>>
        %dma_start3A_432 = arith.constant 0 : i32
        %dma_start3A_433 = arith.constant 0 : i32
        %dma_start3A_434 = tpu.memref_slice %arg3[%dma_start3A_432, %dma_start3A_433] : memref<81920x128xf32, #tpu.memory_space<hbm>> -> memref<81920x128xf32, #tpu.memory_space<hbm>>
        tpu.enqueue_indirect_dma source(%dma_start3A_434 : memref<81920x128xf32, #tpu.memory_space<hbm>>) target(%dma_start3A_431 : memref<40x128xf32, #tpu.memory_space<vmem>>) offsets(%arg11 : memref<40xi32, #tpu.memory_space<vmem>>) semaphore(%arg29 : memref<!tpu.dma_semaphore, #tpu.memory_space<semaphore_mem>>)
        %dma_start3A_435 = arith.constant 0 : i32
        %dma_start3A_436 = arith.constant 0 : i32
        %dma_start3A_437 = arith.constant 0 : i32
        %dma_start3A_438 = tpu.memref_slice %arg23[%dma_start3A_435, %dma_start3A_436, %dma_start3A_437] : memref<2x40x128xf32, #tpu.memory_space<vmem>> -> memref<1x40x128xf32, #tpu.memory_space<vmem>>
        %dma_start3A_439 = tpu.memref_squeeze %dma_start3A_438 : memref<1x40x128xf32, #tpu.memory_space<vmem>> -> memref<40x128xf32, #tpu.memory_space<vmem>>
        %dma_start3A_440 = arith.constant 0 : i32
        %dma_start3A_441 = arith.constant 0 : i32
        %dma_start3A_442 = tpu.memref_slice %arg4[%dma_start3A_440, %dma_start3A_441] : memref<81920x128xf32, #tpu.memory_space<hbm>> -> memref<81920x128xf32, #tpu.memory_space<hbm>>
        tpu.enqueue_indirect_dma source(%dma_start3A_442 : memref<81920x128xf32, #tpu.memory_space<hbm>>) target(%dma_start3A_439 : memref<40x128xf32, #tpu.memory_space<vmem>>) offsets(%arg13 : memref<40xi32, #tpu.memory_space<vmem>>) semaphore(%arg29 : memref<!tpu.dma_semaphore, #tpu.memory_space<semaphore_mem>>)
        %dma_start3A_443 = arith.constant 0 : i32
        %dma_start3A_444 = arith.constant 0 : i32
        %dma_start3A_445 = arith.constant 0 : i32
        %dma_start3A_446 = tpu.memref_slice %arg24[%dma_start3A_443, %dma_start3A_444, %dma_start3A_445] : memref<2x40x128xf32, #tpu.memory_space<vmem>> -> memref<1x40x128xf32, #tpu.memory_space<vmem>>
        %dma_start3A_447 = tpu.memref_squeeze %dma_start3A_446 : memref<1x40x128xf32, #tpu.memory_space<vmem>> -> memref<40x128xf32, #tpu.memory_space<vmem>>
        %dma_start3A_448 = arith.constant 0 : i32
        %dma_start3A_449 = arith.constant 0 : i32
        %dma_start3A_450 = tpu.memref_slice %arg5[%dma_start3A_448, %dma_start3A_449] : memref<10240x128xf32, #tpu.memory_space<hbm>> -> memref<10240x128xf32, #tpu.memory_space<hbm>>
        tpu.enqueue_indirect_dma source(%dma_start3A_450 : memref<10240x128xf32, #tpu.memory_space<hbm>>) target(%dma_start3A_447 : memref<40x128xf32, #tpu.memory_space<vmem>>) offsets(%arg15 : memref<40xi32, #tpu.memory_space<vmem>>) semaphore(%arg29 : memref<!tpu.dma_semaphore, #tpu.memory_space<semaphore_mem>>)
      } else {
      }
      %dma_wait3A_253 = arith.constant 1 : i32
      %dma_wait3A_254 = arith.constant 0 : i32
      %dma_wait3A_255 = arith.constant 0 : i32
      %dma_wait3A_256 = tpu.memref_slice %arg22[%dma_wait3A_253, %dma_wait3A_254, %dma_wait3A_255] : memref<2x40x128xf32, #tpu.memory_space<vmem>> -> memref<1x40x128xf32, #tpu.memory_space<vmem>>
      %dma_wait3A_257 = tpu.memref_squeeze %dma_wait3A_256 : memref<1x40x128xf32, #tpu.memory_space<vmem>> -> memref<40x128xf32, #tpu.memory_space<vmem>>
      %dma_wait3A_258 = arith.constant 0 : i32
      %dma_wait3A_259 = arith.constant 0 : i32
      %dma_wait3A_260 = tpu.memref_slice %arg3[%dma_wait3A_258, %dma_wait3A_259] : memref<81920x128xf32, #tpu.memory_space<hbm>> -> memref<81920x128xf32, #tpu.memory_space<hbm>>
      tpu.wait_indirect_dma semaphore(%arg30 : memref<!tpu.dma_semaphore, #tpu.memory_space<semaphore_mem>>) src(%dma_wait3A_260 : memref<81920x128xf32, #tpu.memory_space<hbm>>) dst(%dma_wait3A_257 : memref<40x128xf32, #tpu.memory_space<vmem>>)
      %dma_wait3A_261 = arith.constant 1 : i32
      %dma_wait3A_262 = arith.constant 0 : i32
      %dma_wait3A_263 = arith.constant 0 : i32
      %dma_wait3A_264 = tpu.memref_slice %arg23[%dma_wait3A_261, %dma_wait3A_262, %dma_wait3A_263] : memref<2x40x128xf32, #tpu.memory_space<vmem>> -> memref<1x40x128xf32, #tpu.memory_space<vmem>>
      %dma_wait3A_265 = tpu.memref_squeeze %dma_wait3A_264 : memref<1x40x128xf32, #tpu.memory_space<vmem>> -> memref<40x128xf32, #tpu.memory_space<vmem>>
      %dma_wait3A_266 = arith.constant 0 : i32
      %dma_wait3A_267 = arith.constant 0 : i32
      %dma_wait3A_268 = tpu.memref_slice %arg4[%dma_wait3A_266, %dma_wait3A_267] : memref<81920x128xf32, #tpu.memory_space<hbm>> -> memref<81920x128xf32, #tpu.memory_space<hbm>>
      tpu.wait_indirect_dma semaphore(%arg30 : memref<!tpu.dma_semaphore, #tpu.memory_space<semaphore_mem>>) src(%dma_wait3A_268 : memref<81920x128xf32, #tpu.memory_space<hbm>>) dst(%dma_wait3A_265 : memref<40x128xf32, #tpu.memory_space<vmem>>)
      %dma_wait3A_269 = arith.constant 1 : i32
      %dma_wait3A_270 = arith.constant 0 : i32
      %dma_wait3A_271 = arith.constant 0 : i32
      %dma_wait3A_272 = tpu.memref_slice %arg24[%dma_wait3A_269, %dma_wait3A_270, %dma_wait3A_271] : memref<2x40x128xf32, #tpu.memory_space<vmem>> -> memref<1x40x128xf32, #tpu.memory_space<vmem>>
      %dma_wait3A_273 = tpu.memref_squeeze %dma_wait3A_272 : memref<1x40x128xf32, #tpu.memory_space<vmem>> -> memref<40x128xf32, #tpu.memory_space<vmem>>
      %dma_wait3A_274 = arith.constant 0 : i32
      %dma_wait3A_275 = arith.constant 0 : i32
      %dma_wait3A_276 = tpu.memref_slice %arg5[%dma_wait3A_274, %dma_wait3A_275] : memref<10240x128xf32, #tpu.memory_space<hbm>> -> memref<10240x128xf32, #tpu.memory_space<hbm>>
      tpu.wait_indirect_dma semaphore(%arg30 : memref<!tpu.dma_semaphore, #tpu.memory_space<semaphore_mem>>) src(%dma_wait3A_276 : memref<10240x128xf32, #tpu.memory_space<hbm>>) dst(%dma_wait3A_273 : memref<40x128xf32, #tpu.memory_space<vmem>>)
      %scan3A_277 = arith.constant 0 : i32
      %scan3A_278 = arith.constant 0 : i32
      %scan3A_279 = arith.constant 40 : i32
      %scan3A_280 = arith.addi %scan3A_278, %scan3A_279 : i32
      %scan3A_281 = arith.constant 1 : i32
      %scan3A_282 = scf.for %scan3A_300 = %scan3A_278 to %scan3A_280 step %scan3A_281 iter_args(%scan3A_301 = %scan3A_277) -> (i32)  : i32 {
        %get3A_302 = arith.constant 1 : i32
        %get3A_303 = arith.index_cast %get3A_302 : i32 to index
        %get3A_304 = arith.index_cast %scan3A_300 : i32 to index
        %get3A_305 = arith.constant 0 : index
        %get3A_306 = tpu.vector_load %arg22[%get3A_303, %get3A_304, %get3A_305] {strides = array<i32>} : memref<2x40x128xf32, #tpu.memory_space<vmem>>, vector<16xf32>,
        %get3A_307 = arith.constant 1 : i32
        %get3A_308 = arith.index_cast %get3A_307 : i32 to index
        %get3A_309 = arith.index_cast %scan3A_300 : i32 to index
        %get3A_310 = arith.constant 0 : index
        %get3A_311 = tpu.vector_load %arg23[%get3A_308, %get3A_309, %get3A_310] {strides = array<i32>} : memref<2x40x128xf32, #tpu.memory_space<vmem>>, vector<16xf32>,
        %mul3A_312 = arith.mulf %get3A_306, %get3A_311 : vector<16xf32>
        %get3A_313 = arith.constant 1 : i32
        %get3A_314 = arith.index_cast %get3A_313 : i32 to index
        %get3A_315 = arith.index_cast %scan3A_300 : i32 to index
        %get3A_316 = arith.constant 16 : index
        %get3A_317 = tpu.vector_load %arg22[%get3A_314, %get3A_315, %get3A_316] {strides = array<i32>} : memref<2x40x128xf32, #tpu.memory_space<vmem>>, vector<16xf32>,
        %get3A_318 = arith.constant 1 : i32
        %get3A_319 = arith.index_cast %get3A_318 : i32 to index
        %get3A_320 = arith.index_cast %scan3A_300 : i32 to index
        %get3A_321 = arith.constant 16 : index
        %get3A_322 = tpu.vector_load %arg23[%get3A_319, %get3A_320, %get3A_321] {strides = array<i32>} : memref<2x40x128xf32, #tpu.memory_space<vmem>>, vector<16xf32>,
        %mul3A_323 = arith.mulf %get3A_317, %get3A_322 : vector<16xf32>
        %add3A_324 = arith.addf %mul3A_312, %mul3A_323 : vector<16xf32>
        %get3A_325 = arith.constant 1 : i32
        %get3A_326 = arith.index_cast %get3A_325 : i32 to index
        %get3A_327 = arith.index_cast %scan3A_300 : i32 to index
        %get3A_328 = arith.constant 32 : index
        %get3A_329 = tpu.vector_load %arg22[%get3A_326, %get3A_327, %get3A_328] {strides = array<i32>} : memref<2x40x128xf32, #tpu.memory_space<vmem>>, vector<16xf32>,
        %get3A_330 = arith.constant 1 : i32
        %get3A_331 = arith.index_cast %get3A_330 : i32 to index
        %get3A_332 = arith.index_cast %scan3A_300 : i32 to index
        %get3A_333 = arith.constant 32 : index
        %get3A_334 = tpu.vector_load %arg23[%get3A_331, %get3A_332, %get3A_333] {strides = array<i32>} : memref<2x40x128xf32, #tpu.memory_space<vmem>>, vector<16xf32>,
        %mul3A_335 = arith.mulf %get3A_329, %get3A_334 : vector<16xf32>
        %add3A_336 = arith.addf %add3A_324, %mul3A_335 : vector<16xf32>
        %get3A_337 = arith.constant 1 : i32
        %get3A_338 = arith.index_cast %get3A_337 : i32 to index
        %get3A_339 = arith.index_cast %scan3A_300 : i32 to index
        %get3A_340 = arith.constant 48 : index
        %get3A_341 = tpu.vector_load %arg22[%get3A_338, %get3A_339, %get3A_340] {strides = array<i32>} : memref<2x40x128xf32, #tpu.memory_space<vmem>>, vector<16xf32>,
        %get3A_342 = arith.constant 1 : i32
        %get3A_343 = arith.index_cast %get3A_342 : i32 to index
        %get3A_344 = arith.index_cast %scan3A_300 : i32 to index
        %get3A_345 = arith.constant 48 : index
        %get3A_346 = tpu.vector_load %arg23[%get3A_343, %get3A_344, %get3A_345] {strides = array<i32>} : memref<2x40x128xf32, #tpu.memory_space<vmem>>, vector<16xf32>,
        %mul3A_347 = arith.mulf %get3A_341, %get3A_346 : vector<16xf32>
        %add3A_348 = arith.addf %add3A_336, %mul3A_347 : vector<16xf32>
        %get3A_349 = arith.constant 1 : i32
        %get3A_350 = arith.index_cast %get3A_349 : i32 to index
        %get3A_351 = arith.index_cast %scan3A_300 : i32 to index
        %get3A_352 = arith.constant 64 : index
        %get3A_353 = tpu.vector_load %arg22[%get3A_350, %get3A_351, %get3A_352] {strides = array<i32>} : memref<2x40x128xf32, #tpu.memory_space<vmem>>, vector<16xf32>,
        %get3A_354 = arith.constant 1 : i32
        %get3A_355 = arith.index_cast %get3A_354 : i32 to index
        %get3A_356 = arith.index_cast %scan3A_300 : i32 to index
        %get3A_357 = arith.constant 64 : index
        %get3A_358 = tpu.vector_load %arg23[%get3A_355, %get3A_356, %get3A_357] {strides = array<i32>} : memref<2x40x128xf32, #tpu.memory_space<vmem>>, vector<16xf32>,
        %mul3A_359 = arith.mulf %get3A_353, %get3A_358 : vector<16xf32>
        %add3A_360 = arith.addf %add3A_348, %mul3A_359 : vector<16xf32>
        %get3A_361 = arith.constant 1 : i32
        %get3A_362 = arith.index_cast %get3A_361 : i32 to index
        %get3A_363 = arith.index_cast %scan3A_300 : i32 to index
        %get3A_364 = arith.constant 80 : index
        %get3A_365 = tpu.vector_load %arg22[%get3A_362, %get3A_363, %get3A_364] {strides = array<i32>} : memref<2x40x128xf32, #tpu.memory_space<vmem>>, vector<16xf32>,
        %get3A_366 = arith.constant 1 : i32
        %get3A_367 = arith.index_cast %get3A_366 : i32 to index
        %get3A_368 = arith.index_cast %scan3A_300 : i32 to index
        %get3A_369 = arith.constant 80 : index
        %get3A_370 = tpu.vector_load %arg23[%get3A_367, %get3A_368, %get3A_369] {strides = array<i32>} : memref<2x40x128xf32, #tpu.memory_space<vmem>>, vector<16xf32>,
        %mul3A_371 = arith.mulf %get3A_365, %get3A_370 : vector<16xf32>
        %add3A_372 = arith.addf %add3A_360, %mul3A_371 : vector<16xf32>
        %get3A_373 = arith.constant 1 : i32
        %get3A_374 = arith.index_cast %get3A_373 : i32 to index
        %get3A_375 = arith.index_cast %scan3A_300 : i32 to index
        %get3A_376 = arith.constant 96 : index
        %get3A_377 = tpu.vector_load %arg22[%get3A_374, %get3A_375, %get3A_376] {strides = array<i32>} : memref<2x40x128xf32, #tpu.memory_space<vmem>>, vector<16xf32>,
        %get3A_378 = arith.constant 1 : i32
        %get3A_379 = arith.index_cast %get3A_378 : i32 to index
        %get3A_380 = arith.index_cast %scan3A_300 : i32 to index
        %get3A_381 = arith.constant 96 : index
        %get3A_382 = tpu.vector_load %arg23[%get3A_379, %get3A_380, %get3A_381] {strides = array<i32>} : memref<2x40x128xf32, #tpu.memory_space<vmem>>, vector<16xf32>,
        %mul3A_383 = arith.mulf %get3A_377, %get3A_382 : vector<16xf32>
        %add3A_384 = arith.addf %add3A_372, %mul3A_383 : vector<16xf32>
        %get3A_385 = arith.constant 1 : i32
        %get3A_386 = arith.index_cast %get3A_385 : i32 to index
        %get3A_387 = arith.index_cast %scan3A_300 : i32 to index
        %get3A_388 = arith.constant 112 : index
        %get3A_389 = tpu.vector_load %arg22[%get3A_386, %get3A_387, %get3A_388] {strides = array<i32>} : memref<2x40x128xf32, #tpu.memory_space<vmem>>, vector<16xf32>,
        %get3A_390 = arith.constant 1 : i32
        %get3A_391 = arith.index_cast %get3A_390 : i32 to index
        %get3A_392 = arith.index_cast %scan3A_300 : i32 to index
        %get3A_393 = arith.constant 112 : index
        %get3A_394 = tpu.vector_load %arg23[%get3A_391, %get3A_392, %get3A_393] {strides = array<i32>} : memref<2x40x128xf32, #tpu.memory_space<vmem>>, vector<16xf32>,
        %mul3A_395 = arith.mulf %get3A_389, %get3A_394 : vector<16xf32>
        %add3A_396 = arith.addf %add3A_384, %mul3A_395 : vector<16xf32>
        %reduce_sum3A = arith.constant true
        %reduce_sum3A_397 = vector.broadcast %reduce_sum3A : i1 to vector<16xi1>
        %reduce_sum3A_398 = tpu.scan <sum>, %add3A_396 masked %reduce_sum3A_397 : vector<16xf32>, vector<16xi1> -> vector<16xf32>
        %reduce_sum3A_399 = vector.extract %reduce_sum3A_398[15] : f32 from vector<16xf32>
        %broadcast_in_dim3A = vector.broadcast %reduce_sum3A_399 : f32 to vector<16xf32>
        %exp3A = math.exp %broadcast_in_dim3A : vector<16xf32>
        %get3A_400 = arith.constant 1 : i32
        %get3A_401 = arith.index_cast %get3A_400 : i32 to index
        %get3A_402 = arith.index_cast %scan3A_300 : i32 to index
        %get3A_403 = arith.constant 0 : index
        %get3A_404 = tpu.vector_load %arg24[%get3A_401, %get3A_402, %get3A_403] {strides = array<i32>} : memref<2x40x128xf32, #tpu.memory_space<vmem>>, vector<16xf32>,
        %mul3A_405 = arith.mulf %get3A_404, %exp3A : vector<16xf32>
        %swap3A_406 = arith.constant 1 : i32
        %swap3A_407 = arith.index_cast %swap3A_406 : i32 to index
        %swap3A_408 = arith.index_cast %scan3A_300 : i32 to index
        %swap3A_409 = arith.constant 0 : index
        %swap3A_410 = tpu.vector_load %arg24[%swap3A_407, %swap3A_408, %swap3A_409] {strides = array<i32>} : memref<2x40x128xf32, #tpu.memory_space<vmem>>, vector<16xf32>,
        tpu.vector_store %arg24[%swap3A_407, %swap3A_408, %swap3A_409], %mul3A_405 {strides = array<i32>} : memref<2x40x128xf32, #tpu.memory_space<vmem>>, vector<16xf32>,
        %get3A_411 = arith.constant 1 : i32
        %get3A_412 = arith.index_cast %get3A_411 : i32 to index
        %get3A_413 = arith.index_cast %scan3A_300 : i32 to index
        %get3A_414 = arith.constant 16 : index
        %get3A_415 = tpu.vector_load %arg24[%get3A_412, %get3A_413, %get3A_414] {strides = array<i32>} : memref<2x40x128xf32, #tpu.memory_space<vmem>>, vector<16xf32>,
        %mul3A_416 = arith.mulf %get3A_415, %exp3A : vector<16xf32>
        %swap3A_417 = arith.constant 1 : i32
        %swap3A_418 = arith.index_cast %swap3A_417 : i32 to index
        %swap3A_419 = arith.index_cast %scan3A_300 : i32 to index
        %swap3A_420 = arith.constant 16 : index
        %swap3A_421 = tpu.vector_load %arg24[%swap3A_418, %swap3A_419, %swap3A_420] {strides = array<i32>} : memref<2x40x128xf32, #tpu.memory_space<vmem>>, vector<16xf32>,
        tpu.vector_store %arg24[%swap3A_418, %swap3A_419, %swap3A_420], %mul3A_416 {strides = array<i32>} : memref<2x40x128xf32, #tpu.memory_space<vmem>>, vector<16xf32>,
        %get3A_422 = arith.constant 1 : i32
        %get3A_423 = arith.index_cast %get3A_422 : i32 to index
        %get3A_424 = arith.index_cast %scan3A_300 : i32 to index
        %get3A_425 = arith.constant 32 : index
        %get3A_426 = tpu.vector_load %arg24[%get3A_423, %get3A_424, %get3A_425] {strides = array<i32>} : memref<2x40x128xf32, #tpu.memory_space<vmem>>, vector<16xf32>,
        %mul3A_427 = arith.mulf %get3A_426, %exp3A : vector<16xf32>
        %swap3A_428 = arith.constant 1 : i32
        %swap3A_429 = arith.index_cast %swap3A_428 : i32 to index
        %swap3A_430 = arith.index_cast %scan3A_300 : i32 to index
        %swap3A_431 = arith.constant 32 : index
        %swap3A_432 = tpu.vector_load %arg24[%swap3A_429, %swap3A_430, %swap3A_431] {strides = array<i32>} : memref<2x40x128xf32, #tpu.memory_space<vmem>>, vector<16xf32>,
        tpu.vector_store %arg24[%swap3A_429, %swap3A_430, %swap3A_431], %mul3A_427 {strides = array<i32>} : memref<2x40x128xf32, #tpu.memory_space<vmem>>, vector<16xf32>,
        %get3A_433 = arith.constant 1 : i32
        %get3A_434 = arith.index_cast %get3A_433 : i32 to index
        %get3A_435 = arith.index_cast %scan3A_300 : i32 to index
        %get3A_436 = arith.constant 48 : index
        %get3A_437 = tpu.vector_load %arg24[%get3A_434, %get3A_435, %get3A_436] {strides = array<i32>} : memref<2x40x128xf32, #tpu.memory_space<vmem>>, vector<16xf32>,
        %mul3A_438 = arith.mulf %get3A_437, %exp3A : vector<16xf32>
        %swap3A_439 = arith.constant 1 : i32
        %swap3A_440 = arith.index_cast %swap3A_439 : i32 to index
        %swap3A_441 = arith.index_cast %scan3A_300 : i32 to index
        %swap3A_442 = arith.constant 48 : index
        %swap3A_443 = tpu.vector_load %arg24[%swap3A_440, %swap3A_441, %swap3A_442] {strides = array<i32>} : memref<2x40x128xf32, #tpu.memory_space<vmem>>, vector<16xf32>,
        tpu.vector_store %arg24[%swap3A_440, %swap3A_441, %swap3A_442], %mul3A_438 {strides = array<i32>} : memref<2x40x128xf32, #tpu.memory_space<vmem>>, vector<16xf32>,
        %get3A_444 = arith.constant 1 : i32
        %get3A_445 = arith.index_cast %get3A_444 : i32 to index
        %get3A_446 = arith.index_cast %scan3A_300 : i32 to index
        %get3A_447 = arith.constant 64 : index
        %get3A_448 = tpu.vector_load %arg24[%get3A_445, %get3A_446, %get3A_447] {strides = array<i32>} : memref<2x40x128xf32, #tpu.memory_space<vmem>>, vector<16xf32>,
        %mul3A_449 = arith.mulf %get3A_448, %exp3A : vector<16xf32>
        %swap3A_450 = arith.constant 1 : i32
        %swap3A_451 = arith.index_cast %swap3A_450 : i32 to index
        %swap3A_452 = arith.index_cast %scan3A_300 : i32 to index
        %swap3A_453 = arith.constant 64 : index
        %swap3A_454 = tpu.vector_load %arg24[%swap3A_451, %swap3A_452, %swap3A_453] {strides = array<i32>} : memref<2x40x128xf32, #tpu.memory_space<vmem>>, vector<16xf32>,
        tpu.vector_store %arg24[%swap3A_451, %swap3A_452, %swap3A_453], %mul3A_449 {strides = array<i32>} : memref<2x40x128xf32, #tpu.memory_space<vmem>>, vector<16xf32>,
        %get3A_455 = arith.constant 1 : i32
        %get3A_456 = arith.index_cast %get3A_455 : i32 to index
        %get3A_457 = arith.index_cast %scan3A_300 : i32 to index
        %get3A_458 = arith.constant 80 : index
        %get3A_459 = tpu.vector_load %arg24[%get3A_456, %get3A_457, %get3A_458] {strides = array<i32>} : memref<2x40x128xf32, #tpu.memory_space<vmem>>, vector<16xf32>,
        %mul3A_460 = arith.mulf %get3A_459, %exp3A : vector<16xf32>
        %swap3A_461 = arith.constant 1 : i32
        %swap3A_462 = arith.index_cast %swap3A_461 : i32 to index
        %swap3A_463 = arith.index_cast %scan3A_300 : i32 to index
        %swap3A_464 = arith.constant 80 : index
        %swap3A_465 = tpu.vector_load %arg24[%swap3A_462, %swap3A_463, %swap3A_464] {strides = array<i32>} : memref<2x40x128xf32, #tpu.memory_space<vmem>>, vector<16xf32>,
        tpu.vector_store %arg24[%swap3A_462, %swap3A_463, %swap3A_464], %mul3A_460 {strides = array<i32>} : memref<2x40x128xf32, #tpu.memory_space<vmem>>, vector<16xf32>,
        %get3A_466 = arith.constant 1 : i32
        %get3A_467 = arith.index_cast %get3A_466 : i32 to index
        %get3A_468 = arith.index_cast %scan3A_300 : i32 to index
        %get3A_469 = arith.constant 96 : index
        %get3A_470 = tpu.vector_load %arg24[%get3A_467, %get3A_468, %get3A_469] {strides = array<i32>} : memref<2x40x128xf32, #tpu.memory_space<vmem>>, vector<16xf32>,
        %mul3A_471 = arith.mulf %get3A_470, %exp3A : vector<16xf32>
        %swap3A_472 = arith.constant 1 : i32
        %swap3A_473 = arith.index_cast %swap3A_472 : i32 to index
        %swap3A_474 = arith.index_cast %scan3A_300 : i32 to index
        %swap3A_475 = arith.constant 96 : index
        %swap3A_476 = tpu.vector_load %arg24[%swap3A_473, %swap3A_474, %swap3A_475] {strides = array<i32>} : memref<2x40x128xf32, #tpu.memory_space<vmem>>, vector<16xf32>,
        tpu.vector_store %arg24[%swap3A_473, %swap3A_474, %swap3A_475], %mul3A_471 {strides = array<i32>} : memref<2x40x128xf32, #tpu.memory_space<vmem>>, vector<16xf32>,
        %get3A_477 = arith.constant 1 : i32
        %get3A_478 = arith.index_cast %get3A_477 : i32 to index
        %get3A_479 = arith.index_cast %scan3A_300 : i32 to index
        %get3A_480 = arith.constant 112 : index
        %get3A_481 = tpu.vector_load %arg24[%get3A_478, %get3A_479, %get3A_480] {strides = array<i32>} : memref<2x40x128xf32, #tpu.memory_space<vmem>>, vector<16xf32>,
        %mul3A_482 = arith.mulf %get3A_481, %exp3A : vector<16xf32>
        %swap3A_483 = arith.constant 1 : i32
        %swap3A_484 = arith.index_cast %swap3A_483 : i32 to index
        %swap3A_485 = arith.index_cast %scan3A_300 : i32 to index
        %swap3A_486 = arith.constant 112 : index
        %swap3A_487 = tpu.vector_load %arg24[%swap3A_484, %swap3A_485, %swap3A_486] {strides = array<i32>} : memref<2x40x128xf32, #tpu.memory_space<vmem>>, vector<16xf32>,
        tpu.vector_store %arg24[%swap3A_484, %swap3A_485, %swap3A_486], %mul3A_482 {strides = array<i32>} : memref<2x40x128xf32, #tpu.memory_space<vmem>>, vector<16xf32>,
        %get3A_488 = arith.constant 1 : i32
        %get3A_489 = arith.index_cast %get3A_488 : i32 to index
        %get3A_490 = arith.index_cast %scan3A_300 : i32 to index
        %get3A_491 = tpu.vector_load %arg21[%get3A_489, %get3A_490] {strides = array<i32>} : memref<2x56xi32, #tpu.memory_space<vmem>>, vector<16xi32>,
        %slice3A = vector.extract_strided_slice %get3A_491 {offsets = [0], sizes = [1], strides = [1]} : vector<16xi32> to vector<1xi32>
        %squeeze3A = vector.extract %slice3A[0] : i32 from vector<1xi32>
        %eq3A = vector.broadcast %squeeze3A : i32 to vector<16xi32>
        %eq3A_492 = arith.cmpi eq, %iota3A, %eq3A : vector<16xi32>
        %jit3A = arith.constant 0.000000e+00 : f32
        %broadcast_in_dim3A_493 = vector.broadcast %jit3A : f32 to vector<16xf32>
        %select_n3A = arith.select %eq3A_492, %exp3A, %broadcast_in_dim3A_493 : vector<16xi1>, vector<16xf32>
        %swap3A_494 = arith.constant 1 : i32
        %swap3A_495 = arith.index_cast %swap3A_494 : i32 to index
        %swap3A_496 = arith.index_cast %scan3A_300 : i32 to index
        %swap3A_497 = arith.constant 0 : index
        %swap3A_498 = tpu.vector_load %arg25[%swap3A_495, %swap3A_496, %swap3A_497] {strides = array<i32>} : memref<2x40x16xf32, #tpu.memory_space<vmem>>, vector<16xf32>,
        tpu.vector_store %arg25[%swap3A_495, %swap3A_496, %swap3A_497], %select_n3A {strides = array<i32>} : memref<2x40x16xf32, #tpu.memory_space<vmem>>, vector<16xf32>,
        %scan3A_499 = arith.constant 0 : i32
        scf.yield %scan3A_499 : i32
      }
      %scan3A_283 = arith.constant 40 : i32
      %dma_start3A_284 = arith.constant 1 : i32
      %dma_start3A_285 = arith.constant 0 : i32
      %dma_start3A_286 = arith.constant 0 : i32
      %dma_start3A_287 = tpu.memref_slice %arg24[%dma_start3A_284, %dma_start3A_285, %dma_start3A_286] : memref<2x40x128xf32, #tpu.memory_space<vmem>> -> memref<1x40x128xf32, #tpu.memory_space<vmem>>
      %dma_start3A_288 = tpu.memref_squeeze %dma_start3A_287 : memref<1x40x128xf32, #tpu.memory_space<vmem>> -> memref<40x128xf32, #tpu.memory_space<vmem>>
      %dma_start3A_289 = arith.constant 0 : i32
      %dma_start3A_290 = arith.constant 0 : i32
      %dma_start3A_291 = tpu.memref_slice %arg26[%dma_start3A_289, %dma_start3A_290] : memref<10240x128xf32, #tpu.memory_space<vmem_shared>> -> memref<10240x128xf32, #tpu.memory_space<vmem_shared>>
      tpu.enqueue_indirect_dma source(%dma_start3A_288 : memref<40x128xf32, #tpu.memory_space<vmem>>) target(%dma_start3A_291 : memref<10240x128xf32, #tpu.memory_space<vmem_shared>>) offsets(%arg18 : memref<40xi32, #tpu.memory_space<vmem>>) semaphore(%arg31 : memref<!tpu.dma_semaphore, #tpu.memory_space<semaphore_mem>>) {add = true}
      %dma_start3A_292 = arith.constant 1 : i32
      %dma_start3A_293 = arith.constant 0 : i32
      %dma_start3A_294 = arith.constant 0 : i32
      %dma_start3A_295 = tpu.memref_slice %arg25[%dma_start3A_292, %dma_start3A_293, %dma_start3A_294] : memref<2x40x16xf32, #tpu.memory_space<vmem>> -> memref<1x40x16xf32, #tpu.memory_space<vmem>>
      %dma_start3A_296 = tpu.memref_squeeze %dma_start3A_295 : memref<1x40x16xf32, #tpu.memory_space<vmem>> -> memref<40x16xf32, #tpu.memory_space<vmem>>
      %dma_start3A_297 = arith.constant 0 : i32
      %dma_start3A_298 = arith.constant 0 : i32
      %dma_start3A_299 = tpu.memref_slice %arg27[%dma_start3A_297, %dma_start3A_298] : memref<640x16xf32, #tpu.memory_space<vmem_shared>> -> memref<640x16xf32, #tpu.memory_space<vmem_shared>>
      tpu.enqueue_indirect_dma source(%dma_start3A_296 : memref<40x16xf32, #tpu.memory_space<vmem>>) target(%dma_start3A_299 : memref<640x16xf32, #tpu.memory_space<vmem_shared>>) offsets(%arg20 : memref<40xi32, #tpu.memory_space<vmem>>) semaphore(%arg31 : memref<!tpu.dma_semaphore, #tpu.memory_space<semaphore_mem>>) {add = true}
    }
    %scan3A_156 = arith.constant 125 : i32
    %dma_wait3A = arith.constant 1 : i32
    %dma_wait3A_157 = arith.constant 0 : i32
    %dma_wait3A_158 = arith.constant 0 : i32
    %dma_wait3A_159 = tpu.memref_slice %arg24[%dma_wait3A, %dma_wait3A_157, %dma_wait3A_158] : memref<2x40x128xf32, #tpu.memory_space<vmem>> -> memref<1x40x128xf32, #tpu.memory_space<vmem>>
    %dma_wait3A_160 = tpu.memref_squeeze %dma_wait3A_159 : memref<1x40x128xf32, #tpu.memory_space<vmem>> -> memref<40x128xf32, #tpu.memory_space<vmem>>
    %dma_wait3A_161 = arith.constant 0 : i32
    %dma_wait3A_162 = arith.constant 0 : i32
    %dma_wait3A_163 = tpu.memref_slice %arg26[%dma_wait3A_161, %dma_wait3A_162] : memref<10240x128xf32, #tpu.memory_space<vmem_shared>> -> memref<10240x128xf32, #tpu.memory_space<vmem_shared>>
    tpu.wait_indirect_dma semaphore(%arg31 : memref<!tpu.dma_semaphore, #tpu.memory_space<semaphore_mem>>) src(%dma_wait3A_160 : memref<40x128xf32, #tpu.memory_space<vmem>>) dst(%dma_wait3A_163 : memref<10240x128xf32, #tpu.memory_space<vmem_shared>>)
    %dma_wait3A_164 = arith.constant 1 : i32
    %dma_wait3A_165 = arith.constant 0 : i32
    %dma_wait3A_166 = arith.constant 0 : i32
    %dma_wait3A_167 = tpu.memref_slice %arg25[%dma_wait3A_164, %dma_wait3A_165, %dma_wait3A_166] : memref<2x40x16xf32, #tpu.memory_space<vmem>> -> memref<1x40x16xf32, #tpu.memory_space<vmem>>
    %dma_wait3A_168 = tpu.memref_squeeze %dma_wait3A_167 : memref<1x40x16xf32, #tpu.memory_space<vmem>> -> memref<40x16xf32, #tpu.memory_space<vmem>>
    %dma_wait3A_169 = arith.constant 0 : i32
    %dma_wait3A_170 = arith.constant 0 : i32
    %dma_wait3A_171 = tpu.memref_slice %arg27[%dma_wait3A_169, %dma_wait3A_170] : memref<640x16xf32, #tpu.memory_space<vmem_shared>> -> memref<640x16xf32, #tpu.memory_space<vmem_shared>>
    tpu.wait_indirect_dma semaphore(%arg31 : memref<!tpu.dma_semaphore, #tpu.memory_space<semaphore_mem>>) src(%dma_wait3A_168 : memref<40x16xf32, #tpu.memory_space<vmem>>) dst(%dma_wait3A_171 : memref<640x16xf32, #tpu.memory_space<vmem_shared>>)
    %barrier3A_172 = arith.constant 0 : index
    tpu.barrier barrier_id(%barrier3A_172)
    %mul3A_173 = arith.constant 640 : i32
    %mul3A_174 = arith.muli %arg1, %mul3A_173 : i32
    "tpu.region"() ({
      %run_scoped3A_177 = tpu.sem_alloc : memref<!tpu.dma_semaphore, #tpu.memory_space<semaphore_mem>>
      %dma_start3A_178 = arith.constant 0 : i32
      %dma_start3A_179 = tpu.memref_slice %arg8[%arg0, %mul3A_174, %dma_start3A_178] : memref<2x10240x128xf32, #tpu.memory_space<hbm>> -> memref<1x640x128xf32, #tpu.memory_space<hbm>>
      %dma_start3A_180 = tpu.memref_squeeze %dma_start3A_179 : memref<1x640x128xf32, #tpu.memory_space<hbm>> -> memref<640x128xf32, #tpu.memory_space<hbm>>
      %dma_start3A_181 = arith.constant 0 : i32
      %dma_start3A_182 = tpu.memref_slice %arg26[%mul3A_174, %dma_start3A_181] : memref<10240x128xf32, #tpu.memory_space<vmem_shared>> -> memref<640x128xf32, #tpu.memory_space<vmem_shared>>
      tpu.enqueue_dma source(%dma_start3A_182 : memref<640x128xf32, #tpu.memory_space<vmem_shared>>) target(%dma_start3A_180 : memref<640x128xf32, #tpu.memory_space<hbm>>) target_semaphore(%run_scoped3A_177 : memref<!tpu.dma_semaphore, #tpu.memory_space<semaphore_mem>>)
      %dma_wait3A_183 = arith.constant 0 : i32
      %dma_wait3A_184 = tpu.memref_slice %arg8[%arg0, %mul3A_174, %dma_wait3A_183] : memref<2x10240x128xf32, #tpu.memory_space<hbm>> -> memref<1x640x128xf32, #tpu.memory_space<hbm>>
      %dma_wait3A_185 = tpu.memref_squeeze %dma_wait3A_184 : memref<1x640x128xf32, #tpu.memory_space<hbm>> -> memref<640x128xf32, #tpu.memory_space<hbm>>
      %dma_wait3A_186 = arith.constant 0 : i32
      %dma_wait3A_187 = tpu.memref_slice %arg26[%mul3A_174, %dma_wait3A_186] : memref<10240x128xf32, #tpu.memory_space<vmem_shared>> -> memref<640x128xf32, #tpu.memory_space<vmem_shared>>
      tpu.wait_dma2 semaphore(%run_scoped3A_177 : memref<!tpu.dma_semaphore, #tpu.memory_space<semaphore_mem>>) src(%dma_wait3A_187 : memref<640x128xf32, #tpu.memory_space<vmem_shared>>) dst(%dma_wait3A_185 : memref<640x128xf32, #tpu.memory_space<hbm>>)
      tpu.yield
    }) : () -> ()
    %mul3A_175 = arith.constant 40 : i32
    %mul3A_176 = arith.muli %arg1, %mul3A_175 : i32
    "tpu.region"() ({
      %run_scoped3A_177 = tpu.sem_alloc : memref<!tpu.dma_semaphore, #tpu.memory_space<semaphore_mem>>
      %dma_start3A_178 = arith.constant 0 : i32
      %dma_start3A_179 = tpu.memref_slice %arg9[%arg0, %mul3A_176, %dma_start3A_178] : memref<2x640x16xf32, #tpu.memory_space<hbm>> -> memref<1x40x16xf32, #tpu.memory_space<hbm>>
      %dma_start3A_180 = tpu.memref_squeeze %dma_start3A_179 : memref<1x40x16xf32, #tpu.memory_space<hbm>> -> memref<40x16xf32, #tpu.memory_space<hbm>>
      %dma_start3A_181 = arith.constant 0 : i32
      %dma_start3A_182 = tpu.memref_slice %arg27[%mul3A_176, %dma_start3A_181] : memref<640x16xf32, #tpu.memory_space<vmem_shared>> -> memref<40x16xf32, #tpu.memory_space<vmem_shared>>
      tpu.enqueue_dma source(%dma_start3A_182 : memref<40x16xf32, #tpu.memory_space<vmem_shared>>) target(%dma_start3A_180 : memref<40x16xf32, #tpu.memory_space<hbm>>) target_semaphore(%run_scoped3A_177 : memref<!tpu.dma_semaphore, #tpu.memory_space<semaphore_mem>>)
      %dma_wait3A_183 = arith.constant 0 : i32
      %dma_wait3A_184 = tpu.memref_slice %arg9[%arg0, %mul3A_176, %dma_wait3A_183] : memref<2x640x16xf32, #tpu.memory_space<hbm>> -> memref<1x40x16xf32, #tpu.memory_space<hbm>>
      %dma_wait3A_185 = tpu.memref_squeeze %dma_wait3A_184 : memref<1x40x16xf32, #tpu.memory_space<hbm>> -> memref<40x16xf32, #tpu.memory_space<hbm>>
      %dma_wait3A_186 = arith.constant 0 : i32
      %dma_wait3A_187 = tpu.memref_slice %arg27[%mul3A_176, %dma_wait3A_186] : memref<640x16xf32, #tpu.memory_space<vmem_shared>> -> memref<40x16xf32, #tpu.memory_space<vmem_shared>>
      tpu.wait_dma2 semaphore(%run_scoped3A_177 : memref<!tpu.dma_semaphore, #tpu.memory_space<semaphore_mem>>) src(%dma_wait3A_187 : memref<40x16xf32, #tpu.memory_space<vmem_shared>>) dst(%dma_wait3A_185 : memref<40x16xf32, #tpu.memory_space<hbm>>)
      tpu.yield
    }) : () -> ()
    return
  }
}

module attributes {stable_mosaic.version = 14 : i64} {
  func.func @_prep_body(%arg0: i32, %arg1: i32, %arg2: memref<512x128xf32, #tpu.memory_space<vmem>>, %arg3: memref<1x128x128xf32, #tpu.memory_space<vmem>>, %arg4: memref<8x128xf32, #tpu.memory_space<vmem>>, %arg5: memref<1x512x128xf32, #tpu.memory_space<vmem>>, %arg6: memref<1x512x128xf32, #tpu.memory_space<vmem>>) attributes {dimension_semantics = [#tpu.dimension_semantics<arbitrary>, #tpu.dimension_semantics<arbitrary>], iteration_bounds = array<i64: 8, 20>, scalar_prefetch = 0 : i64, scratch_operands = 0 : i64, tpu.core_type = #tpu.core_type<tc>, window_params = [{transform_indices = @transform_0, window_bounds = array<i64: 512, 128>}, {transform_indices = @transform_1, window_bounds = array<i64: 1, 128, 128>}, {pipeline_mode = #tpu.pipeline_mode<synchronous>, transform_indices = @transform_2, window_bounds = array<i64: 8, 128>}, {transform_indices = @transform_3, window_bounds = array<i64: 1, 512, 128>}, {transform_indices = @transform_4, window_bounds = array<i64: 1, 512, 128>}]} {
    %get3A = arith.constant 0 : index
    %get3A_0 = arith.constant 0 : index
    %get3A_1 = vector.load %arg2[%get3A, %get3A_0] : memref<512x128xf32, #tpu.memory_space<vmem>>, vector<512x128xf32>
    %get3A_2 = arith.constant 0 : index
    %get3A_3 = arith.constant 0 : index
    %get3A_4 = arith.constant 0 : index
    %get3A_5 = vector.load %arg3[%get3A_2, %get3A_3, %get3A_4] : memref<1x128x128xf32, #tpu.memory_space<vmem>>, vector<1x128x128xf32>
    %get3A_6 = vector.shape_cast %get3A_5 : vector<1x128x128xf32> to vector<128x128xf32>
    %dot_general3A = arith.constant dense<0.000000e+00> : vector<512x128xf32>
    %dot_general3A_7 = tpu.matmul %get3A_1, %get3A_6, %dot_general3A {dimension_numbers = #tpu.dot_dimension_numbers<[1], [0], [0], [1], [0, 0, 1, 1], [], []>, transpose_lhs_hint = false} : vector<512x128xf32>, vector<128x128xf32>, vector<512x128xf32> -> vector<512x128xf32>
    %swap3A = arith.constant 0 : index
    %swap3A_8 = arith.constant 0 : index
    %swap3A_9 = arith.constant 0 : index
    %swap3A_10 = vector.load %arg5[%swap3A, %swap3A_8, %swap3A_9] : memref<1x512x128xf32, #tpu.memory_space<vmem>>, vector<1x512x128xf32>
    %swap3A_11 = vector.shape_cast %swap3A_10 : vector<1x512x128xf32> to vector<512x128xf32>
    %swap3A_12 = vector.shape_cast %dot_general3A_7 : vector<512x128xf32> to vector<1x512x128xf32>
    tpu.vector_store %arg5[%swap3A, %swap3A_8, %swap3A_9], %swap3A_12 {strides = array<i32>} : memref<1x512x128xf32, #tpu.memory_space<vmem>>, vector<1x512x128xf32>,
    %get3A_13 = arith.index_cast %arg0 : i32 to index
    %get3A_14 = arith.constant 0 : index
    %get3A_15 = vector.load %arg4[%get3A_13, %get3A_14] : memref<8x128xf32, #tpu.memory_space<vmem>>, vector<1x128xf32>
    %get3A_16 = vector.shape_cast %get3A_15 : vector<1x128xf32> to vector<128xf32>
    %broadcast_in_dim3A = vector.shape_cast %get3A_16 : vector<128xf32> to vector<1x128xf32>
    %add3A = vector.broadcast %broadcast_in_dim3A : vector<1x128xf32> to vector<512x128xf32>
    %add3A_17 = arith.addf %dot_general3A_7, %add3A : vector<512x128xf32>
    %tanh3A = math.tanh %add3A_17 : vector<512x128xf32>
    %swap3A_18 = arith.constant 0 : index
    %swap3A_19 = arith.constant 0 : index
    %swap3A_20 = arith.constant 0 : index
    %swap3A_21 = vector.load %arg6[%swap3A_18, %swap3A_19, %swap3A_20] : memref<1x512x128xf32, #tpu.memory_space<vmem>>, vector<1x512x128xf32>
    %swap3A_22 = vector.shape_cast %swap3A_21 : vector<1x512x128xf32> to vector<512x128xf32>
    %swap3A_23 = vector.shape_cast %tanh3A : vector<512x128xf32> to vector<1x512x128xf32>
    tpu.vector_store %arg6[%swap3A_18, %swap3A_19, %swap3A_20], %swap3A_23 {strides = array<i32>} : memref<1x512x128xf32, #tpu.memory_space<vmem>>, vector<1x512x128xf32>,
    return
  }
  func.func @transform_0(%arg0: i32, %arg1: i32) -> (i32, i32) {
    %c0_i32 = arith.constant 0 : i32
    %c0_i32_0 = arith.constant 0 : i32
    return %arg1, %c0_i32 : i32, i32
  }
  func.func @transform_1(%arg0: i32, %arg1: i32) -> (i32, i32, i32) {
    %c0_i32 = arith.constant 0 : i32
    %c0_i32_0 = arith.constant 0 : i32
    %c0_i32_1 = arith.constant 0 : i32
    return %arg0, %c0_i32, %c0_i32_0 : i32, i32, i32
  }
  func.func @transform_2(%arg0: i32, %arg1: i32) -> (i32, i32) {
    %c0_i32 = arith.constant 0 : i32
    %c0_i32_0 = arith.constant 0 : i32
    %c0_i32_1 = arith.constant 0 : i32
    return %c0_i32, %c0_i32_0 : i32, i32
  }
  func.func @transform_3(%arg0: i32, %arg1: i32) -> (i32, i32, i32) {
    %c0_i32 = arith.constant 0 : i32
    %c0_i32_0 = arith.constant 0 : i32
    return %arg0, %arg1, %c0_i32 : i32, i32, i32
  }
  func.func @transform_4(%arg0: i32, %arg1: i32) -> (i32, i32, i32) {
    %c0_i32 = arith.constant 0 : i32
    %c0_i32_0 = arith.constant 0 : i32
    return %arg0, %arg1, %c0_i32 : i32, i32, i32
  }
}

module attributes {stable_mosaic.version = 14 : i64} {
  func.func @_post_body(%arg0: i32, %arg1: memref<512x128xf32, #tpu.memory_space<vmem>>, %arg2: memref<2x512x128xf32, #tpu.memory_space<vmem>>, %arg3: memref<2x512x1xf32, #tpu.memory_space<vmem>>, %arg4: memref<128x128xf32, #tpu.memory_space<vmem>>, %arg5: memref<128x128xf32, #tpu.memory_space<vmem>>, %arg6: memref<512x128xf32, #tpu.memory_space<vmem>>, %arg7: memref<512x128xf32, #tpu.memory_space<vmem>>) attributes {dimension_semantics = [#tpu.dimension_semantics<arbitrary>], iteration_bounds = array<i64: 20>, scalar_prefetch = 0 : i64, scratch_operands = 0 : i64, tpu.core_type = #tpu.core_type<tc>, window_params = [{transform_indices = @transform_0, window_bounds = array<i64: 512, 128>}, {transform_indices = @transform_1, window_bounds = array<i64: 2, 512, 128>}, {transform_indices = @transform_2, window_bounds = array<i64: 2, 512, 1>}, {pipeline_mode = #tpu.pipeline_mode<synchronous>, transform_indices = @transform_3, window_bounds = array<i64: 128, 128>}, {pipeline_mode = #tpu.pipeline_mode<synchronous>, transform_indices = @transform_4, window_bounds = array<i64: 128, 128>}, {transform_indices = @transform_5, window_bounds = array<i64: 512, 128>}, {transform_indices = @transform_6, window_bounds = array<i64: 512, 128>}]} {
    %get3A = arith.constant 0 : index
    %get3A_0 = arith.constant 0 : index
    %get3A_1 = arith.constant 0 : index
    %get3A_2 = vector.load %arg2[%get3A, %get3A_0, %get3A_1] : memref<2x512x128xf32, #tpu.memory_space<vmem>>, vector<1x512x128xf32>
    %get3A_3 = vector.shape_cast %get3A_2 : vector<1x512x128xf32> to vector<512x128xf32>
    %get3A_4 = arith.constant 1 : index
    %get3A_5 = arith.constant 0 : index
    %get3A_6 = arith.constant 0 : index
    %get3A_7 = vector.load %arg2[%get3A_4, %get3A_5, %get3A_6] : memref<2x512x128xf32, #tpu.memory_space<vmem>>, vector<1x512x128xf32>
    %get3A_8 = vector.shape_cast %get3A_7 : vector<1x512x128xf32> to vector<512x128xf32>
    %add3A = arith.addf %get3A_3, %get3A_8 : vector<512x128xf32>
    %get3A_9 = arith.constant 0 : index
    %get3A_10 = arith.constant 0 : index
    %get3A_11 = arith.constant 0 : index
    %get3A_12 = vector.load %arg3[%get3A_9, %get3A_10, %get3A_11] : memref<2x512x1xf32, #tpu.memory_space<vmem>>, vector<1x512x1xf32>
    %get3A_13 = vector.shape_cast %get3A_12 : vector<1x512x1xf32> to vector<512x1xf32>
    %get3A_14 = arith.constant 1 : index
    %get3A_15 = arith.constant 0 : index
    %get3A_16 = arith.constant 0 : index
    %get3A_17 = vector.load %arg3[%get3A_14, %get3A_15, %get3A_16] : memref<2x512x1xf32, #tpu.memory_space<vmem>>, vector<1x512x1xf32>
    %get3A_18 = vector.shape_cast %get3A_17 : vector<1x512x1xf32> to vector<512x1xf32>
    %add3A_19 = arith.addf %get3A_13, %get3A_18 : vector<512x1xf32>
    %gt3A = arith.constant 0.000000e+00 : f32
    %gt3A_20 = vector.broadcast %gt3A : f32 to vector<512x1xf32>
    %gt3A_21 = arith.cmpf ogt, %add3A_19, %gt3A_20 : vector<512x1xf32>
    %div3A = vector.broadcast %add3A_19 : vector<512x1xf32> to vector<512x128xf32>
    %div3A_22 = arith.divf %add3A, %div3A : vector<512x128xf32>
    %jit3A = arith.constant 0.000000e+00 : f32
    %broadcast_in_dim3A = vector.shape_cast %gt3A_21 : vector<512x1xi1> to vector<512x1xi1>
    %broadcast_in_dim3A_23 = vector.broadcast %broadcast_in_dim3A : vector<512x1xi1> to vector<512x128xi1>
    %broadcast_in_dim3A_24 = vector.broadcast %jit3A : f32 to vector<512x128xf32>
    %select_n3A = arith.select %broadcast_in_dim3A_23, %div3A_22, %broadcast_in_dim3A_24 : vector<512x128xi1>, vector<512x128xf32>
    %get3A_25 = arith.constant 0 : index
    %get3A_26 = arith.constant 0 : index
    %get3A_27 = vector.load %arg1[%get3A_25, %get3A_26] : memref<512x128xf32, #tpu.memory_space<vmem>>, vector<512x128xf32>
    %add3A_28 = arith.addf %get3A_27, %select_n3A : vector<512x128xf32>
    %get3A_29 = arith.constant 0 : index
    %get3A_30 = arith.constant 0 : index
    %get3A_31 = vector.load %arg4[%get3A_29, %get3A_30] : memref<128x128xf32, #tpu.memory_space<vmem>>, vector<128x128xf32>
    %dot_general3A = arith.constant dense<0.000000e+00> : vector<512x128xf32>
    %dot_general3A_32 = tpu.matmul %add3A_28, %get3A_31, %dot_general3A {dimension_numbers = #tpu.dot_dimension_numbers<[1], [1], [0], [0], [0, 0, 1, 0], [], []>, transpose_lhs_hint = false} : vector<512x128xf32>, vector<128x128xf32>, vector<512x128xf32> -> vector<512x128xf32>
    %mul3A = arith.mulf %get3A_27, %select_n3A : vector<512x128xf32>
    %get3A_33 = arith.constant 0 : index
    %get3A_34 = arith.constant 0 : index
    %get3A_35 = vector.load %arg5[%get3A_33, %get3A_34] : memref<128x128xf32, #tpu.memory_space<vmem>>, vector<128x128xf32>
    %dot_general3A_36 = arith.constant dense<0.000000e+00> : vector<512x128xf32>
    %dot_general3A_37 = tpu.matmul %mul3A, %get3A_35, %dot_general3A_36 {dimension_numbers = #tpu.dot_dimension_numbers<[1], [1], [0], [0], [0, 0, 1, 0], [], []>, transpose_lhs_hint = false} : vector<512x128xf32>, vector<128x128xf32>, vector<512x128xf32> -> vector<512x128xf32>
    %gt3A_38 = arith.constant 0.000000e+00 : f32
    %gt3A_39 = vector.broadcast %gt3A_38 : f32 to vector<512x128xf32>
    %gt3A_40 = arith.cmpf ogt, %dot_general3A_32, %gt3A_39 : vector<512x128xf32>
    %mul3A_41 = arith.constant 0.00999999977 : f32
    %mul3A_42 = vector.broadcast %mul3A_41 : f32 to vector<512x128xf32>
    %mul3A_43 = arith.mulf %mul3A_42, %dot_general3A_32 : vector<512x128xf32>
    %select_n3A_44 = arith.select %gt3A_40, %dot_general3A_32, %mul3A_43 : vector<512x128xi1>, vector<512x128xf32>
    %gt3A_45 = arith.constant 0.000000e+00 : f32
    %gt3A_46 = vector.broadcast %gt3A_45 : f32 to vector<512x128xf32>
    %gt3A_47 = arith.cmpf ogt, %dot_general3A_37, %gt3A_46 : vector<512x128xf32>
    %mul3A_48 = arith.constant 0.00999999977 : f32
    %mul3A_49 = vector.broadcast %mul3A_48 : f32 to vector<512x128xf32>
    %mul3A_50 = arith.mulf %mul3A_49, %dot_general3A_37 : vector<512x128xf32>
    %select_n3A_51 = arith.select %gt3A_47, %dot_general3A_37, %mul3A_50 : vector<512x128xi1>, vector<512x128xf32>
    %add3A_52 = arith.addf %select_n3A_44, %select_n3A_51 : vector<512x128xf32>
    %swap3A = arith.constant 0 : index
    %swap3A_53 = arith.constant 0 : index
    %swap3A_54 = vector.load %arg6[%swap3A, %swap3A_53] : memref<512x128xf32, #tpu.memory_space<vmem>>, vector<512x128xf32>
    tpu.vector_store %arg6[%swap3A, %swap3A_53], %add3A_52 {strides = array<i32>} : memref<512x128xf32, #tpu.memory_space<vmem>>, vector<512x128xf32>,
    %swap3A_55 = arith.constant 0 : index
    %swap3A_56 = arith.constant 0 : index
    %swap3A_57 = vector.load %arg7[%swap3A_55, %swap3A_56] : memref<512x128xf32, #tpu.memory_space<vmem>>, vector<512x128xf32>
    tpu.vector_store %arg7[%swap3A_55, %swap3A_56], %select_n3A {strides = array<i32>} : memref<512x128xf32, #tpu.memory_space<vmem>>, vector<512x128xf32>,
    return
  }
  func.func @transform_0(%arg0: i32) -> (i32, i32) {
    %c0_i32 = arith.constant 0 : i32
    %c0_i32_0 = arith.constant 0 : i32
    return %arg0, %c0_i32 : i32, i32
  }
  func.func @transform_1(%arg0: i32) -> (i32, i32, i32) {
    %c0_i32 = arith.constant 0 : i32
    %c0_i32_0 = arith.constant 0 : i32
    %c0_i32_1 = arith.constant 0 : i32
    return %c0_i32, %arg0, %c0_i32_0 : i32, i32, i32
  }
  func.func @transform_2(%arg0: i32) -> (i32, i32, i32) {
    %c0_i32 = arith.constant 0 : i32
    %c0_i32_0 = arith.constant 0 : i32
    %c0_i32_1 = arith.constant 0 : i32
    return %c0_i32, %arg0, %c0_i32_0 : i32, i32, i32
  }
  func.func @transform_3(%arg0: i32) -> (i32, i32) {
    %c0_i32 = arith.constant 0 : i32
    %c0_i32_0 = arith.constant 0 : i32
    %c0_i32_1 = arith.constant 0 : i32
    return %c0_i32, %c0_i32_0 : i32, i32
  }
  func.func @transform_4(%arg0: i32) -> (i32, i32) {
    %c0_i32 = arith.constant 0 : i32
    %c0_i32_0 = arith.constant 0 : i32
    %c0_i32_1 = arith.constant 0 : i32
    return %c0_i32, %c0_i32_0 : i32, i32
  }
  func.func @transform_5(%arg0: i32) -> (i32, i32) {
    %c0_i32 = arith.constant 0 : i32
    %c0_i32_0 = arith.constant 0 : i32
    return %arg0, %c0_i32 : i32, i32
  }
  func.func @transform_6(%arg0: i32) -> (i32, i32) {
    %c0_i32 = arith.constant 0 : i32
    %c0_i32_0 = arith.constant 0 : i32
    return %arg0, %c0_i32 : i32, i32
  }
}

</mosaic_0001>

<sc_bundles>
// kernel: closed_call.15.cloned.1.call-start
scs
__scs_entry_jumppad:
0x0: {  	(pc) =	sbr.rel $0x88, $3  }
0x1: {  	(tag) =	ssettag $0x0;
	lr =	simm.s32 $0x1  }
0x2: {  	[smem:$0x3F97] =	sst lr;
	_ =	strace $0xD0000000  }
0x3: {  	_ = 	snop  }
0x4: {  	_ = 	snop  }
0x5: {  	_ = 	snop  }
0x6: {  	_ = 	snop  }
0x7: {  	_ = 	snop  }
__scs_overlays_trampoline_lowered:
0x8: {  	[smem:$0x3FA6] =	sst s0  }
0x9: {  	[smem:$0x3FA7] =	sst s1  }
0xa: {  	[smem:$0x3FA8] =	sst s2  }
0xb: {  	[smem:$0x3FA9] =	sst s3  }
0xc: {  	[smem:$0x3FAA] =	sst s4  }
0xd: {  	[smem:$0x3FAB] =	sst s5  }
0xe: {  	[smem:$0x3FAC] =	sst s6  }
0xf: {  	[smem:$0x3FAD] =	sst s7  }
0x10: {  	[smem:$0x3FAE] =	sst s8  }
0x11: {  	[smem:$0x3FAF] =	sst s9;
	s0 =	simm.s32 @!p0 $0x0  }
0x12: {  	s1 =	sld [smem:$0x3F95];
	s0 =	simm.s32 @p0 $0x1  }
0x13: {  	[smem:$0x3FB0] =	sst s0;
	s0 =	simm.s32 @!p1 $0x0  }
0x14: {  	s2 =	sld [smem:$0x3F94];
	s0 =	simm.s32 @p1 $0x1  }
0x15: {  	[smem:$0x3FB1] =	sst s0;
	s0 =	simm.s32 @!p2 $0x0  }
0x16: {  	s3 =	sld [smem:$0x3FDB];
	s0 =	simm.s32 @p2 $0x1  }
0x17: {  	s4 =	simm.s32 $0x1BF5;
	[smem:$0x3FB3] =	sst s0  }
0x18: {  	s0 =	sld [smem:$0x3F96];
	_ =	swait.ge [sflag:s4], $0x0  }
0x19: {  	s7 =	sld [smem:$0x3F97]  }
0x1a: {  	s8 =	sadd.s32 $0xFFFFE003, lr  }
0x1b: {  	s9 =	sadd.s32 $0xFFFFFEF7, lr;
	s5 =	simm.s32 $0xFFFFFFFF;
	p2 =	slt.u32 s8, $0xFFFFF086  }
0x1c: {  	p1 =	slt.u32 s9, $0xF7A;
	s5 =	simm.s32 @!p2 $0x0  }
0x1d: {  	s5 =	simm.s32 @p1 $0x1;
	p0 =	seq.s32 s7, s2  }
0x1e: {  	s7 =	smul.u32 @!p0 $0xF7A, s2;
	p2 =	seq.s32 @!p0 s5, $0x0  }
0x1f: {  	s9 =	smul.u32 $0xF7A, s1;
	s8 =	simm.s32 @!p0 $0x1BF5;
	p2 =	por !p2, p0  }
0x20: {  	[sflag:s8] =	ssyncset.s32 @!p0 $0xFFFFF086;
	s6 =	sadd.s32 @!p0 s3, s7;
	s7 =	simm.s32 @!p0 $0x108  }
0x21: {  	s3 =	sadd.s32 s3, s9;
	s6 =	sadd.s32 @!p0 $0x88, s6;
	s7 =	simm.s32 @p2 $0x1082  }
0x22: {  	[simem:s7], [sflag:s8] =	dma.local @!p0 [hbm:s6], $0xF7A  }
0x23: {  	s9 =	sor.u32 $0xD0000000, s2;
	s6 =	simm.s32 $0x108;
	_ =	swait.ge @!p0 [sflag:s8], $0x0  }
0x24: {  	s3 =	sadd.s32 $0x88, s3;
	s6 =	simm.s32 @!p1 $0x1082;
	[sflag:s4] =	ssyncset.s32 $0xFFFFF086  }
0x25: {  	[simem:s6], [sflag:s4] =	dma.local [hbm:s3], $0xF7A  }
0x26: {  	[smem:$0x3F97] =	sst s1;
	(tag) =	ssettag s2;
	_ =	strace s9  }
0x27: {  	s1 =	sld [smem:$0x3FA7]  }
0x28: {  	s2 =	sld [smem:$0x3FA8]  }
0x29: {  	s4 =	sld [smem:$0x3FAA]  }
0x2a: {  	p0 =	seq.s32 s5, $0x0;
	s5 =	sld [smem:$0x3FAB]  }
0x2b: {  	s6 =	sld [smem:$0x3FAC]  }
0x2c: {  	s7 =	sld [smem:$0x3FAD]  }
0x2d: {  	s3 =	simm.s32 $0x108;
	s8 =	sld [smem:$0x3FAE]  }
0x2e: {  	s3 =	simm.s32 @!p0 $0x1082;
	s9 =	sld [smem:$0x3FAF]  }
0x2f: {  	lr =	sadd.s32 s0, s3;
	s0 =	sld [smem:$0x3FA6]  }
0x30: {  	s3 =	sld [smem:$0x3FA9]  }
0x31: {  	[smem:$0x3FB2] =	sst s10  }
0x32: {  	s10 =	sld [smem:$0x3FB0];
	_ =	sdelay $0x3  }
0x33: {  	p0 =	seq.s32 s10, $0x1;
	s10 =	sld [smem:$0x3FB2];
	_ =	sdelay $0x3  }
0x34: {  	[smem:$0x3FB2] =	sst s10  }
0x35: {  	s10 =	sld [smem:$0x3FB1];
	_ =	sdelay $0x3  }
0x36: {  	p1 =	seq.s32 s10, $0x1;
	s10 =	sld [smem:$0x3FB2];
	_ =	sdelay $0x3  }
0x37: {  	[smem:$0x3FB2] =	sst s10  }
0x38: {  	s10 =	sld [smem:$0x3FB3]  }
0x39: {  	_ = 	snop;
	(pc) =	sbr.ind lr, $3  }
0x3a: {  	_ = 	snop  }
0x3b: {  	_ = 	snop  }
0x3c: {  	p2 =	seq.s32 s10, $0x1;
	s10 =	sld [smem:$0x3FB2]  }
0x3d: {  	_ =	shalt  }
0x3e: {  	_ =	shalt  }
0x3f: {  	_ =	shalt  }
0x40: {  	_ =	shalt  }
0x41: {  	_ =	shalt  }
0x42: {  	_ =	shalt  }
0x43: {  	_ =	shalt  }
0x44: {  	_ =	shalt  }
0x45: {  	_ =	shalt  }
0x46: {  	_ =	shalt  }
0x47: {  	_ =	shalt  }
0x48: {  	_ =	shalt  }
0x49: {  	_ =	shalt  }
0x4a: {  	_ =	shalt  }
0x4b: {  	_ =	shalt  }
0x4c: {  	_ =	shalt  }
0x4d: {  	_ =	shalt  }
0x4e: {  	_ =	shalt  }
0x4f: {  	_ =	shalt  }
0x50: {  	_ =	shalt  }
0x51: {  	_ =	shalt  }
0x52: {  	_ =	shalt  }
0x53: {  	_ =	shalt  }
0x54: {  	_ =	shalt  }
0x55: {  	_ =	shalt  }
0x56: {  	_ =	shalt  }
0x57: {  	_ =	shalt  }
0x58: {  	_ =	shalt  }
0x59: {  	_ =	shalt  }
0x5a: {  	_ =	shalt  }
0x5b: {  	_ =	shalt  }
0x5c: {  	_ =	shalt  }
0x5d: {  	_ =	shalt  }
0x5e: {  	_ =	shalt  }
0x5f: {  	_ =	shalt  }
0x60: {  	_ =	shalt  }
0x61: {  	_ =	shalt  }
0x62: {  	_ =	shalt  }
0x63: {  	_ =	shalt  }
0x64: {  	_ =	shalt  }
0x65: {  	_ =	shalt  }
0x66: {  	_ =	shalt  }
0x67: {  	_ =	shalt  }
0x68: {  	_ =	shalt  }
0x69: {  	_ =	shalt  }
0x6a: {  	_ =	shalt  }
0x6b: {  	_ =	shalt  }
0x6c: {  	_ =	shalt  }
0x6d: {  	_ =	shalt  }
0x6e: {  	_ =	shalt  }
0x6f: {  	_ =	shalt  }
0x70: {  	_ =	shalt  }
0x71: {  	_ =	shalt  }
0x72: {  	_ =	shalt  }
0x73: {  	_ =	shalt  }
0x74: {  	_ =	shalt  }
0x75: {  	_ =	shalt  }
0x76: {  	_ =	shalt  }
0x77: {  	_ =	shalt  }
0x78: {  	_ =	shalt  }
0x79: {  	_ =	shalt  }
0x7a: {  	_ =	shalt  }
0x7b: {  	_ =	shalt  }
0x7c: {  	_ =	shalt  }
0x7d: {  	_ =	shalt  }
0x7e: {  	_ =	shalt  }
0x7f: {  	_ =	shalt  }
0x80: {  	_ =	shalt  }
0x81: {  	_ =	shalt  }
0x82: {  	_ =	shalt  }
0x83: {  	_ =	shalt  }
0x84: {  	_ =	shalt  }
0x85: {  	_ =	shalt  }
0x86: {  	_ =	shalt  }
0x87: {  	_ =	shalt  }
.Lfunc_end0:
.L_simem_size_0:
called_computation_lowered:
.L_overlay_start_0:
0x88: {  	s2 =	sld [smem:$0x3FD9]  }
0x89: {  	s3 =	sld [smem:$0x3FFE];
	_ =	sdelay $0x1  }
0x8a: {  	s1 =	srdreg.scid  }
0x8b: {  	s0 =	sand.u32 $0x1, s1  }
0x8c: {  	s16 =	sshll.u32 s0, $0xA;
	s2 =	sadd.s32 s3, s2  }
0x8d: {  	s2 =	sadd.s32 s2, s16  }
0x8e: {  	[smem:$0x3FBE] =	sst s2  }
0x8f: {  	_ = 	snop  }
0x90: {  	(tm) =	ssettm $0x1  }
0x91: {  	s17 =	sld [smem:$0x3FFB];
	_ =	sdelay $0x3  }
0x92: {  	_ =	strace s17  }
0x93: {  	s2 =	sld [smem:$0x3FFC];
	_ =	sdelay $0x3  }
0x94: {  	_ =	strace s2  }
0x95: {  	s2 =	sld [smem:$0x3FFD];
	_ =	sdelay $0x3  }
0x96: {  	_ =	strace s2  }
0x97: {  	_ =	strace $0x8FFFFFFF  }
0x98: {  	s18 =	sld [smem:$0x3FDB];
	_ =	sdelay $0x1  }
0x99: {  	s19 =	simm.s32 $_scs_section_size  }
0x9a: {  	s4 =	simm.s32 $_size__tile_overlayer_lowered;
	s5 =	simm.s32 $_tile_overlayer_lowered  }
0x9b: {  	s22 =	simm.s32 $0x1BFF;
	s21 =	sshll.u32 s5, $0x1;
	s2 =	sadd.s32 s19, s18  }
0x9c: {  	s6 =	simm.s32 $0x0;
	s20 =	sshll.u32 s4, $0x1;
	s4 =	sadd.s32 s21, s2  }
0x9d: {  	[timem:s6], [sflag:s22] =	dma.local [hbm:s4], s20  }
0x9e: {  	_ =	swait.ge [sflag:s22], s20  }
0x9f: {  	s3 =	ssub.s32 $0x0, s20;
	[sflag:s22] =	ssyncset.done $0x0  }
0xa0: {  	[sflag:s22] =	ssyncadd.s32 s3;
	_ =	sdelay $0x1  }
0xa1: {  	s23 =	simm.s32 $0x1B8B  }
0xa2: {  	_ =	swait.ge [sflag:s23], $0x1  }
0xa3: {  	[sflag:s23] =	ssyncset.done $0x0  }
0xa4: {  	s25 =	simm.s32 $0x1B8E;
	s24 =	sld [smem:$0x3FFE];
	[sflag:s23] =	ssyncadd.s32 $0xFFFFFFFF  }
0xa5: {  	s26 =	simm.s32 $execute0_lowered;
	[smem:$0x3FD2] =	sst s25  }
0xa6: {  	s4 =	sshll.u32 s26, $0x1;
	_ =	strace $0x80000049;
	[dreg:$0x1] =	wrdreg $0xFFFFFFFF  }
0xa7: {  	s28 =	simm.s32 $_size_execute0_lowered;
	s2 =	sadd.s32 s2, s4;
	[dreg:$0x0] =	wrdreg $0x0  }
0xa8: {  	s4 =	sshll.u32 s28, $0x1;
	[dreg:$0x2] =	wrdreg s2  }
0xa9: {  	[dreg:$0x3] =	wrdreg s4  }
0xaa: {  	[dreg:$0x4] =	wrdreg $0xC0  }
0xab: {  	_ =	task [dreg:s6], $0x5FFFF  }
0xac: {  	[dreg:$0x1] =	wrdreg $0xFFFFFFFF  }
0xad: {  	[dreg:$0x0] =	wrdreg $0x60  }
0xae: {  	[dreg:$0x2] =	wrdreg s24  }
0xaf: {  	[dreg:$0x3] =	wrdreg $0xA7000  }
0xb0: {  	[dreg:$0x4] =	wrdreg $0x1E7000  }
0xb1: {  	[dreg:$0x5] =	wrdreg $0x9  }
0xb2: {  	_ =	task.clear_ibuf [dreg:s6], $0x6FFFF;
	_ =	strace $0x90000049  }
0xb3: {  	s29 =	simm.s32 $0x9;
	_ =	strace $0x8000004B  }
0xb4: {  	_ =	swait.ge [sflag:s29], $0x1  }
0xb5: {  	[sflag:s29] =	ssyncadd.s32 $0xFFFFFFFF  }
0xb6: {  	_ =	strace $0x9000004B  }
0xb7: {  	_ =	sfence  }
0xb8: {  	s30 =	sld [smem:$0x0];
	_ =	sdelay $0x2  }
0xb9: {  	s31 =	sshll.u32 s1, $0xD;
	s1 =	sshrl.u32 s1, $0x2  }
0xba: {  	s3 =	sand.u32 $0x4000, s31;
	s1 =	sadd.s32 s1, s30  }
0xbb: {  	s0 =	sor.u32 s3, s0;
	s1 =	sshll.u32 s1, $0x11  }
0xbc: {  	s0 =	sor.u32 s1, s0  }
0xbd: {  	s0 =	sadd.s32 $0x8F2B, s0  }
0xbe: {  	[sflag:s0] =	ssyncadd.remote.s32 $0x1  }
0xbf: {  	_ =	sfence.sel $0xFFFF  }
0xc0: {  	[dreg:$0x0] =	wrdreg $0xFFFFFFFF;
	(pc) =	sbr.abs _section_cstart, $3  }
0xc1: {  	[dreg:$0x1] =	wrdreg $0xFFFFFFFF  }
0xc2: {  	_ =	task.clear_ibuf [dreg:s6], $0x2FFFF;
	_ =	strace $0x9FFFFFFF  }
0xc3: {  	(tm) =	ssettm $0x7FFFFFFF  }
tec
execute0_lowered:
.L_overlay_start_1:
0x0: {  	(tag) =	ssettag $0x1  }
0x1: {  	s0 =	rddreg [dreg:$0x0]  }
0x2: {  	s1 =	rddreg [dreg:$0x1]  }
0x3: {  	s2 =	rddreg [dreg:$0x2]  }
0x4: {  	s4 =	simm.s32 $0x0;
	s3 =	srdreg.scid;
	s13 =	stileid.u32  }
0x5: {  	s29 =	simm.s32 $0x5700;
	s31 =	simm.s32 $0x1;
	s28 =	simm.s32 $0x2  }
0x6: {  	s30 =	simm.s32 $0x400;
	[smem:$0x7FF] =	sst s4;
	s8 =	smul.u32 $0x14000, s13  }
0x7: {  	s3 =	sand.u32 $0x1, s3;
	s5 =	sadd.s32 $0x2BE00, s0;
	s10 =	smul.u32 $0x1400, s13  }
0x8: {  	s6 =	sadd.s32 $0x71400, s0;
	s7 =	sadd.s32 $0x1B1400, s0;
	s18 =	smul.u32 $0x50000, s13  }
0x9: {  	s11 =	sadd.s32 $0x2F1400, s0;
	s15 =	sadd.s32 $0x3800, s0;
	s22 =	smul.u32 $0x5000, s13  }
0xa: {  	s17 =	sshll.u32 s13, $0x1;
	s21 =	sshll.u32 s13, $0x6;
	s14 =	smul.u32 $0x140000, s3  }
0xb: {  	_ =	strace $0x8000004A;
	s9 =	smul.u32 $0x14000, s3;
	[dreg:$0x4] =	wrdreg s11  }
0xc: {  	[dreg:$0x5] =	wrdreg s15;
	s16 =	ssub.s32 $0x2, s3;
	s3 =	sor.u32 s3, s17  }
0xd: {  	s17 =	simm.s32 $0x9300;
	s12 =	sshrl.u32 s16, $0x1;
	s3 =	smul.u32 $0x7530, s3  }
0xe: {  	s20 =	sshrl.u32 s18, $0x2;
	s18 =	sor.u32 $0x1C05, s21;
	s4 =	sadd.s32 s8, s14  }
0xf: {  	s8 =	sadd.s32 $0x49400, s0;
	s9 =	sadd.s32 s10, s9;
	s19 =	ssub.s32 s16, s12  }
0x10: {  	s10 =	sadd.s32 s20, s1;
	s12 =	sshrl.u32 s22, $0x2;
	s22 =	simm.s32 $0x28  }
0x11: {  	s16 =	simm.s32 $0x580;
	s20 =	simm.s32 $0x0;
	[dreg:$0x6] =	wrdreg s18  }
0x12: {  	s4 =	sshrl.u32 s4, $0x3;
	s9 =	sshrl.u32 s9, $0x3;
	s23 =	sadd.s32 $0x78, s3  }
0x13: {  	s24 =	sshrl.u32 s3, $0x3;
	s12 =	sadd.s32 s12, s2;
	s14 =	sadd.s32 $0xF0, s3  }
0x14: {  	s15 =	sadd.s32 $0x168, s3;
	s26 =	smax.u32 s19, $0x1;
	s3 =	sshrl.u32 s10, $0x3  }
0x15: {  	s10 =	simm.s32 $0x4;
	s4 =	sadd.s32 s4, s0;
	s0 =	sadd.s32 s9, s0  }
0x16: {  	s11 =	sshrl.u32 s23, $0x3;
	s13 =	sadd.s32 s5, s24;
	[dreg:$0xb] =	wrdreg s26  }
0x17: {  	s19 =	sshrl.u32 s12, $0x3;
	s24 =	simm.s32 $0x4300;
	[dreg:$0xc] =	wrdreg s3  }
0x18: {  	s26 =	simm.s32 $0x6B00;
	s9 =	simm.s32 $0x7F00;
	[dreg:$0x7] =	wrdreg s13  }
0x19: {  	s12 =	simm.s32 $0x3;
	s11 =	sadd.s32 s5, s11;
	[dreg:$0xd] =	wrdreg s19  }
0x1a: {  	s25 =	sadd.s32 $0x2F8C00, s4;
	s0 =	sadd.s32 $0x2F3C00, s0;
	[dreg:$0x8] =	wrdreg s11  }
0x1b: {  	s4 =	simm.s32 $0x500;
	s13 =	simm.s32 $0x480;
	[dreg:$0x9] =	wrdreg s25  }
0x1c: {  	v0 =	vlaneseq.u32;
	[dreg:$0xa] =	wrdreg s0;
	s11 =	simm.s32 $0x5;
	s25 =	simm.s32 $0x380  }
.LBB2_1:
0x1d: {  	[dreg:$0xe] =	wrdreg s20  }
0x1e: {  	s0 =	rddreg [dreg:$0x4]  }
0x1f: {  	[spmem:s3], [sflag:s18] =	dma.local [hbm:s0], $0x2800  }
0x20: {  	_ =	swait.ge [sflag:s11], $0x2800  }
0x21: {  	[sflag:s11] =	ssyncset.done $0x0  }
0x22: {  	s3 =	rddreg [dreg:$0x5];
	[sflag:s11] =	ssyncadd.s32 $0xFFFFD800  }
0x23: {  	[spmem:s19], [sflag:s18] =	dma.local [hbm:s3], $0x280  }
0x24: {  	_ =	swait.ge [sflag:s11], $0x280  }
0x25: {  	[sflag:s11] =	ssyncset.done $0x0  }
0x26: {  	[sflag:s11] =	ssyncadd.s32 $0xFFFFFD80  }
0x27: {  	[bflag:$0x0] =	sbarrier.arrive $0xFFFF  }
0x28: {  	s0 =	simm.s32 $0x0;
	s20 =	rddreg [dreg:$0x7]  }
0x29: {  	[tilespmem:s0], [sflag:$0x5] =	stream.linear.gather [hbm4b:s20+s0], $0x78, $0x38;
	[tilespmem:$0x1E980] =	vst v63  }
0x2a: {  	_ =	swait.ge [sflag:s11], $0x78  }
0x2b: {  	[sflag:s11] =	ssyncset.done $0x0  }
0x2c: {  	[sflag:s11] =	ssyncadd.s32 $0xFFFFFF88  }
0x2d: {  	v1 =	vld [tilespmem:$0x50]  }
0x2e: {  	v2 =	vld [tilespmem:$0x0]  }
0x2f: {  	v3 =	vld [tilespmem:$0x28]  }
0x30: {  	v61 =	vld [tilespmem:$0x10];
	_ =	sdelay $0x1  }
0x31: {  	v62 =	vld [tilespmem:$0x18]  }
0x32: {  	v4 =	vld [tilespmem:$0x60];
	v1 =	vmul.u32 $0x2800, v1;
	[tilespmem:$0x300] =	vst v2  }
0x33: {  	[tilespmem:$0x400] =	vst v3  }
0x34: {  	[tilespmem:$0x310] =	vst v61;
	v5 =	vadd.s32 v2, v1;
	v1 =	vadd.s32 v3, v1  }
0x35: {  	[tilespmem:$0x200] =	vst v1;
	v1 =	vld [tilespmem:$0x38]  }
0x36: {  	[tilespmem:$0x318] =	vst v62;
	v2 =	vshrl.u32 v3, $0x4  }
0x37: {  	v4 =	vmul.u32 $0x2800, v4;
	[tilespmem:$0x500] =	vst v2;
	v2 =	vand.u32 $0xF, v3;
	v3 =	vld [tilespmem:$0x68]  }
0x38: {  	[tilespmem:$0x100] =	vst v5  }
0x39: {  	[tilespmem:$0x600] =	vst v2;
	v2 =	vadd.s32 v61, v4  }
0x3a: {  	[tilespmem:$0x110] =	vst v2;
	v2 =	vadd.s32 v1, v4  }
0x3b: {  	[tilespmem:$0x210] =	vst v2;
	v2 =	vld [tilespmem:$0x40]  }
0x3c: {  	v63 =	vshrl.u32 v1, $0x4;
	v3 =	vmul.u32 $0x2800, v3;
	[tilespmem:$0x410] =	vst v1  }
0x3d: {  	v1 =	vand.u32 $0xF, v1;
	[tilespmem:$0x510] =	vst v63  }
0x3e: {  	[tilespmem:$0x610] =	vst v1;
	v1 =	vadd.s32 v62, v3  }
0x3f: {  	[tilespmem:$0x118] =	vst v1  }
0x40: {  	v1 =	vadd.s32 v2, v3;
	[tilespmem:$0x418] =	vst v2  }
0x41: {  	[tilespmem:$0x218] =	vst v1;
	v1 =	vshrl.u32 v2, $0x4  }
0x42: {  	[tilespmem:$0x518] =	vst v1;
	v1 =	vand.u32 $0xF, v2  }
0x43: {  	s21 =	simm.s32 $0x100;
	s23 =	simm.s32 $0x700;
	[tilespmem:$0x618] =	vst v1  }
0x44: {  	[tilespmem:s23], [sflag:$0x2] =	stream.indirect.gather [hbm4b:s6+s22], $0x80, s21, s22, $0xb8;
	[tilespmem:$0x1E980] =	vst v63  }
0x45: {  	s18 =	simm.s32 $0x200;
	s19 =	simm.s32 $0x2F00  }
0x46: {  	[tilespmem:s19], [sflag:$0x2] =	stream.indirect.gather [hbm4b:s7+s22], $0x80, s18, s22, $0xb8;
	[tilespmem:$0x1E980] =	vst v63  }
0x47: {  	s20 =	simm.s32 $0x300  }
0x48: {  	[tilespmem:s29], [sflag:$0x2] =	stream.indirect.gather [hbm4b:s8+s22], $0x80, s20, s22, $0xb8;
	[tilespmem:$0x1E980] =	vst v63  }
0x49: {  	s21 =	rddreg [dreg:$0x8];
	s23 =	simm.s32 $0x80;
	s19 =	simm.s32 $0x0  }
0x4a: {  	[tilespmem:s23], [sflag:$0x1] =	stream.linear.gather [hbm4b:s21+s0], $0x78, $0x38;
	[tilespmem:$0x1E980] =	vst v63  }
.LBB2_2:
0x4b: {  	p0 =	seq.s32 s19, $0x0  }
0x4c: {  	s0 =	simm.s32 @!p0 $0x4  }
0x4d: {  	_ =	swait.ge @!p0 [sflag:s0], $0x1400  }
0x4e: {  	[sflag:s0] =	ssyncset.done @!p0 $0x0  }
0x4f: {  	[sflag:s0] =	ssyncadd.s32 @!p0 $0xFFFFEC00  }
0x50: {  	_ =	swait.ge @!p0 [sflag:s0], $0x280  }
0x51: {  	[sflag:s0] =	ssyncset.done @!p0 $0x0  }
0x52: {  	[sflag:s0] =	ssyncadd.s32 @!p0 $0xFFFFFD80  }
0x53: {  	_ =	swait.ge [sflag:s31], $0x78  }
0x54: {  	[sflag:s31] =	ssyncset.done $0x0  }
0x55: {  	[sflag:s31] =	ssyncadd.s32 $0xFFFFFF88  }
0x56: {  	v1 =	vld [tilespmem:$0xD0];
	_ =	sdelay $0x1  }
0x57: {  	v2 =	vld [tilespmem:$0x80]  }
0x58: {  	v3 =	vld [tilespmem:$0xA8];
	_ =	sdelay $0x1  }
0x59: {  	v1 =	vmul.u32 $0x2800, v1  }
0x5a: {  	v4 =	vld [tilespmem:$0xE0]  }
0x5b: {  	[tilespmem:$0x380] =	vst v2;
	v5 =	vadd.s32 v2, v1  }
0x5c: {  	v1 =	vadd.s32 v3, v1;
	[tilespmem:$0x180] =	vst v5;
	v5 =	vld [tilespmem:$0x90]  }
0x5d: {  	[tilespmem:$0x280] =	vst v1;
	v1 =	vld [tilespmem:$0xB8]  }
0x5e: {  	[tilespmem:$0x480] =	vst v3;
	v2 =	vshrl.u32 v3, $0x4  }
0x5f: {  	v4 =	vmul.u32 $0x2800, v4;
	[tilespmem:$0x580] =	vst v2;
	v2 =	vand.u32 $0xF, v3  }
0x60: {  	v3 =	vld [tilespmem:$0xE8];
	[tilespmem:$0x680] =	vst v2  }
0x61: {  	v2 =	vadd.s32 v5, v4;
	[tilespmem:$0x390] =	vst v5  }
0x62: {  	[tilespmem:$0x190] =	vst v2;
	v2 =	vadd.s32 v1, v4;
	v4 =	vld [tilespmem:$0x98]  }
0x63: {  	[tilespmem:$0x490] =	vst v1  }
0x64: {  	v5 =	vshrl.u32 v1, $0x4;
	[tilespmem:$0x290] =	vst v2;
	v2 =	vld [tilespmem:$0xC0]  }
0x65: {  	v3 =	vmul.u32 $0x2800, v3;
	[tilespmem:$0x590] =	vst v5;
	v1 =	vand.u32 $0xF, v1  }
0x66: {  	[tilespmem:$0x690] =	vst v1  }
0x67: {  	p0 =	seq.s32 s19, $0x7C;
	v1 =	vadd.s32 v4, v3;
	[tilespmem:$0x398] =	vst v4  }
0x68: {  	s21 =	smul.u32 @!p0 $0xF0, s19;
	[tilespmem:$0x198] =	vst v1  }
0x69: {  	v1 =	vadd.s32 v2, v3;
	[tilespmem:$0x498] =	vst v2  }
0x6a: {  	s0 =	sadd.s32 @!p0 s21, s14;
	[tilespmem:$0x298] =	vst v1;
	v1 =	vshrl.u32 v2, $0x4  }
0x6b: {  	s0 =	sshrl.u32 @!p0 s0, $0x3;
	[tilespmem:$0x598] =	vst v1;
	v1 =	vand.u32 $0xF, v2  }
0x6c: {  	s3 =	simm.s32 @!p0 $0x0;
	s0 =	sadd.s32 @!p0 s5, s0;
	[tilespmem:$0x698] =	vst v1  }
0x6d: {  	[tilespmem:s3], [sflag:$0x1] =	stream.linear.gather @!p0 [hbm4b:s0+s3], $0x78, $0x38;
	[tilespmem:$0x1E980] =	vst v63  }
0x6e: {  	s18 =	simm.s32 $0x180;
	s20 =	simm.s32 $0x1B00  }
0x6f: {  	[tilespmem:s20], [sflag:$0x3] =	stream.indirect.gather [hbm4b:s6+s22], $0x80, s18, s22, $0xb8;
	[tilespmem:$0x1E980] =	vst v63  }
0x70: {  	s23 =	simm.s32 $0x280  }
0x71: {  	[tilespmem:s24], [sflag:$0x3] =	stream.indirect.gather [hbm4b:s7+s22], $0x80, s23, s22, $0xb8;
	[tilespmem:$0x1E980] =	vst v63  }
0x72: {  	_ = 	snop  }
0x73: {  	[tilespmem:s26], [sflag:$0x3] =	stream.indirect.gather [hbm4b:s8+s22], $0x80, s25, s22, $0xb8;
	[tilespmem:$0x1E980] =	vst v63  }
0x74: {  	_ =	swait.ge [sflag:s28], $0x1400  }
0x75: {  	[sflag:s28] =	ssyncset.done $0x0  }
0x76: {  	[sflag:s28] =	ssyncadd.s32 $0xFFFFEC00  }
0x77: {  	_ =	swait.ge [sflag:s28], $0x1400  }
0x78: {  	[sflag:s28] =	ssyncset.done $0x0  }
0x79: {  	[sflag:s28] =	ssyncadd.s32 $0xFFFFEC00  }
0x7a: {  	_ =	swait.ge [sflag:s28], $0x1400  }
0x7b: {  	[sflag:s28] =	ssyncset.done $0x0  }
0x7c: {  	s20 =	simm.s32 $0x0;
	[sflag:s28] =	ssyncadd.s32 $0xFFFFEC00  }
0x7d: {  	v1 =	vld [tilespmem:s20+$0x700]  }
0x7e: {  	v2 =	vld [tilespmem:s20+$0x2F00]  }
0x7f: {  	v3 =	vld [tilespmem:s20+$0x710]  }
0x80: {  	v4 =	vld [tilespmem:s20+$0x2F10]  }
0x81: {  	v5 =	vld [tilespmem:s20+$0x720]  }
0x82: {  	v6 =	vld [tilespmem:s20+$0x2F20]  }
0x83: {  	v7 =	vld [tilespmem:s20+$0x730]  }
0x84: {  	v8 =	vld [tilespmem:s20+$0x2F30]  }
0x85: {  	v9 =	vld [tilespmem:s20+$0x740];
	v1 =	vmul.f32 v2, v1;
	v2 =	vmul.f32 v4, v3  }
0x86: {  	v3 =	vld [tilespmem:s20+$0x2F40]  }
0x87: {  	v4 =	vld [tilespmem:s20+$0x750];
	v1 =	vadd.f32 v2, v1;
	v2 =	vmul.f32 v6, v5  }
0x88: {  	v5 =	vld [tilespmem:s20+$0x2F50]  }
0x89: {  	v6 =	vld [tilespmem:s20+$0x760];
	v1 =	vadd.f32 v2, v1;
	v2 =	vmul.f32 v8, v7  }
0x8a: {  	v7 =	vld [tilespmem:s20+$0x2F60]  }
0x8b: {  	v8 =	vld [tilespmem:s20+$0x2F70];
	v1 =	vadd.f32 v2, v1;
	v2 =	vmul.f32 v3, v9  }
0x8c: {  	v3 =	vld [tilespmem:s20+$0x770]  }
0x8d: {  	v1 =	vadd.f32 v2, v1;
	v2 =	vmul.f32 v5, v4;
	_ =	sdelay $0x1  }
0x8e: {  	v1 =	vadd.f32 v2, v1;
	v2 =	vmul.f32 v7, v6;
	_ =	sdelay $0x1  }
0x8f: {  	v1 =	vadd.f32 v2, v1;
	v2 =	vmul.f32 v8, v3;
	_ =	sdelay $0x1  }
0x90: {  	v1 =	vadd.f32 v2, v1;
	_ =	sdelay $0x1  }
0x91: {  	(xrf2) =	vadd.scan.msk.f32 $0xffff, v1;
	_ =	sdelay $0x3  }
0x92: {  	s18 =	simm.s32 $0x80  }
0x93: {  	v10 =	vld [tilespmem:s18+$0x2F40]  }
0x94: {  	v12 =	vld [tilespmem:s18+$0x750]  }
0x95: {  	v4 =	vld [tilespmem:s18+$0x710]  }
0x96: {  	v5 =	vld [tilespmem:s18+$0x2F10]  }
0x97: {  	v3 =	vld [tilespmem:s18+$0x2F00]  }
0x98: {  	v1 =	vld [tilespmem:s18+$0x700];
	v11, _, _ =	vpop (xrf2)  }
0x99: {  	v6 =	vld [tilespmem:s18+$0x720];
	v11 =	vmul.f32 $1.442695020e+00, v11  }
0x9a: {  	v7 =	vld [tilespmem:s18+$0x2F20]  }
0x9b: {  	v9 =	vld [tilespmem:s18+$0x2F30];
	v11 =	vbroadcast v11, $0xF  }
0x9c: {  	v8 =	vld [tilespmem:s18+$0x730];
	v4 =	vmul.f32 v5, v4  }
0x9d: {  	v2 =	vld [tilespmem:s18+$0x740];
	v3 =	vmul.f32 v3, v1;
	(erf) = vpow2.f32 v11  }
0x9e: {  	v13 =	vld [tilespmem:s18+$0x2F50]  }
0x9f: {  	v14 =	vld [tilespmem:s18+$0x760];
	v3 =	vadd.f32 v4, v3;
	v4 =	vmul.f32 v7, v6  }
0xa0: {  	v15 =	vld [tilespmem:s18+$0x2F60]  }
0xa1: {  	v16 =	vld [tilespmem:s18+$0x770];
	v3 =	vadd.f32 v4, v3;
	v4 =	vmul.f32 v9, v8  }
0xa2: {  	v5 =	vld [tilespmem:s20+$0x5710];
	v2 =	vmul.f32 v10, v2  }
0xa3: {  	v6 =	vld [tilespmem:s20+$0x5720];
	v3 =	vadd.f32 v4, v3  }
0xa4: {  	v11 =	vld [tilespmem:s18+$0x2F70]  }
0xa5: {  	s11 =	simm.s32 $0x100;
	v10 =	vmul.f32 v13, v12;
	v3 =	vadd.f32 v2, v3  }
0xa6: {  	v17 =	vld [tilespmem:s11+$0x700];
	v2 =	vpop (erf)  }
0xa7: {  	v61 =	vld [tilespmem:s20+$0x5760];
	v3 =	vadd.f32 v10, v3;
	v10 =	vmul.f32 v15, v14;
	v5 =	vmul.f32 v2, v5  }
0xa8: {  	v1 =	vld [tilespmem:s11+$0x740]  }
0xa9: {  	v7 =	vld [tilespmem:s11+$0x2F00];
	v3 =	vadd.f32 v10, v3;
	[tilespmem:s20+$0x5710] =	vst v5;
	v5 =	vmul.f32 v2, v6;
	v6 =	vmul.f32 v11, v16  }
0xaa: {  	v8 =	vld [tilespmem:s20+$0x5730]  }
0xab: {  	v4 =	vld [tilespmem:s20+$0x5740];
	v3 =	vadd.f32 v6, v3  }
0xac: {  	v9 =	vld [tilespmem:s20+$0x5750]  }
0xad: {  	v62 =	vld [tilespmem:s20+$0x5770];
	(xrf2) =	vadd.scan.msk.f32 $0xffff, v3  }
0xae: {  	v63 =	vld [tilespmem:s20+$0x5700]  }
0xaf: {  	v10 =	vld [tilespmem:s11+$0x710];
	[tilespmem:s20+$0x5720] =	vst v5;
	v5 =	vmul.f32 v2, v8  }
0xb0: {  	v4 =	vmul.f32 v4, v2  }
0xb1: {  	v11 =	vld [tilespmem:s11+$0x2F10];
	[tilespmem:s20+$0x5730] =	vst v5;
	v5 =	vmul.f32 v9, v2  }
0xb2: {  	v8 =	vmul.f32 v61, v2;
	v3 =	vld [tilespmem:s11+$0x720];
	[tilespmem:s20+$0x5740] =	vst v4  }
0xb3: {  	v6 =	vld [tilespmem:s11+$0x2F20];
	[tilespmem:s20+$0x5750] =	vst v5;
	v5 =	vmul.f32 v62, v2  }
0xb4: {  	v9 =	vmul.f32 v2, v63;
	v4 =	vld [tilespmem:s11+$0x730];
	[tilespmem:s20+$0x5760] =	vst v8  }
0xb5: {  	v8 =	vld [tilespmem:s11+$0x2F30];
	[tilespmem:s20+$0x5770] =	vst v5  }
0xb6: {  	s0 =	simm.s32 $0x600;
	v10 =	vmul.f32 v11, v10;
	v5 =	vld [tilespmem:s11+$0x2F40];
	[tilespmem:s20+$0x5700] =	vst v9;
	v9 =	vmul.f32 v7, v17  }
0xb7: {  	s3 =	simm.s32 $0x600;
	v7 =	vld.msk [tilespmem:s0+$0x0 ss:$0x0], $0xffff;
	v11, _, _ =	vpop (xrf2)  }
.LBB2_3:
0xb8: {  	p1 =	sne.s32 s3, $0x4E00;
	v9 =	vadd.f32 v10, v9;
	v3 =	vmul.f32 v6, v3;
	v6 =	vld [tilespmem:s11+$0x750];
	v10 =	vmul.f32 $1.442695020e+00, v11  }
0xb9: {  	v11 =	vld [tilespmem:s11+$0x2F50]  }
0xba: {  	v3 =	vadd.f32 v3, v9;
	v4 =	vmul.f32 v8, v4;
	v8 =	vld [tilespmem:s11+$0x760];
	v9 =	vbroadcast v10, $0xF  }
0xbb: {  	v10 =	vld [tilespmem:s11+$0x2F60]  }
0xbc: {  	v3 =	vadd.f32 v4, v3;
	v4 =	vmul.f32 v5, v1;
	v5 =	vld [tilespmem:s11+$0x770];
	(erf) = vpow2.f32 v9  }
0xbd: {  	s23 =	sshra.s32 s3, $0x2;
	vm0 =	veq.s32 v7, v0;
	v9 =	vld [tilespmem:s11+$0x2F70]  }
0xbe: {  	v2 =	vnsel vm0, $0x0, v2;
	v1 =	vld [tilespmem:s23+$0x740];
	v3 =	vadd.f32 v4, v3;
	v4 =	vmul.f32 v11, v6  }
0xbf: {  	v7 =	vld [tilespmem:s23+$0x700];
	[tilespmem:s20+$0x7F00] =	vst v2;
	s20 =	smov.u32 s18;
	s18 =	smov.u32 s11;
	s11 =	smov.u32 s23  }
0xc0: {  	v11 =	vld [tilespmem:s11+$0x2F00];
	v2 =	vadd.f32 v4, v3;
	v3 =	vmul.f32 v10, v8  }
0xc1: {  	v4 =	vld [tilespmem:s20+$0x5710]  }
0xc2: {  	v10 =	vadd.f32 v3, v2;
	v3 =	vmul.f32 v9, v5;
	v5 =	vld [tilespmem:s20+$0x5720]  }
0xc3: {  	v6 =	vld [tilespmem:s20+$0x5730]  }
0xc4: {  	v3 =	vadd.f32 v3, v10;
	v8 =	vld [tilespmem:s20+$0x5740]  }
0xc5: {  	v9 =	vld [tilespmem:s20+$0x5750];
	v2 =	vpop (erf)  }
0xc6: {  	(xrf2) =	vadd.scan.msk.f32 $0xffff, v3;
	v3 =	vmul.f32 v2, v4;
	v4 =	vld [tilespmem:s20+$0x5760]  }
0xc7: {  	v5 =	vmul.f32 v2, v5;
	v10 =	vld [tilespmem:s20+$0x5770]  }
0xc8: {  	v12 =	vld [tilespmem:s20+$0x5700];
	[tilespmem:s20+$0x5710] =	vst v3;
	v3 =	vmul.f32 v2, v6  }
0xc9: {  	v13 =	vld [tilespmem:s11+$0x710];
	[tilespmem:s20+$0x5720] =	vst v5;
	v5 =	vmul.f32 v8, v2  }
0xca: {  	v14 =	vld [tilespmem:s11+$0x2F10];
	[tilespmem:s20+$0x5730] =	vst v3;
	v8 =	vmul.f32 v9, v2  }
0xcb: {  	v3 =	vld [tilespmem:s11+$0x720];
	[tilespmem:s20+$0x5740] =	vst v5;
	v5 =	vmul.f32 v4, v2  }
.Ltmp0:
0xcc: {  	v6 =	vld [tilespmem:s11+$0x2F20];
	[tilespmem:s20+$0x5750] =	vst v8;
	v9 =	vmul.f32 v10, v2;
	(pc) =	sbr.rel @p1 .LBB2_3-.Ltmp0, $4  }
0xcd: {  	v4 =	vld [tilespmem:s11+$0x730];
	v12 =	vmul.f32 v2, v12;
	[tilespmem:s20+$0x5760] =	vst v5  }
0xce: {  	v8 =	vld [tilespmem:s11+$0x2F30];
	[tilespmem:s20+$0x5770] =	vst v9  }
0xcf: {  	s0 =	sadd.s32 $0x1, s0;
	v9 =	vmul.f32 v11, v7;
	v10 =	vmul.f32 v14, v13;
	v5 =	vld [tilespmem:s11+$0x2F40];
	[tilespmem:s20+$0x5700] =	vst v12  }
0xd0: {  	s3 =	sadd.s32 $0x200, s3;
	v11, _, _ =	vpop (xrf2);
	v7 =	vld.msk [tilespmem:s0+$0x0 ss:$0x0], $0xffff  }
0xd1: {  	v9 =	vadd.f32 v10, v9;
	v3 =	vmul.f32 v6, v3;
	v6 =	vld [tilespmem:s11+$0x750]  }
0xd2: {  	v10 =	vmul.f32 $1.442695020e+00, v11;
	v11 =	vld [tilespmem:s11+$0x2F50]  }
0xd3: {  	v3 =	vadd.f32 v3, v9;
	v4 =	vmul.f32 v8, v4;
	v8 =	vld [tilespmem:s11+$0x760]  }
0xd4: {  	v9 =	vbroadcast v10, $0xF;
	v10 =	vld [tilespmem:s11+$0x2F60]  }
0xd5: {  	v1 =	vmul.f32 v5, v1;
	v5 =	vld [tilespmem:s11+$0x2F70];
	v3 =	vadd.f32 v4, v3  }
0xd6: {  	v4 =	vld [tilespmem:s11+$0x770];
	(erf) = vpow2.f32 v9  }
0xd7: {  	vm0 =	veq.s32 v7, v0;
	v1 =	vadd.f32 v1, v3;
	v3 =	vmul.f32 v11, v6  }
0xd8: {  	v2 =	vnsel vm0, $0x0, v2  }
0xd9: {  	[tilespmem:s20+$0x7F00] =	vst v2;
	v2 =	vmul.f32 v10, v8;
	v1 =	vadd.f32 v3, v1;
	_ =	sdelay $0x1  }
0xda: {  	v6 =	vld [tilespmem:s18+$0x5750];
	v1 =	vadd.f32 v2, v1;
	v2 =	vmul.f32 v5, v4  }
0xdb: {  	v3 =	vld [tilespmem:s18+$0x5710]  }
0xdc: {  	v4 =	vld [tilespmem:s18+$0x5720];
	v1 =	vadd.f32 v2, v1  }
0xdd: {  	v5 =	vld [tilespmem:s18+$0x5730]  }
0xde: {  	v2 =	vld [tilespmem:s18+$0x5740];
	(xrf2) =	vadd.scan.msk.f32 $0xffff, v1  }
0xdf: {  	v7 =	vpop (erf);
	v1 =	vld [tilespmem:s18+$0x5760]  }
0xe0: {  	v3 =	vmul.f32 v7, v3  }
0xe1: {  	v8 =	vld [tilespmem:s18+$0x5770];
	v4 =	vmul.f32 v7, v4  }
0xe2: {  	v9 =	vld [tilespmem:s18+$0x5700];
	[tilespmem:s18+$0x5710] =	vst v3;
	v3 =	vmul.f32 v7, v5  }
0xe3: {  	[tilespmem:s18+$0x5720] =	vst v4;
	v2 =	vmul.f32 v2, v7  }
0xe4: {  	[tilespmem:s18+$0x5730] =	vst v3;
	v3 =	vmul.f32 v6, v7;
	v1 =	vmul.f32 v1, v7  }
0xe5: {  	[tilespmem:s18+$0x5740] =	vst v2  }
0xe6: {  	v2 =	vmul.f32 v8, v7;
	[tilespmem:s18+$0x5750] =	vst v3  }
0xe7: {  	v3 =	vmul.f32 v7, v9;
	[tilespmem:s18+$0x5760] =	vst v1  }
0xe8: {  	[tilespmem:s18+$0x5770] =	vst v2;
	v1, _, _ =	vpop (xrf2)  }
0xe9: {  	s0 =	sadd.s32 $0x1, s0;
	[tilespmem:s18+$0x5700] =	vst v3;
	v1 =	vmul.f32 $1.442695020e+00, v1  }
0xea: {  	v2 =	vld.msk [tilespmem:s0+$0x0 ss:$0x0], $0xffff  }
0xeb: {  	v1 =	vbroadcast v1, $0xF;
	_ =	sdelay $0x1  }
0xec: {  	(erf) = vpow2.f32 v1;
	_ =	sdelay $0x1  }
0xed: {  	vm14 =	veq.s32 v2, v0  }
0xee: {  	v1 =	vnsel vm14, $0x0, v7  }
0xef: {  	[tilespmem:s18+$0x7F00] =	vst v1  }
0xf0: {  	v1 =	vld [tilespmem:s11+$0x5710]  }
0xf1: {  	v2 =	vld [tilespmem:s11+$0x5720]  }
0xf2: {  	v3 =	vld [tilespmem:s11+$0x5730]  }
0xf3: {  	v4 =	vld [tilespmem:s11+$0x5740]  }
0xf4: {  	v9 =	vld [tilespmem:s11+$0x5700];
	v6 =	vpop (erf)  }
0xf5: {  	v5 =	vld [tilespmem:s11+$0x5750];
	v1 =	vmul.f32 v6, v1  }
0xf6: {  	v7 =	vld [tilespmem:s11+$0x5760];
	v2 =	vmul.f32 v6, v2  }
0xf7: {  	v8 =	vld [tilespmem:s11+$0x5770];
	[tilespmem:s11+$0x5710] =	vst v1;
	v1 =	vmul.f32 v6, v3  }
0xf8: {  	[tilespmem:s11+$0x5720] =	vst v2;
	v2 =	vmul.f32 v4, v6  }
0xf9: {  	v3 =	vmul.f32 v6, v9;
	[tilespmem:s11+$0x5730] =	vst v1  }
0xfa: {  	v1 =	vmul.f32 v5, v6;
	[tilespmem:s11+$0x5740] =	vst v2  }
0xfb: {  	v2 =	vmul.f32 v7, v6;
	[tilespmem:s11+$0x5700] =	vst v3  }
0xfc: {  	[tilespmem:s11+$0x5750] =	vst v1;
	v1 =	vmul.f32 v8, v6  }
0xfd: {  	[tilespmem:s11+$0x5760] =	vst v2  }
0xfe: {  	s0 =	sadd.s32 $0x1, s0;
	[tilespmem:s11+$0x5770] =	vst v1  }
0xff: {  	v1 =	vld.msk [tilespmem:s0+$0x0 ss:$0x0], $0xffff;
	_ =	sdelay $0x4  }
0x100: {  	vm15 =	veq.s32 v1, v0  }
0x101: {  	v1 =	vnsel vm15, $0x0, v6  }
0x102: {  	[tilespmem:s11+$0x7F00] =	vst v1  }
0x103: {  	[spmem:s1] =	stream.indirect.scatter.add.f32 [tilespmem:s29], [sflag:$0x4], $0x80, s30, s22, $0xb8;
	[tilespmem:$0x1E980] =	vst v63  }
0x104: {  	_ = 	snop  }
0x105: {  	[spmem:s2] =	stream.indirect.scatter.add.f32 [tilespmem:s9], [sflag:$0x4], $0x10, s4, s22, $0xb8;
	[tilespmem:$0x1E980] =	vst v63  }
0x106: {  	_ =	swait.ge [sflag:s10], $0x1400  }
0x107: {  	[sflag:s10] =	ssyncset.done $0x0  }
0x108: {  	[sflag:s10] =	ssyncadd.s32 $0xFFFFEC00  }
0x109: {  	_ =	swait.ge [sflag:s10], $0x280  }
0x10a: {  	[sflag:s10] =	ssyncset.done $0x0  }
0x10b: {  	s0 =	simm.s32 @!p0 $0x1;
	[sflag:s10] =	ssyncadd.s32 $0xFFFFFD80  }
0x10c: {  	_ =	swait.ge @!p0 [sflag:s0], $0x78  }
0x10d: {  	[sflag:s0] =	ssyncset.done @!p0 $0x0  }
0x10e: {  	[sflag:s0] =	ssyncadd.s32 @!p0 $0xFFFFFF88  }
0x10f: {  	v1 =	vld @!p0 [tilespmem:$0x50];
	_ =	sdelay $0x1  }
0x110: {  	v2 =	vld @!p0 [tilespmem:$0x0]  }
0x111: {  	v3 =	vld @!p0 [tilespmem:$0x28];
	_ =	sdelay $0x1  }
0x112: {  	v1 =	vmul.u32 @!p0 $0x2800, v1  }
0x113: {  	v4 =	vld @!p0 [tilespmem:$0x60]  }
0x114: {  	[tilespmem:$0x300] =	vst @!p0 v2;
	v5 =	vadd.s32 @!p0 v2, v1  }
0x115: {  	v1 =	vadd.s32 @!p0 v3, v1;
	[tilespmem:$0x100] =	vst @!p0 v5;
	v5 =	vld @!p0 [tilespmem:$0x10]  }
0x116: {  	[tilespmem:$0x200] =	vst @!p0 v1;
	v1 =	vld @!p0 [tilespmem:$0x38]  }
0x117: {  	[tilespmem:$0x400] =	vst @!p0 v3;
	v2 =	vshrl.u32 @!p0 v3, $0x4  }
0x118: {  	v4 =	vmul.u32 @!p0 $0x2800, v4;
	[tilespmem:$0x500] =	vst @!p0 v2;
	v2 =	vand.u32 @!p0 $0xF, v3  }
0x119: {  	v3 =	vld @!p0 [tilespmem:$0x68];
	[tilespmem:$0x600] =	vst @!p0 v2  }
0x11a: {  	v2 =	vadd.s32 @!p0 v5, v4;
	[tilespmem:$0x310] =	vst @!p0 v5  }
0x11b: {  	[tilespmem:$0x110] =	vst @!p0 v2;
	v2 =	vadd.s32 @!p0 v1, v4;
	v4 =	vld @!p0 [tilespmem:$0x18]  }
0x11c: {  	[tilespmem:$0x410] =	vst @!p0 v1  }
0x11d: {  	v5 =	vshrl.u32 @!p0 v1, $0x4;
	[tilespmem:$0x210] =	vst @!p0 v2;
	v2 =	vld @!p0 [tilespmem:$0x40]  }
0x11e: {  	v3 =	vmul.u32 @!p0 $0x2800, v3;
	[tilespmem:$0x510] =	vst @!p0 v5;
	v1 =	vand.u32 @!p0 $0xF, v1  }
0x11f: {  	[tilespmem:$0x610] =	vst @!p0 v1  }
0x120: {  	v1 =	vadd.s32 @!p0 v4, v3;
	[tilespmem:$0x318] =	vst @!p0 v4  }
0x121: {  	[tilespmem:$0x118] =	vst @!p0 v1  }
0x122: {  	v1 =	vadd.s32 @!p0 v2, v3;
	[tilespmem:$0x418] =	vst @!p0 v2  }
0x123: {  	s0 =	sadd.s32 @!p0 s21, s15;
	[tilespmem:$0x218] =	vst @!p0 v1;
	v1 =	vshrl.u32 @!p0 v2, $0x4  }
0x124: {  	s0 =	sshrl.u32 @!p0 s0, $0x3;
	[tilespmem:$0x518] =	vst @!p0 v1;
	v1 =	vand.u32 @!p0 $0xF, v2  }
0x125: {  	s3 =	simm.s32 @!p0 $0x0;
	s11 =	simm.s32 @!p0 $0x80;
	s0 =	sadd.s32 @!p0 s5, s0;
	[tilespmem:$0x618] =	vst @!p0 v1  }
0x126: {  	[tilespmem:s11], [sflag:$0x1] =	stream.linear.gather @!p0 [hbm4b:s0+s3], $0x78, $0x38;
	[tilespmem:$0x1E980] =	vst v63  }
0x127: {  	s0 =	simm.s32 @!p0 $0x28;
	s3 =	simm.s32 @!p0 $0x100;
	s11 =	simm.s32 @!p0 $0x700  }
0x128: {  	[tilespmem:s11], [sflag:$0x2] =	stream.indirect.gather @!p0 [hbm4b:s6+s0], $0x80, s3, s0, $0xb8;
	[tilespmem:$0x1E980] =	vst v63  }
0x129: {  	s3 =	simm.s32 @!p0 $0x200;
	s11 =	simm.s32 @!p0 $0x2F00  }
0x12a: {  	[tilespmem:s11], [sflag:$0x2] =	stream.indirect.gather @!p0 [hbm4b:s7+s0], $0x80, s3, s0, $0xb8;
	[tilespmem:$0x1E980] =	vst v63  }
0x12b: {  	s3 =	simm.s32 @!p0 $0x300;
	s11 =	simm.s32 @!p0 $0x5700  }
0x12c: {  	[tilespmem:s11], [sflag:$0x2] =	stream.indirect.gather @!p0 [hbm4b:s8+s0], $0x80, s3, s0, $0xb8;
	[tilespmem:$0x1E980] =	vst v63  }
0x12d: {  	_ =	swait.ge [sflag:s12], $0x1400  }
0x12e: {  	[sflag:s12] =	ssyncset.done $0x0  }
0x12f: {  	[sflag:s12] =	ssyncadd.s32 $0xFFFFEC00  }
0x130: {  	_ =	swait.ge [sflag:s12], $0x1400  }
0x131: {  	[sflag:s12] =	ssyncset.done $0x0  }
0x132: {  	[sflag:s12] =	ssyncadd.s32 $0xFFFFEC00  }
0x133: {  	_ =	swait.ge [sflag:s12], $0x1400  }
0x134: {  	[sflag:s12] =	ssyncset.done $0x0  }
0x135: {  	s20 =	simm.s32 $0x0;
	[sflag:s12] =	ssyncadd.s32 $0xFFFFEC00  }
0x136: {  	v1 =	vld [tilespmem:s20+$0x1B00]  }
0x137: {  	v2 =	vld [tilespmem:s20+$0x4300]  }
0x138: {  	v3 =	vld [tilespmem:s20+$0x1B10]  }
0x139: {  	v4 =	vld [tilespmem:s20+$0x4310]  }
0x13a: {  	v5 =	vld [tilespmem:s20+$0x1B20]  }
0x13b: {  	v6 =	vld [tilespmem:s20+$0x4320]  }
0x13c: {  	v7 =	vld [tilespmem:s20+$0x1B30]  }
0x13d: {  	v8 =	vld [tilespmem:s20+$0x4330]  }
0x13e: {  	v9 =	vld [tilespmem:s20+$0x1B40];
	v1 =	vmul.f32 v2, v1;
	v2 =	vmul.f32 v4, v3  }
0x13f: {  	v3 =	vld [tilespmem:s20+$0x4340]  }
0x140: {  	v4 =	vld [tilespmem:s20+$0x1B50];
	v1 =	vadd.f32 v2, v1;
	v2 =	vmul.f32 v6, v5  }
0x141: {  	v5 =	vld [tilespmem:s20+$0x4350]  }
0x142: {  	v6 =	vld [tilespmem:s20+$0x1B60];
	v1 =	vadd.f32 v2, v1;
	v2 =	vmul.f32 v8, v7  }
0x143: {  	v7 =	vld [tilespmem:s20+$0x4360]  }
0x144: {  	v8 =	vld [tilespmem:s20+$0x4370];
	v1 =	vadd.f32 v2, v1;
	v2 =	vmul.f32 v3, v9  }
0x145: {  	v3 =	vld [tilespmem:s20+$0x1B70]  }
0x146: {  	v1 =	vadd.f32 v2, v1;
	v2 =	vmul.f32 v5, v4;
	_ =	sdelay $0x1  }
0x147: {  	v1 =	vadd.f32 v2, v1;
	v2 =	vmul.f32 v7, v6;
	_ =	sdelay $0x1  }
0x148: {  	v1 =	vadd.f32 v2, v1;
	v2 =	vmul.f32 v8, v3;
	_ =	sdelay $0x1  }
0x149: {  	v1 =	vadd.f32 v2, v1;
	_ =	sdelay $0x1  }
0x14a: {  	(xrf2) =	vadd.scan.msk.f32 $0xffff, v1;
	_ =	sdelay $0x3  }
0x14b: {  	s18 =	simm.s32 $0x80  }
0x14c: {  	v10 =	vld [tilespmem:s18+$0x4340]  }
0x14d: {  	v12 =	vld [tilespmem:s18+$0x1B50]  }
0x14e: {  	v4 =	vld [tilespmem:s18+$0x1B10]  }
0x14f: {  	v5 =	vld [tilespmem:s18+$0x4310]  }
0x150: {  	v3 =	vld [tilespmem:s18+$0x4300]  }
0x151: {  	v1 =	vld [tilespmem:s18+$0x1B00];
	v11, _, _ =	vpop (xrf2)  }
0x152: {  	v6 =	vld [tilespmem:s18+$0x1B20];
	v11 =	vmul.f32 $1.442695020e+00, v11  }
0x153: {  	v7 =	vld [tilespmem:s18+$0x4320]  }
0x154: {  	v9 =	vld [tilespmem:s18+$0x4330];
	v11 =	vbroadcast v11, $0xF  }
0x155: {  	v8 =	vld [tilespmem:s18+$0x1B30];
	v4 =	vmul.f32 v5, v4  }
0x156: {  	v2 =	vld [tilespmem:s18+$0x1B40];
	v3 =	vmul.f32 v3, v1;
	(erf) = vpow2.f32 v11  }
0x157: {  	v13 =	vld [tilespmem:s18+$0x4350]  }
0x158: {  	v14 =	vld [tilespmem:s18+$0x1B60];
	v3 =	vadd.f32 v4, v3;
	v4 =	vmul.f32 v7, v6  }
0x159: {  	v15 =	vld [tilespmem:s18+$0x4360]  }
0x15a: {  	v16 =	vld [tilespmem:s18+$0x1B70];
	v3 =	vadd.f32 v4, v3;
	v4 =	vmul.f32 v9, v8  }
0x15b: {  	v5 =	vld [tilespmem:s20+$0x6B10];
	v2 =	vmul.f32 v10, v2  }
0x15c: {  	v6 =	vld [tilespmem:s20+$0x6B20];
	v3 =	vadd.f32 v4, v3  }
0x15d: {  	v11 =	vld [tilespmem:s18+$0x4370]  }
0x15e: {  	s11 =	simm.s32 $0x100;
	v10 =	vmul.f32 v13, v12;
	v3 =	vadd.f32 v2, v3  }
0x15f: {  	v17 =	vld [tilespmem:s11+$0x1B00];
	v2 =	vpop (erf)  }
0x160: {  	v61 =	vld [tilespmem:s20+$0x6B60];
	v3 =	vadd.f32 v10, v3;
	v10 =	vmul.f32 v15, v14;
	v5 =	vmul.f32 v2, v5  }
0x161: {  	v1 =	vld [tilespmem:s11+$0x1B40]  }
0x162: {  	v7 =	vld [tilespmem:s11+$0x4300];
	v3 =	vadd.f32 v10, v3;
	[tilespmem:s20+$0x6B10] =	vst v5;
	v5 =	vmul.f32 v2, v6;
	v6 =	vmul.f32 v11, v16  }
0x163: {  	v8 =	vld [tilespmem:s20+$0x6B30]  }
0x164: {  	v4 =	vld [tilespmem:s20+$0x6B40];
	v3 =	vadd.f32 v6, v3  }
0x165: {  	v9 =	vld [tilespmem:s20+$0x6B50]  }
0x166: {  	v62 =	vld [tilespmem:s20+$0x6B70];
	(xrf2) =	vadd.scan.msk.f32 $0xffff, v3  }
0x167: {  	v63 =	vld [tilespmem:s20+$0x6B00]  }
0x168: {  	v10 =	vld [tilespmem:s11+$0x1B10];
	[tilespmem:s20+$0x6B20] =	vst v5;
	v5 =	vmul.f32 v2, v8  }
0x169: {  	v4 =	vmul.f32 v4, v2  }
0x16a: {  	v11 =	vld [tilespmem:s11+$0x4310];
	[tilespmem:s20+$0x6B30] =	vst v5;
	v5 =	vmul.f32 v9, v2  }
0x16b: {  	v8 =	vmul.f32 v61, v2;
	v3 =	vld [tilespmem:s11+$0x1B20];
	[tilespmem:s20+$0x6B40] =	vst v4  }
0x16c: {  	v6 =	vld [tilespmem:s11+$0x4320];
	[tilespmem:s20+$0x6B50] =	vst v5;
	v5 =	vmul.f32 v62, v2  }
0x16d: {  	v9 =	vmul.f32 v2, v63;
	v4 =	vld [tilespmem:s11+$0x1B30];
	[tilespmem:s20+$0x6B60] =	vst v8  }
0x16e: {  	v8 =	vld [tilespmem:s11+$0x4330];
	[tilespmem:s20+$0x6B70] =	vst v5  }
0x16f: {  	s0 =	simm.s32 $0x680;
	v10 =	vmul.f32 v11, v10;
	v5 =	vld [tilespmem:s11+$0x4340];
	[tilespmem:s20+$0x6B00] =	vst v9;
	v9 =	vmul.f32 v7, v17  }
0x170: {  	s3 =	simm.s32 $0x600;
	v7 =	vld.msk [tilespmem:s0+$0x0 ss:$0x0], $0xffff;
	v11, _, _ =	vpop (xrf2)  }
.LBB2_5:
0x171: {  	p0 =	sne.s32 s3, $0x4E00;
	v9 =	vadd.f32 v10, v9;
	v3 =	vmul.f32 v6, v3;
	v6 =	vld [tilespmem:s11+$0x1B50];
	v10 =	vmul.f32 $1.442695020e+00, v11  }
0x172: {  	v11 =	vld [tilespmem:s11+$0x4350]  }
0x173: {  	v3 =	vadd.f32 v3, v9;
	v4 =	vmul.f32 v8, v4;
	v8 =	vld [tilespmem:s11+$0x1B60];
	v9 =	vbroadcast v10, $0xF  }
0x174: {  	v10 =	vld [tilespmem:s11+$0x4360]  }
0x175: {  	v3 =	vadd.f32 v4, v3;
	v4 =	vmul.f32 v5, v1;
	v5 =	vld [tilespmem:s11+$0x1B70];
	(erf) = vpow2.f32 v9  }
0x176: {  	s21 =	sshra.s32 s3, $0x2;
	vm0 =	veq.s32 v7, v0;
	v9 =	vld [tilespmem:s11+$0x4370]  }
0x177: {  	v2 =	vnsel vm0, $0x0, v2;
	v1 =	vld [tilespmem:s21+$0x1B40];
	v3 =	vadd.f32 v4, v3;
	v4 =	vmul.f32 v11, v6  }
0x178: {  	v7 =	vld [tilespmem:s21+$0x1B00];
	[tilespmem:s20+$0x9300] =	vst v2;
	s20 =	smov.u32 s18;
	s18 =	smov.u32 s11;
	s11 =	smov.u32 s21  }
0x179: {  	v11 =	vld [tilespmem:s11+$0x4300];
	v2 =	vadd.f32 v4, v3;
	v3 =	vmul.f32 v10, v8  }
0x17a: {  	v4 =	vld [tilespmem:s20+$0x6B10]  }
0x17b: {  	v10 =	vadd.f32 v3, v2;
	v3 =	vmul.f32 v9, v5;
	v5 =	vld [tilespmem:s20+$0x6B20]  }
0x17c: {  	v6 =	vld [tilespmem:s20+$0x6B30]  }
0x17d: {  	v3 =	vadd.f32 v3, v10;
	v8 =	vld [tilespmem:s20+$0x6B40]  }
0x17e: {  	v9 =	vld [tilespmem:s20+$0x6B50];
	v2 =	vpop (erf)  }
0x17f: {  	(xrf2) =	vadd.scan.msk.f32 $0xffff, v3;
	v3 =	vmul.f32 v2, v4;
	v4 =	vld [tilespmem:s20+$0x6B60]  }
0x180: {  	v5 =	vmul.f32 v2, v5;
	v10 =	vld [tilespmem:s20+$0x6B70]  }
0x181: {  	v12 =	vld [tilespmem:s20+$0x6B00];
	[tilespmem:s20+$0x6B10] =	vst v3;
	v3 =	vmul.f32 v2, v6  }
0x182: {  	v13 =	vld [tilespmem:s11+$0x1B10];
	[tilespmem:s20+$0x6B20] =	vst v5;
	v5 =	vmul.f32 v8, v2  }
0x183: {  	v14 =	vld [tilespmem:s11+$0x4310];
	[tilespmem:s20+$0x6B30] =	vst v3;
	v8 =	vmul.f32 v9, v2  }
0x184: {  	v3 =	vld [tilespmem:s11+$0x1B20];
	[tilespmem:s20+$0x6B40] =	vst v5;
	v5 =	vmul.f32 v4, v2  }
.Ltmp1:
0x185: {  	v6 =	vld [tilespmem:s11+$0x4320];
	[tilespmem:s20+$0x6B50] =	vst v8;
	v9 =	vmul.f32 v10, v2;
	(pc) =	sbr.rel @p0 .LBB2_5-.Ltmp1, $4  }
0x186: {  	v4 =	vld [tilespmem:s11+$0x1B30];
	v12 =	vmul.f32 v2, v12;
	[tilespmem:s20+$0x6B60] =	vst v5  }
0x187: {  	v8 =	vld [tilespmem:s11+$0x4330];
	[tilespmem:s20+$0x6B70] =	vst v9  }
0x188: {  	s0 =	sadd.s32 $0x1, s0;
	v9 =	vmul.f32 v11, v7;
	v10 =	vmul.f32 v14, v13;
	v5 =	vld [tilespmem:s11+$0x4340];
	[tilespmem:s20+$0x6B00] =	vst v12  }
0x189: {  	s3 =	sadd.s32 $0x200, s3;
	v11, _, _ =	vpop (xrf2);
	v7 =	vld.msk [tilespmem:s0+$0x0 ss:$0x0], $0xffff  }
0x18a: {  	v9 =	vadd.f32 v10, v9;
	v3 =	vmul.f32 v6, v3;
	v45 =	vld [tilespmem:s11+$0x1B50]  }
0x18b: {  	v46 =	vmul.f32 $1.442695020e+00, v11;
	v47 =	vld [tilespmem:s11+$0x4350]  }
0x18c: {  	v48 =	vld [tilespmem:s11+$0x1B60];
	v3 =	vadd.f32 v3, v9;
	v4 =	vmul.f32 v8, v4  }
0x18d: {  	v50 =	vld [tilespmem:s11+$0x4360];
	v49 =	vbroadcast v46, $0xF  }
0x18e: {  	v51 =	vld [tilespmem:s11+$0x1B70];
	v1 =	vmul.f32 v5, v1;
	v3 =	vadd.f32 v4, v3  }
0x18f: {  	v52 =	vld [tilespmem:s11+$0x4370];
	(erf) = vpow2.f32 v49  }
0x190: {  	vm0 =	veq.s32 v7, v0;
	v1 =	vadd.f32 v1, v3;
	v3 =	vmul.f32 v47, v45  }
0x191: {  	v2 =	vnsel vm0, $0x0, v2  }
0x192: {  	[tilespmem:s20+$0x9300] =	vst v2;
	v2 =	vmul.f32 v50, v48;
	v1 =	vadd.f32 v3, v1;
	_ =	sdelay $0x1  }
0x193: {  	v53 =	vld [tilespmem:s18+$0x6B20];
	v1 =	vadd.f32 v2, v1;
	v2 =	vmul.f32 v52, v51  }
0x194: {  	v3 =	vld [tilespmem:s18+$0x6B10]  }
0x195: {  	v54 =	vld [tilespmem:s18+$0x6B30];
	v1 =	vadd.f32 v2, v1  }
0x196: {  	v55 =	vld [tilespmem:s18+$0x6B50]  }
0x197: {  	v2 =	vld [tilespmem:s18+$0x6B40];
	(xrf2) =	vadd.scan.msk.f32 $0xffff, v1  }
0x198: {  	v56 =	vpop (erf);
	v1 =	vld [tilespmem:s18+$0x6B60]  }
0x199: {  	v3 =	vmul.f32 v56, v3  }
0x19a: {  	v57 =	vld [tilespmem:s18+$0x6B70];
	v4 =	vmul.f32 v56, v53  }
0x19b: {  	v58 =	vld [tilespmem:s18+$0x6B00];
	[tilespmem:s18+$0x6B10] =	vst v3;
	v3 =	vmul.f32 v56, v54  }
0x19c: {  	[tilespmem:s18+$0x6B20] =	vst v4;
	v2 =	vmul.f32 v2, v56  }
0x19d: {  	[tilespmem:s18+$0x6B30] =	vst v3;
	v3 =	vmul.f32 v55, v56;
	v1 =	vmul.f32 v1, v56  }
0x19e: {  	[tilespmem:s18+$0x6B40] =	vst v2  }
0x19f: {  	v2 =	vmul.f32 v57, v56;
	[tilespmem:s18+$0x6B50] =	vst v3  }
0x1a0: {  	v3 =	vmul.f32 v56, v58;
	[tilespmem:s18+$0x6B60] =	vst v1  }
0x1a1: {  	[tilespmem:s18+$0x6B70] =	vst v2;
	v1, _, _ =	vpop (xrf2)  }
0x1a2: {  	s0 =	sadd.s32 $0x1, s0;
	[tilespmem:s18+$0x6B00] =	vst v3;
	v1 =	vmul.f32 $1.442695020e+00, v1  }
0x1a3: {  	v2 =	vld.msk [tilespmem:s0+$0x0 ss:$0x0], $0xffff  }
0x1a4: {  	v1 =	vbroadcast v1, $0xF;
	_ =	sdelay $0x1  }
0x1a5: {  	(erf) = vpow2.f32 v1;
	_ =	sdelay $0x1  }
0x1a6: {  	vm14 =	veq.s32 v2, v0  }
0x1a7: {  	v1 =	vnsel vm14, $0x0, v56  }
0x1a8: {  	[tilespmem:s18+$0x9300] =	vst v1  }
0x1a9: {  	v1 =	vld [tilespmem:s11+$0x6B10]  }
0x1aa: {  	v2 =	vld [tilespmem:s11+$0x6B20]  }
0x1ab: {  	v3 =	vld [tilespmem:s11+$0x6B30]  }
0x1ac: {  	v4 =	vld [tilespmem:s11+$0x6B40]  }
0x1ad: {  	v63 =	vld [tilespmem:s11+$0x6B00];
	v60 =	vpop (erf)  }
0x1ae: {  	v59 =	vld [tilespmem:s11+$0x6B50];
	v1 =	vmul.f32 v60, v1  }
0x1af: {  	v61 =	vld [tilespmem:s11+$0x6B60];
	v2 =	vmul.f32 v60, v2  }
0x1b0: {  	v62 =	vld [tilespmem:s11+$0x6B70];
	[tilespmem:s11+$0x6B10] =	vst v1;
	v1 =	vmul.f32 v60, v3  }
0x1b1: {  	[tilespmem:s11+$0x6B20] =	vst v2;
	v2 =	vmul.f32 v4, v60  }
0x1b2: {  	v3 =	vmul.f32 v60, v63;
	[tilespmem:s11+$0x6B30] =	vst v1  }
0x1b3: {  	v1 =	vmul.f32 v59, v60;
	[tilespmem:s11+$0x6B40] =	vst v2  }
0x1b4: {  	v2 =	vmul.f32 v61, v60;
	[tilespmem:s11+$0x6B00] =	vst v3  }
0x1b5: {  	[tilespmem:s11+$0x6B50] =	vst v1;
	v1 =	vmul.f32 v62, v60  }
0x1b6: {  	[tilespmem:s11+$0x6B60] =	vst v2  }
0x1b7: {  	s0 =	sadd.s32 $0x1, s0;
	[tilespmem:s11+$0x6B70] =	vst v1  }
0x1b8: {  	v1 =	vld.msk [tilespmem:s0+$0x0 ss:$0x0], $0xffff;
	_ =	sdelay $0x3  }
0x1b9: {  	s19 =	sadd.s32 $0x1, s19  }
0x1ba: {  	p0 =	sne.s32 s19, $0x7D;
	vm15 =	veq.s32 v1, v0  }
.Ltmp2:
0x1bb: {  	v1 =	vnsel vm15, $0x0, v60;
	(pc) =	sbr.rel @p0 .LBB2_2-.Ltmp2, $4  }
0x1bc: {  	[tilespmem:s11+$0x9300] =	vst v1  }
0x1bd: {  	[spmem:s1] =	stream.indirect.scatter.add.f32 [tilespmem:s26], [sflag:$0x4], $0x80, s13, s22, $0xb8;
	[tilespmem:$0x1E980] =	vst v63  }
0x1be: {  	_ = 	snop  }
0x1bf: {  	[spmem:s2] =	stream.indirect.scatter.add.f32 [tilespmem:s17], [sflag:$0x4], $0x10, s16, s22, $0xb8;
	[tilespmem:$0x1E980] =	vst v63  }
0x1c0: {  	_ =	swait.ge [sflag:s10], $0x1400  }
0x1c1: {  	[sflag:s10] =	ssyncset.done $0x0  }
0x1c2: {  	[sflag:s10] =	ssyncadd.s32 $0xFFFFEC00  }
0x1c3: {  	_ =	swait.ge [sflag:s10], $0x280  }
0x1c4: {  	[sflag:s10] =	ssyncset.done $0x0  }
0x1c5: {  	[sflag:s10] =	ssyncadd.s32 $0xFFFFFD80  }
0x1c6: {  	[bflag:$0x0] =	sbarrier.arrive $0xFFFF  }
0x1c7: {  	s18 =	rddreg [dreg:$0x6]  }
0x1c8: {  	s0 =	rddreg [dreg:$0x9]  }
0x1c9: {  	s11 =	simm.s32 $0x5;
	s3 =	rddreg [dreg:$0xc]  }
0x1ca: {  	[hbm:s0], [sflag:s18] =	dma.local [spmem:s3], $0x2800  }
0x1cb: {  	_ =	swait.ge [sflag:s11], $0x2800  }
0x1cc: {  	[sflag:s11] =	ssyncset.done $0x0;
	s21 =	rddreg [dreg:$0xa]  }
0x1cd: {  	s19 =	rddreg [dreg:$0xd];
	[sflag:s11] =	ssyncadd.s32 $0xFFFFD800  }
0x1ce: {  	[hbm:s21], [sflag:s18] =	dma.local [spmem:s19], $0x280  }
0x1cf: {  	_ =	swait.ge [sflag:s11], $0x280  }
0x1d0: {  	s20 =	rddreg [dreg:$0xe]  }
0x1d1: {  	s23 =	rddreg [dreg:$0xb];
	s20 =	sadd.s32 $0x1, s20  }
0x1d2: {  	p0 =	sne.s32 s20, s23  }
.Ltmp3:
0x1d3: {  	_ = 	snop;
	(pc) =	sbr.rel @p0 .LBB2_1-.Ltmp3, $3  }
0x1d4: {  	_ =	sdelay $0x1  }
0x1d5: {  	[sflag:s11] =	ssyncset.done $0x0  }
0x1d6: {  	[sflag:s11] =	ssyncadd.s32 $0xFFFFFD80  }
0x1d7: {  	_ =	sfence.sel $0x180000  }
0x1d8: {  	[bflag:$0x0] =	sbarrier.arrive $0xFFFF  }
0x1d9: {  	_ =	strace $0x9000004A  }
0x1da: {  	s0 =	stileid.u32;
	[bflag:$0x2] =	sbarrier.arrive $0xFFFF  }
0x1db: {  	p0 =	sne.s32 s0, $0x0;
	s0 =	rddreg [dreg:$0x3]  }
0x1dc: {  	s0 =	sadd.s32 @!p0 $0x100000, s0  }
0x1dd: {  	[sflag:s0] =	ssyncadd.tile.s32 @!p0 $0x1;
	_ =	shalt  }
.Lfunc_end2:
_tile_overlayer_lowered:
.L_overlay_start_2:
0x1de: {  	(tag) =	ssettag $0x2  }
0x1df: {  	s0 =	rddreg [dreg:$0x0];
	s2 =	stileid.u32  }
0x1e0: {  	s1 =	rddreg [dreg:$0x1];
	p0 =	sne.s32 s2, $0x0  }
0x1e1: {  	s3 =	rddreg [dreg:$0x2];
	[bflag:$0x3] =	sbarrier.arrive $0xFFFF;
	s2 =	simm.s32 @!p0 $0x1C05  }
0x1e2: {  	[timem:s3], [sflag:s2] =	dma.local @!p0 [hbm:s0], s1  }
0x1e3: {  	s0 =	simm.s32 @!p0 $0x5  }
0x1e4: {  	_ =	swait.ge @!p0 [sflag:s0], s1  }
0x1e5: {  	s1 =	ssub.s32 @!p0 $0x0, s1;
	[sflag:s0] =	ssyncset.done @!p0 $0x0  }
0x1e6: {  	[sflag:s0] =	ssyncadd.s32 @!p0 s1  }
0x1e7: {  	[bflag:$0x3] =	sbarrier.arrive $0xFFFF  }
0x1e8: {  	_ =	shalt  }

// kernel: kernel.3.cloned.1.call-start
scs
__scs_entry_jumppad:
0x0: {  	(pc) =	sbr.rel $0x88, $3  }
0x1: {  	(tag) =	ssettag $0x0;
	lr =	simm.s32 $0x1  }
0x2: {  	[smem:$0x3F97] =	sst lr;
	_ =	strace $0xD0000000  }
0x3: {  	_ = 	snop  }
0x4: {  	_ = 	snop  }
0x5: {  	_ = 	snop  }
0x6: {  	_ = 	snop  }
0x7: {  	_ = 	snop  }
__scs_overlays_trampoline_lowered:
0x8: {  	[smem:$0x3FA6] =	sst s0  }
0x9: {  	[smem:$0x3FA7] =	sst s1  }
0xa: {  	[smem:$0x3FA8] =	sst s2  }
0xb: {  	[smem:$0x3FA9] =	sst s3  }
0xc: {  	[smem:$0x3FAA] =	sst s4  }
0xd: {  	[smem:$0x3FAB] =	sst s5  }
0xe: {  	[smem:$0x3FAC] =	sst s6  }
0xf: {  	[smem:$0x3FAD] =	sst s7  }
0x10: {  	[smem:$0x3FAE] =	sst s8  }
0x11: {  	[smem:$0x3FAF] =	sst s9;
	s0 =	simm.s32 @!p0 $0x0  }
0x12: {  	s1 =	sld [smem:$0x3F95];
	s0 =	simm.s32 @p0 $0x1  }
0x13: {  	[smem:$0x3FB0] =	sst s0;
	s0 =	simm.s32 @!p1 $0x0  }
0x14: {  	s2 =	sld [smem:$0x3F94];
	s0 =	simm.s32 @p1 $0x1  }
0x15: {  	[smem:$0x3FB1] =	sst s0;
	s0 =	simm.s32 @!p2 $0x0  }
0x16: {  	s3 =	sld [smem:$0x3FDB];
	s0 =	simm.s32 @p2 $0x1  }
0x17: {  	s4 =	simm.s32 $0x1BF5;
	[smem:$0x3FB3] =	sst s0  }
0x18: {  	s0 =	sld [smem:$0x3F96];
	_ =	swait.ge [sflag:s4], $0x0  }
0x19: {  	s7 =	sld [smem:$0x3F97]  }
0x1a: {  	s8 =	sadd.s32 $0xFFFFE003, lr  }
0x1b: {  	s9 =	sadd.s32 $0xFFFFFEF7, lr;
	s5 =	simm.s32 $0xFFFFFFFF;
	p2 =	slt.u32 s8, $0xFFFFF086  }
0x1c: {  	p1 =	slt.u32 s9, $0xF7A;
	s5 =	simm.s32 @!p2 $0x0  }
0x1d: {  	s5 =	simm.s32 @p1 $0x1;
	p0 =	seq.s32 s7, s2  }
0x1e: {  	s7 =	smul.u32 @!p0 $0xF7A, s2;
	p2 =	seq.s32 @!p0 s5, $0x0  }
0x1f: {  	s9 =	smul.u32 $0xF7A, s1;
	s8 =	simm.s32 @!p0 $0x1BF5;
	p2 =	por !p2, p0  }
0x20: {  	[sflag:s8] =	ssyncset.s32 @!p0 $0xFFFFF086;
	s6 =	sadd.s32 @!p0 s3, s7;
	s7 =	simm.s32 @!p0 $0x108  }
0x21: {  	s3 =	sadd.s32 s3, s9;
	s6 =	sadd.s32 @!p0 $0x88, s6;
	s7 =	simm.s32 @p2 $0x1082  }
0x22: {  	[simem:s7], [sflag:s8] =	dma.local @!p0 [hbm:s6], $0xF7A  }
0x23: {  	s9 =	sor.u32 $0xD0000000, s2;
	s6 =	simm.s32 $0x108;
	_ =	swait.ge @!p0 [sflag:s8], $0x0  }
0x24: {  	s3 =	sadd.s32 $0x88, s3;
	s6 =	simm.s32 @!p1 $0x1082;
	[sflag:s4] =	ssyncset.s32 $0xFFFFF086  }
0x25: {  	[simem:s6], [sflag:s4] =	dma.local [hbm:s3], $0xF7A  }
0x26: {  	[smem:$0x3F97] =	sst s1;
	(tag) =	ssettag s2;
	_ =	strace s9  }
0x27: {  	s1 =	sld [smem:$0x3FA7]  }
0x28: {  	s2 =	sld [smem:$0x3FA8]  }
0x29: {  	s4 =	sld [smem:$0x3FAA]  }
0x2a: {  	p0 =	seq.s32 s5, $0x0;
	s5 =	sld [smem:$0x3FAB]  }
0x2b: {  	s6 =	sld [smem:$0x3FAC]  }
0x2c: {  	s7 =	sld [smem:$0x3FAD]  }
0x2d: {  	s3 =	simm.s32 $0x108;
	s8 =	sld [smem:$0x3FAE]  }
0x2e: {  	s3 =	simm.s32 @!p0 $0x1082;
	s9 =	sld [smem:$0x3FAF]  }
0x2f: {  	lr =	sadd.s32 s0, s3;
	s0 =	sld [smem:$0x3FA6]  }
0x30: {  	s3 =	sld [smem:$0x3FA9]  }
0x31: {  	[smem:$0x3FB2] =	sst s10  }
0x32: {  	s10 =	sld [smem:$0x3FB0];
	_ =	sdelay $0x3  }
0x33: {  	p0 =	seq.s32 s10, $0x1;
	s10 =	sld [smem:$0x3FB2];
	_ =	sdelay $0x3  }
0x34: {  	[smem:$0x3FB2] =	sst s10  }
0x35: {  	s10 =	sld [smem:$0x3FB1];
	_ =	sdelay $0x3  }
0x36: {  	p1 =	seq.s32 s10, $0x1;
	s10 =	sld [smem:$0x3FB2];
	_ =	sdelay $0x3  }
0x37: {  	[smem:$0x3FB2] =	sst s10  }
0x38: {  	s10 =	sld [smem:$0x3FB3]  }
0x39: {  	_ = 	snop;
	(pc) =	sbr.ind lr, $3  }
0x3a: {  	_ = 	snop  }
0x3b: {  	_ = 	snop  }
0x3c: {  	p2 =	seq.s32 s10, $0x1;
	s10 =	sld [smem:$0x3FB2]  }
0x3d: {  	_ =	shalt  }
0x3e: {  	_ =	shalt  }
0x3f: {  	_ =	shalt  }
0x40: {  	_ =	shalt  }
0x41: {  	_ =	shalt  }
0x42: {  	_ =	shalt  }
0x43: {  	_ =	shalt  }
0x44: {  	_ =	shalt  }
0x45: {  	_ =	shalt  }
0x46: {  	_ =	shalt  }
0x47: {  	_ =	shalt  }
0x48: {  	_ =	shalt  }
0x49: {  	_ =	shalt  }
0x4a: {  	_ =	shalt  }
0x4b: {  	_ =	shalt  }
0x4c: {  	_ =	shalt  }
0x4d: {  	_ =	shalt  }
0x4e: {  	_ =	shalt  }
0x4f: {  	_ =	shalt  }
0x50: {  	_ =	shalt  }
0x51: {  	_ =	shalt  }
0x52: {  	_ =	shalt  }
0x53: {  	_ =	shalt  }
0x54: {  	_ =	shalt  }
0x55: {  	_ =	shalt  }
0x56: {  	_ =	shalt  }
0x57: {  	_ =	shalt  }
0x58: {  	_ =	shalt  }
0x59: {  	_ =	shalt  }
0x5a: {  	_ =	shalt  }
0x5b: {  	_ =	shalt  }
0x5c: {  	_ =	shalt  }
0x5d: {  	_ =	shalt  }
0x5e: {  	_ =	shalt  }
0x5f: {  	_ =	shalt  }
0x60: {  	_ =	shalt  }
0x61: {  	_ =	shalt  }
0x62: {  	_ =	shalt  }
0x63: {  	_ =	shalt  }
0x64: {  	_ =	shalt  }
0x65: {  	_ =	shalt  }
0x66: {  	_ =	shalt  }
0x67: {  	_ =	shalt  }
0x68: {  	_ =	shalt  }
0x69: {  	_ =	shalt  }
0x6a: {  	_ =	shalt  }
0x6b: {  	_ =	shalt  }
0x6c: {  	_ =	shalt  }
0x6d: {  	_ =	shalt  }
0x6e: {  	_ =	shalt  }
0x6f: {  	_ =	shalt  }
0x70: {  	_ =	shalt  }
0x71: {  	_ =	shalt  }
0x72: {  	_ =	shalt  }
0x73: {  	_ =	shalt  }
0x74: {  	_ =	shalt  }
0x75: {  	_ =	shalt  }
0x76: {  	_ =	shalt  }
0x77: {  	_ =	shalt  }
0x78: {  	_ =	shalt  }
0x79: {  	_ =	shalt  }
0x7a: {  	_ =	shalt  }
0x7b: {  	_ =	shalt  }
0x7c: {  	_ =	shalt  }
0x7d: {  	_ =	shalt  }
0x7e: {  	_ =	shalt  }
0x7f: {  	_ =	shalt  }
0x80: {  	_ =	shalt  }
0x81: {  	_ =	shalt  }
0x82: {  	_ =	shalt  }
0x83: {  	_ =	shalt  }
0x84: {  	_ =	shalt  }
0x85: {  	_ =	shalt  }
0x86: {  	_ =	shalt  }
0x87: {  	_ =	shalt  }
.Lfunc_end0:
.L_simem_size_0:
called_computation.1_lowered:
.L_overlay_start_0:
0x88: {  	s2 =	sld [smem:$0x3FD9]  }
0x89: {  	s3 =	sld [smem:$0x3FFE];
	_ =	sdelay $0x1  }
0x8a: {  	s1 =	srdreg.scid  }
0x8b: {  	s0 =	sand.u32 $0x1, s1  }
0x8c: {  	s17 =	sshll.u32 s0, $0xA;
	s2 =	sadd.s32 s3, s2  }
0x8d: {  	s2 =	sadd.s32 s2, s17  }
0x8e: {  	[smem:$0x3FBE] =	sst s2  }
0x8f: {  	_ = 	snop  }
0x90: {  	s2 =	sld [smem:$0x3FC6];
	(tm) =	ssettm $0x1  }
0x91: {  	s18 =	sld [smem:$0x3FFB];
	_ =	sdelay $0x3  }
0x92: {  	_ =	strace s18  }
0x93: {  	s3 =	sld [smem:$0x3FFC];
	_ =	sdelay $0x3  }
0x94: {  	_ =	strace s3  }
0x95: {  	s3 =	sld [smem:$0x3FFD];
	_ =	sdelay $0x3  }
0x96: {  	_ =	strace s3  }
0x97: {  	_ =	strace $0x8FFFFFFF  }
0x98: {  	s19 =	sld [smem:$0x3FDB];
	_ =	sdelay $0x1  }
0x99: {  	s4 =	simm.s32 $_scs_section_size  }
0x9a: {  	s5 =	simm.s32 $_size__tile_overlayer_lowered;
	s6 =	simm.s32 $_tile_overlayer_lowered  }
0x9b: {  	s22 =	simm.s32 $0x1BFF;
	s21 =	sshll.u32 s6, $0x1;
	s3 =	sadd.s32 s4, s19  }
0x9c: {  	s7 =	simm.s32 $0x0;
	s20 =	sshll.u32 s5, $0x1;
	s5 =	sadd.s32 s21, s3  }
0x9d: {  	[timem:s7], [sflag:s22] =	dma.local [hbm:s5], s20  }
0x9e: {  	_ =	swait.ge [sflag:s22], s20  }
0x9f: {  	s4 =	ssub.s32 $0x0, s20;
	[sflag:s22] =	ssyncset.done $0x0  }
0xa0: {  	[sflag:s22] =	ssyncadd.s32 s4;
	_ =	sdelay $0x1  }
0xa1: {  	s23 =	simm.s32 $0x1B8B  }
0xa2: {  	_ =	swait.ge [sflag:s23], $0x1  }
0xa3: {  	[sflag:s23] =	ssyncset.done $0x0  }
0xa4: {  	s25 =	simm.s32 $0x1B8E;
	s24 =	sld [smem:$0x3FFE];
	[sflag:s23] =	ssyncadd.s32 $0xFFFFFFFF  }
0xa5: {  	s26 =	simm.s32 $execute0_lowered;
	[smem:$0x3FD2] =	sst s25  }
0xa6: {  	s5 =	sshll.u32 s26, $0x1;
	_ =	strace $0x80000046;
	[dreg:$0x1] =	wrdreg $0xFFFFFFFF  }
0xa7: {  	s28 =	simm.s32 $_size_execute0_lowered;
	s3 =	sadd.s32 s3, s5;
	[dreg:$0x0] =	wrdreg $0x0  }
0xa8: {  	s5 =	sshll.u32 s28, $0x1;
	[dreg:$0x2] =	wrdreg s3  }
0xa9: {  	[dreg:$0x3] =	wrdreg s5  }
0xaa: {  	[dreg:$0x4] =	wrdreg $0xC0  }
0xab: {  	_ =	task [dreg:s7], $0x5FFFF  }
0xac: {  	[dreg:$0x1] =	wrdreg $0xFFFFFFFF  }
0xad: {  	[dreg:$0x0] =	wrdreg $0x60  }
0xae: {  	[dreg:$0x2] =	wrdreg s24  }
0xaf: {  	[dreg:$0x3] =	wrdreg s2  }
0xb0: {  	[dreg:$0x4] =	wrdreg $0x9  }
0xb1: {  	_ =	task.clear_ibuf [dreg:s7], $0x5FFFF;
	_ =	strace $0x90000046  }
0xb2: {  	s29 =	simm.s32 $0x9;
	_ =	strace $0x80000048  }
0xb3: {  	_ =	swait.ge [sflag:s29], $0x1  }
0xb4: {  	[sflag:s29] =	ssyncadd.s32 $0xFFFFFFFF  }
0xb5: {  	_ =	strace $0x90000048  }
0xb6: {  	_ =	sfence  }
0xb7: {  	s30 =	sld [smem:$0x0];
	_ =	sdelay $0x2  }
0xb8: {  	s31 =	sshll.u32 s1, $0xD;
	s1 =	sshrl.u32 s1, $0x2  }
0xb9: {  	s3 =	sand.u32 $0x4000, s31;
	s1 =	sadd.s32 s1, s30  }
0xba: {  	s0 =	sor.u32 s3, s0;
	s1 =	sshll.u32 s1, $0x11  }
0xbb: {  	s0 =	sor.u32 s1, s0  }
0xbc: {  	s0 =	sadd.s32 $0x8F2B, s0  }
0xbd: {  	[sflag:s0] =	ssyncadd.remote.s32 $0x1  }
0xbe: {  	_ =	sfence.sel $0xFFFF  }
0xbf: {  	[dreg:$0x0] =	wrdreg $0xFFFFFFFF;
	(pc) =	sbr.abs _section_cstart, $3  }
0xc0: {  	[dreg:$0x1] =	wrdreg $0xFFFFFFFF  }
0xc1: {  	_ =	task.clear_ibuf [dreg:s7], $0x2FFFF;
	_ =	strace $0x9FFFFFFF  }
0xc2: {  	(tm) =	ssettm $0x7FFFFFFF  }
0xc3: {  	_ =	shalt  }
tec
execute0_lowered:
.L_overlay_start_1:
0x0: {  	(tag) =	ssettag $0x1  }
0x1: {  	s1 =	srdreg.scid;
	s0 =	stileid.u32  }
0x2: {  	s9 =	rddreg [dreg:$0x0];
	s6 =	sand.u32 $0x1, s1;
	s30 =	sshll.u32 s0, $0x1  }
0x3: {  	s2 =	rddreg [dreg:$0x1];
	s7 =	sor.u32 s6, s30  }
0x4: {  	s3 =	simm.s32 $0x0;
	s1 =	rddreg [dreg:$0x2];
	s4 =	smul.u32 $0x28, s7  }
0x5: {  	s8 =	simm.s32 $0x1;
	[smem:$0x7FF] =	sst s3  }
0x6: {  	_ =	strace $0x80000047;
	s11 =	ssub.s32 $0x2, s6;
	s4 =	sadd.s32 s4, s9  }
0x7: {  	s6 =	simm.s32 $0x140;
	s5 =	sadd.s32 $0x3800, s4;
	s4 =	simm.s32 $0x2  }
0x8: {  	[tilespmem:s3], [sflag:$0x2] =	stream.linear.gather [hbm4b:s5+s3], $0x140, $0x38;
	[tilespmem:$0xA180] =	vst v63  }
0x9: {  	s10 =	smul.u32 $0x1400, s7;
	s12 =	sshrl.u32 s11, $0x1;
	_ =	swait.ge [sflag:s4], $0x140  }
0xa: {  	s7 =	simm.s32 $0x180;
	s31 =	ssub.s32 s11, s12;
	[sflag:s4] =	ssyncset.done $0x0  }
0xb: {  	s9 =	sadd.s32 s10, s9;
	s10 =	smax.u32 s31, $0x1;
	[sflag:s4] =	ssyncadd.s32 $0xFFFFFEC0  }
0xc: {  	[tilespmem:s7], [sflag:$0x1] =	stream.indirect.gather [hbm4b:s2+s6], $0x80, s3, s6, $0xb8;
	[tilespmem:$0xA180] =	vst v63  }
0xd: {  	p0 =	sne.s32 s10, $0x1;
	_ =	swait.ge [sflag:s8], $0xA000  }
.Ltmp0:
0xe: {  	[sflag:s8] =	ssyncset.done $0x0;
	(pc) =	sbr.rel @!p0 .LBB2_2-.Ltmp0, $4  }
0xf: {  	s9 =	sadd.s32 $0x3E00, s9;
	[sflag:s8] =	ssyncadd.s32 $0xFFFF6000  }
0x10: {  	[hbm4b:s9+s3] =	stream.linear.scatter [tilespmem:s7], [sflag:$0x2], $0xA000, $0x38;
	[tilespmem:$0xA180] =	vst v63  }
0x11: {  	_ =	swait.ge [sflag:s4], $0xA000  }
0x12: {  	s10 =	sadd.s32 $0xFFFFFFFF, s10;
	[sflag:s4] =	ssyncset.done $0x0  }
.LBB2_1:
0x13: {  	p0 =	sne.s32 s10, $0x1;
	s10 =	sadd.s32 $0xFFFFFFFF, s10;
	[sflag:s4] =	ssyncadd.s32 $0xFFFF6000  }
0x14: {  	[tilespmem:s3], [sflag:$0x2] =	stream.linear.gather [hbm4b:s5+s3], $0x140, $0x38;
	[tilespmem:$0xA180] =	vst v63  }
0x15: {  	_ =	swait.ge [sflag:s4], $0x140  }
0x16: {  	[sflag:s4] =	ssyncset.done $0x0  }
0x17: {  	[sflag:s4] =	ssyncadd.s32 $0xFFFFFEC0  }
0x18: {  	[tilespmem:s7], [sflag:$0x1] =	stream.indirect.gather [hbm4b:s2+s6], $0x80, s3, s6, $0xb8;
	[tilespmem:$0xA180] =	vst v63  }
0x19: {  	_ =	swait.ge [sflag:s8], $0xA000  }
.Ltmp1:
0x1a: {  	[sflag:s8] =	ssyncset.done $0x0;
	(pc) =	sbr.rel @p0 .LBB2_1-.Ltmp1, $4  }
0x1b: {  	[sflag:s8] =	ssyncadd.s32 $0xFFFF6000  }
0x1c: {  	[hbm4b:s9+s3] =	stream.linear.scatter [tilespmem:s7], [sflag:$0x2], $0xA000, $0x38;
	[tilespmem:$0xA180] =	vst v63  }
0x1d: {  	_ =	swait.ge [sflag:s4], $0xA000  }
0x1e: {  	[sflag:s4] =	ssyncset.done $0x0  }
.LBB2_2:
0x1f: {  	[sflag:s4] =	ssyncadd.s32 $0xFFFF6000  }
0x20: {  	_ =	sfence.sel $0x180000  }
0x21: {  	[bflag:$0x0] =	sbarrier.arrive $0xFFFF  }
0x22: {  	p0 =	sne.s32 s0, $0x0;
	_ =	strace $0x90000047  }
0x23: {  	s0 =	sadd.s32 @!p0 $0x100000, s1;
	[bflag:$0x2] =	sbarrier.arrive $0xFFFF  }
0x24: {  	[sflag:s0] =	ssyncadd.tile.s32 @!p0 $0x1;
	_ =	shalt  }
.Lfunc_end2:
_tile_overlayer_lowered:
.L_overlay_start_2:
0x25: {  	(tag) =	ssettag $0x2  }
0x26: {  	s0 =	rddreg [dreg:$0x0];
	s2 =	stileid.u32  }
0x27: {  	s1 =	rddreg [dreg:$0x1];
	p0 =	sne.s32 s2, $0x0  }
0x28: {  	s3 =	rddreg [dreg:$0x2];
	[bflag:$0x3] =	sbarrier.arrive $0xFFFF;
	s2 =	simm.s32 @!p0 $0x1C02  }
0x29: {  	[timem:s3], [sflag:s2] =	dma.local @!p0 [hbm:s0], s1  }
0x2a: {  	s0 =	simm.s32 @!p0 $0x2  }
0x2b: {  	_ =	swait.ge @!p0 [sflag:s0], s1  }
0x2c: {  	s1 =	ssub.s32 @!p0 $0x0, s1;
	[sflag:s0] =	ssyncset.done @!p0 $0x0  }
0x2d: {  	[sflag:s0] =	ssyncadd.s32 @!p0 s1  }
0x2e: {  	[bflag:$0x3] =	sbarrier.arrive $0xFFFF  }
0x2f: {  	_ =	shalt  }

</sc_bundles>
